<compile_context>
chip_gen: v7x
topology: tpu7x:2x2x1
jax: 0.10.2.dev20260603
libtpu: 0.0.44.dev20260713+nightly
codegen_flags: <defaults>
</compile_context>

<pallas_src>
import functools

import jax
import jax.numpy as jnp
from jax import lax
from jax.experimental import pallas as pl
from jax.experimental.pallas import tpu as pltpu
from jax.experimental.pallas import tpu_sc as plsc

N = 10000
E = 320000
D = 128

NC = 2
NS = 16
NW = NC * NS
CHUNK = 128
BLK = 16
NBLK_PAIR = 10
NBLK0 = 8
NBLK1 = NBLK_PAIR - NBLK0
E_PAD = NS * NBLK_PAIR * BLK * CHUNK
ACC_ROWS = 10240
ZROWS = 640


def _sc_segment_sum(src_hbm, dst_hbm, x_hbm, zeros_hbm, out_hbm,
                    srcbuf, dstbuf, rows, accum, sem_a, sem_b, sem_i):
  cid = lax.axis_index("c")
  sid = lax.axis_index("s")

  pltpu.sync_copy(zeros_hbm, accum.at[pl.ds(sid * ZROWS, ZROWS)])

  blk0 = cid * NBLK0
  nblk = jnp.where(cid == 0, NBLK0, NBLK1)

  pltpu.sync_copy(src_hbm.at[sid, blk0], srcbuf.at[0])
  pltpu.sync_copy(dst_hbm.at[sid, blk0], dstbuf.at[0])
  plsc.subcore_barrier()

  pltpu.async_copy(x_hbm.at[srcbuf.at[0, 0]], rows.at[0], sem_a)
  pltpu.async_copy(x_hbm.at[srcbuf.at[0, 1]], rows.at[1], sem_b)

  def block(b, carry):
    bs = lax.rem(b, 2)
    nbs = lax.rem(b + 1, 2)
    not_last = b + 1 < nblk

    @pl.when(not_last)
    def _():
      pltpu.async_copy(src_hbm.at[sid, blk0 + b + 1], srcbuf.at[nbs], sem_i)
      pltpu.async_copy(dst_hbm.at[sid, blk0 + b + 1], dstbuf.at[nbs], sem_i)

    for p in range(BLK // 2):
      k0, k1 = 2 * p, 2 * p + 1
      if p == BLK // 2 - 1:
        @pl.when(not_last)
        def _():
          pltpu.make_async_copy(src_hbm.at[sid, blk0 + b + 1],
                                srcbuf.at[nbs], sem_i).wait()
          pltpu.make_async_copy(dst_hbm.at[sid, blk0 + b + 1],
                                dstbuf.at[nbs], sem_i).wait()

      pltpu.make_async_copy(x_hbm.at[srcbuf.at[bs, k0]], rows.at[0],
                            sem_a).wait()
      pltpu.sync_copy(rows.at[0], accum.at[dstbuf.at[bs, k0]], add=True)
      if p == BLK // 2 - 1:
        @pl.when(not_last)
        def _():
          pltpu.async_copy(x_hbm.at[srcbuf.at[nbs, 0]], rows.at[0], sem_a)
      else:
        pltpu.async_copy(x_hbm.at[srcbuf.at[bs, k0 + 2]], rows.at[0], sem_a)

      pltpu.make_async_copy(x_hbm.at[srcbuf.at[bs, k1]], rows.at[1],
                            sem_b).wait()
      pltpu.sync_copy(rows.at[1], accum.at[dstbuf.at[bs, k1]], add=True)
      if p == BLK // 2 - 1:
        @pl.when(not_last)
        def _():
          pltpu.async_copy(x_hbm.at[srcbuf.at[nbs, 1]], rows.at[1], sem_b)
      else:
        pltpu.async_copy(x_hbm.at[srcbuf.at[bs, k1 + 2]], rows.at[1], sem_b)

    return carry

  lax.fori_loop(0, nblk, block, None)
  plsc.subcore_barrier()

  @pl.when(sid < 15)
  def _():
    pltpu.sync_copy(accum.at[pl.ds(sid * 624, 624)],
                    out_hbm.at[cid, pl.ds(sid * 624, 624)])

  @pl.when(sid == 15)
  def _():
    pltpu.sync_copy(accum.at[pl.ds(9360, 640)],
                    out_hbm.at[cid, pl.ds(9360, 640)])


_sc_seg_sum_call = functools.partial(
    pl.kernel,
    out_type=jax.ShapeDtypeStruct((NC, N, D), jnp.float32),
    mesh=plsc.VectorSubcoreMesh(core_axis_name="c", subcore_axis_name="s"),
    scratch_types=[
        pltpu.VMEM((2, BLK, CHUNK), jnp.int32),
        pltpu.VMEM((2, BLK, CHUNK), jnp.int32),
        pltpu.VMEM((2, CHUNK, D), jnp.float32),
        pltpu.VMEM_SHARED((ACC_ROWS, D), jnp.float32),
        pltpu.SemaphoreType.DMA,
        pltpu.SemaphoreType.DMA,
        pltpu.SemaphoreType.DMA,
    ],
)(_sc_segment_sum)


def _tc_rest(p_ref, wg_ref, ws1_ref, bs1_ref, ws2_ref, bs2_ref,
             wd1_ref, bd1_ref, g1_ref, be1_ref,
             wd2_ref, bd2_ref, g2_ref, be2_ref,
             wd3_ref, bd3_ref, out_ref):
  aggx = p_ref[0] + p_ref[1]
  agg = jnp.dot(aggx, wg_ref[...], preferred_element_type=jnp.float32,
                precision=jax.lax.Precision.HIGHEST)
  emb = jnp.maximum(agg, 0.0)

  summary = jnp.mean(emb, axis=0, keepdims=True)
  s1 = jnp.maximum(
      jnp.dot(summary, ws1_ref[...], preferred_element_type=jnp.float32)
      + bs1_ref[...], 0.0)
  summary = (jnp.dot(s1, ws2_ref[...], preferred_element_type=jnp.float32)
             + bs2_ref[...])

  z = emb * summary

  h1 = jnp.dot(z, wd1_ref[...], preferred_element_type=jnp.float32) + bd1_ref[...]
  mu1 = jnp.mean(h1, axis=0, keepdims=True)
  var1 = jnp.mean((h1 - mu1) ** 2, axis=0, keepdims=True)
  h1 = g1_ref[...] * (h1 - mu1) * jax.lax.rsqrt(var1 + 1e-5) + be1_ref[...]
  h1 = jnp.maximum(h1, 0.0)

  h2 = jnp.dot(h1, wd2_ref[...], preferred_element_type=jnp.float32) + bd2_ref[...]
  mu2 = jnp.mean(h2, axis=0, keepdims=True)
  var2 = jnp.mean((h2 - mu2) ** 2, axis=0, keepdims=True)
  h2 = g2_ref[...] * (h2 - mu2) * jax.lax.rsqrt(var2 + 1e-5) + be2_ref[...]
  h2 = jnp.maximum(h2, 0.0)

  out_ref[...] = (jnp.dot(h2, wd3_ref[...], preferred_element_type=jnp.float32)
                  + bd3_ref[...])


def kernel(x, edge_index, W_gnn, Ws1, bs1, Ws2, bs2, Wd1, bd1, g1, be1,
           Wd2, bd2, g2, be2, Wd3, bd3):
  src = edge_index[0]
  dst = edge_index[1]
  pad = E_PAD - E
  src_p = jnp.concatenate(
      [src, jnp.zeros((pad,), jnp.int32)]).reshape(NS, NBLK_PAIR, BLK, CHUNK)
  dst_p = jnp.concatenate(
      [dst, jnp.full((pad,), N, jnp.int32)]).reshape(NS, NBLK_PAIR, BLK, CHUNK)
  zeros = jnp.zeros((ZROWS, D), jnp.float32)

  partial = _sc_seg_sum_call(src_p, dst_p, x, zeros)

  out = pl.pallas_call(
      _tc_rest,
      out_shape=jax.ShapeDtypeStruct((N, 1), jnp.float32),
  )(partial, W_gnn, Ws1, bs1.reshape(1, D), Ws2, bs2.reshape(1, D),
    Wd1, bd1.reshape(1, 2 * D), g1.reshape(1, 2 * D), be1.reshape(1, 2 * D),
    Wd2, bd2.reshape(1, D), g2.reshape(1, D), be2.reshape(1, D),
    Wd3, bd3.reshape(1, 1))
  return out[:, 0]

# --- scband reference (transcript-rebuilt; emitter-appended) ---
"""Pipeline reference for scband-improved-dgi-6648609374955 (READ-ONLY COPY).

The authoritative reference and input builder live on the scoring server;
editing this copy changes nothing except your own understanding.
"""

import jax, jax.numpy as jnp
import numpy as np

N = 10000
E = 320000
D = 128  # hidden_channels == d_feat


def setup_inputs(seed: int = 0) -> dict:
    key = jax.random.key(seed)
    ks = jax.random.split(key, 20)
    s = 0.05
    x = jax.random.normal(ks[0], (N, D), dtype=jnp.float32)
    edge_index = jax.random.randint(ks[1], (2, E), 0, N, dtype=jnp.int32)
    # GNN encoder param (simple GCN-style layer standing in for gnn_model.get_node_embeddings)
    W_gnn = jax.random.normal(ks[2], (D, D), dtype=jnp.float32) * s
    # summary_function: Linear(D,D) -> ReLU -> Linear(D,D)
    Ws1 = jax.random.normal(ks[3], (D, D), dtype=jnp.float32) * s
    bs1 = jnp.zeros((D,), dtype=jnp.float32)
    Ws2 = jax.random.normal(ks[4], (D, D), dtype=jnp.float32) * s
    bs2 = jnp.zeros((D,), dtype=jnp.float32)
    # discriminator: Linear(D,2D)+BN+ReLU+Dropout -> Linear(2D,D)+BN+ReLU -> Linear(D,1)
    Wd1 = jax.random.normal(ks[5], (D, 2 * D), dtype=jnp.float32) * s
    bd1 = jnp.zeros((2 * D,), dtype=jnp.float32)
    g1 = jnp.ones((2 * D,), dtype=jnp.float32)
    be1 = jnp.zeros((2 * D,), dtype=jnp.float32)
    Wd2 = jax.random.normal(ks[6], (2 * D, D), dtype=jnp.float32) * s
    bd2 = jnp.zeros((D,), dtype=jnp.float32)
    g2 = jnp.ones((D,), dtype=jnp.float32)
    be2 = jnp.zeros((D,), dtype=jnp.float32)
    Wd3 = jax.random.normal(ks[7], (D, 1), dtype=jnp.float32) * s
    bd3 = jnp.zeros((1,), dtype=jnp.float32)
    return {"x": x, "edge_index": edge_index, "W_gnn": W_gnn, "Ws1": Ws1, "bs1": bs1,
            "Ws2": Ws2, "bs2": bs2, "Wd1": Wd1, "bd1": bd1, "g1": g1, "be1": be1,
            "Wd2": Wd2, "bd2": bd2, "g2": g2, "be2": be2, "Wd3": Wd3, "bd3": bd3}


def _bn(h, g, b):
    mu = jnp.mean(h, axis=0)
    var = jnp.mean((h - mu) ** 2, axis=0)
    return g * (h - mu) / jnp.sqrt(var + 1e-5) + b


def reference(x, edge_index, W_gnn, Ws1, bs1, Ws2, bs2, Wd1, bd1, g1, be1, Wd2, bd2, g2, be2, Wd3, bd3):
    src = edge_index[0]
    dst = edge_index[1]
    # gnn_model.get_node_embeddings: gather + scatter-add message passing
    h = x @ W_gnn
    agg = jax.ops.segment_sum(h[src], dst, num_segments=x.shape[0])
    emb = jax.nn.relu(agg)
    # batch=None -> all nodes in one graph -> global mean pool
    summary = jnp.mean(emb, axis=0, keepdims=True)
    # summary_function
    summary = jax.nn.relu(summary @ Ws1 + bs1) @ Ws2 + bs2
    # discriminator on node_embeddings * expanded summary
    z = emb * summary
    d = jax.nn.relu(_bn(z @ Wd1 + bd1, g1, be1))  # dropout is identity in eval
    d = jax.nn.relu(_bn(d @ Wd2 + bd2, g2, be2))
    scores = (d @ Wd3 + bd3)[:, 0]
    return scores

if __name__ == "__main__":
    import jax
    _d = setup_inputs()
    print(jax.jit(kernel)(*tuple(_d.values())))

</pallas_src>

<mosaic_0001>
#map = affine_map<(d0, d1) -> (0, 0, 0, 0)>
#map1 = affine_map<(d0, d1) -> (0, 0)>
#map2 = affine_map<(d0, d1) -> (0, 0, 0)>
module attributes {stable_mosaic.version = 14 : i64} {
  func.func @_sc_segment_sum(%arg0: i32, %arg1: i32, %arg2: memref<16x10x16x128xi32, #tpu.memory_space<hbm>>, %arg3: memref<16x10x16x128xi32, #tpu.memory_space<hbm>>, %arg4: memref<10000x128xf32, #tpu.memory_space<hbm>>, %arg5: memref<640x128xf32, #tpu.memory_space<hbm>>, %arg6: memref<2x10000x128xf32, #tpu.memory_space<hbm>>, %arg7: memref<2x16x128xi32, #tpu.memory_space<vmem>>, %arg8: memref<2x16x128xi32, #tpu.memory_space<vmem>>, %arg9: memref<2x128x128xf32, #tpu.memory_space<vmem>>, %arg10: memref<10240x128xf32, #tpu.memory_space<vmem_shared>>, %arg11: memref<!tpu.dma_semaphore, #tpu.memory_space<semaphore_mem>>, %arg12: memref<!tpu.dma_semaphore, #tpu.memory_space<semaphore_mem>>, %arg13: memref<!tpu.dma_semaphore, #tpu.memory_space<semaphore_mem>>) attributes {dimension_semantics = [#tpu.dimension_semantics<core_parallel>, #tpu.dimension_semantics<subcore_parallel>], iteration_bounds = array<i64: 2, 16>, scalar_prefetch = 0 : i64, scratch_operands = 7 : i64, tpu.core_type = #tpu.core_type<sc_vector_subcore>, window_params = [{transform_indices = #map}, {transform_indices = #map}, {transform_indices = #map1}, {transform_indices = #map1}, {transform_indices = #map2}]} {
    %mul3A = arith.constant 640 : i32
    %mul3A_0 = arith.muli %arg1, %mul3A : i32
    "tpu.region"() ({
      %run_scoped3A_47 = tpu.sem_alloc : memref<!tpu.dma_semaphore, #tpu.memory_space<semaphore_mem>>
      %dma_start3A_48 = arith.constant 0 : i32
      %dma_start3A_49 = tpu.memref_slice %arg10[%mul3A_0, %dma_start3A_48] : memref<10240x128xf32, #tpu.memory_space<vmem_shared>> -> memref<640x128xf32, #tpu.memory_space<vmem_shared>>
      tpu.enqueue_dma source(%arg5 : memref<640x128xf32, #tpu.memory_space<hbm>>) target(%dma_start3A_49 : memref<640x128xf32, #tpu.memory_space<vmem_shared>>) target_semaphore(%run_scoped3A_47 : memref<!tpu.dma_semaphore, #tpu.memory_space<semaphore_mem>>)
      %dma_wait3A = arith.constant 0 : i32
      %dma_wait3A_50 = tpu.memref_slice %arg10[%mul3A_0, %dma_wait3A] : memref<10240x128xf32, #tpu.memory_space<vmem_shared>> -> memref<640x128xf32, #tpu.memory_space<vmem_shared>>
      tpu.wait_dma2 semaphore(%run_scoped3A_47 : memref<!tpu.dma_semaphore, #tpu.memory_space<semaphore_mem>>) src(%arg5 : memref<640x128xf32, #tpu.memory_space<hbm>>) dst(%dma_wait3A_50 : memref<640x128xf32, #tpu.memory_space<vmem_shared>>)
      tpu.yield
    }) : () -> ()
    %mul3A_1 = arith.constant 8 : i32
    %mul3A_2 = arith.muli %arg0, %mul3A_1 : i32
    %eq3A = arith.constant 0 : i32
    %eq3A_3 = arith.cmpi eq, %arg0, %eq3A : i32
    %jit3A = arith.constant 8 : i32
    %jit3A_4 = arith.constant 2 : i32
    %select_n3A = arith.select %eq3A_3, %jit3A, %jit3A_4 : i32
    %run_scoped3A = arith.constant 0 : i32
    "tpu.region"() ({
      %run_scoped3A_47 = tpu.sem_alloc : memref<!tpu.dma_semaphore, #tpu.memory_space<semaphore_mem>>
      %dma_start3A_48 = arith.constant 0 : i32
      %dma_start3A_49 = arith.constant 0 : i32
      %dma_start3A_50 = tpu.memref_slice %arg7[%run_scoped3A, %dma_start3A_48, %dma_start3A_49] : memref<2x16x128xi32, #tpu.memory_space<vmem>> -> memref<1x16x128xi32, #tpu.memory_space<vmem>>
      %dma_start3A_51 = tpu.memref_squeeze %dma_start3A_50 : memref<1x16x128xi32, #tpu.memory_space<vmem>> -> memref<16x128xi32, #tpu.memory_space<vmem>>
      %dma_start3A_52 = arith.constant 0 : i32
      %dma_start3A_53 = arith.constant 0 : i32
      %dma_start3A_54 = tpu.memref_slice %arg2[%arg1, %mul3A_2, %dma_start3A_52, %dma_start3A_53] : memref<16x10x16x128xi32, #tpu.memory_space<hbm>> -> memref<1x1x16x128xi32, #tpu.memory_space<hbm>>
      %dma_start3A_55 = tpu.memref_squeeze %dma_start3A_54 : memref<1x1x16x128xi32, #tpu.memory_space<hbm>> -> memref<16x128xi32, #tpu.memory_space<hbm>>
      %dma_start3A_56 = arith.constant 0 : i32
      %dma_start3A_57 = arith.constant 0 : i32
      %dma_start3A_58 = tpu.memref_slice %arg7[%run_scoped3A, %dma_start3A_56, %dma_start3A_57] : memref<2x16x128xi32, #tpu.memory_space<vmem>> -> memref<1x16x128xi32, #tpu.memory_space<vmem>>
      %dma_start3A_59 = tpu.memref_squeeze %dma_start3A_58 : memref<1x16x128xi32, #tpu.memory_space<vmem>> -> memref<16x128xi32, #tpu.memory_space<vmem>>
      %dma_start3A_60 = arith.constant 0 : i32
      %dma_start3A_61 = arith.constant 0 : i32
      %dma_start3A_62 = tpu.memref_slice %arg2[%arg1, %mul3A_2, %dma_start3A_60, %dma_start3A_61] : memref<16x10x16x128xi32, #tpu.memory_space<hbm>> -> memref<1x1x16x128xi32, #tpu.memory_space<hbm>>
      %dma_start3A_63 = tpu.memref_squeeze %dma_start3A_62 : memref<1x1x16x128xi32, #tpu.memory_space<hbm>> -> memref<16x128xi32, #tpu.memory_space<hbm>>
      tpu.enqueue_dma source(%dma_start3A_63 : memref<16x128xi32, #tpu.memory_space<hbm>>) target(%dma_start3A_59 : memref<16x128xi32, #tpu.memory_space<vmem>>) target_semaphore(%run_scoped3A_47 : memref<!tpu.dma_semaphore, #tpu.memory_space<semaphore_mem>>)
      %dma_wait3A = arith.constant 0 : i32
      %dma_wait3A_64 = arith.constant 0 : i32
      %dma_wait3A_65 = tpu.memref_slice %arg7[%run_scoped3A, %dma_wait3A, %dma_wait3A_64] : memref<2x16x128xi32, #tpu.memory_space<vmem>> -> memref<1x16x128xi32, #tpu.memory_space<vmem>>
      %dma_wait3A_66 = tpu.memref_squeeze %dma_wait3A_65 : memref<1x16x128xi32, #tpu.memory_space<vmem>> -> memref<16x128xi32, #tpu.memory_space<vmem>>
      %dma_wait3A_67 = arith.constant 0 : i32
      %dma_wait3A_68 = arith.constant 0 : i32
      %dma_wait3A_69 = tpu.memref_slice %arg2[%arg1, %mul3A_2, %dma_wait3A_67, %dma_wait3A_68] : memref<16x10x16x128xi32, #tpu.memory_space<hbm>> -> memref<1x1x16x128xi32, #tpu.memory_space<hbm>>
      %dma_wait3A_70 = tpu.memref_squeeze %dma_wait3A_69 : memref<1x1x16x128xi32, #tpu.memory_space<hbm>> -> memref<16x128xi32, #tpu.memory_space<hbm>>
      %dma_wait3A_71 = arith.constant 0 : i32
      %dma_wait3A_72 = arith.constant 0 : i32
      %dma_wait3A_73 = tpu.memref_slice %arg7[%run_scoped3A, %dma_wait3A_71, %dma_wait3A_72] : memref<2x16x128xi32, #tpu.memory_space<vmem>> -> memref<1x16x128xi32, #tpu.memory_space<vmem>>
      %dma_wait3A_74 = tpu.memref_squeeze %dma_wait3A_73 : memref<1x16x128xi32, #tpu.memory_space<vmem>> -> memref<16x128xi32, #tpu.memory_space<vmem>>
      %dma_wait3A_75 = arith.constant 0 : i32
      %dma_wait3A_76 = arith.constant 0 : i32
      %dma_wait3A_77 = tpu.memref_slice %arg2[%arg1, %mul3A_2, %dma_wait3A_75, %dma_wait3A_76] : memref<16x10x16x128xi32, #tpu.memory_space<hbm>> -> memref<1x1x16x128xi32, #tpu.memory_space<hbm>>
      %dma_wait3A_78 = tpu.memref_squeeze %dma_wait3A_77 : memref<1x1x16x128xi32, #tpu.memory_space<hbm>> -> memref<16x128xi32, #tpu.memory_space<hbm>>
      tpu.wait_dma2 semaphore(%run_scoped3A_47 : memref<!tpu.dma_semaphore, #tpu.memory_space<semaphore_mem>>) src(%dma_wait3A_78 : memref<16x128xi32, #tpu.memory_space<hbm>>) dst(%dma_wait3A_74 : memref<16x128xi32, #tpu.memory_space<vmem>>)
      tpu.yield
    }) : () -> ()
    %run_scoped3A_5 = arith.constant 0 : i32
    "tpu.region"() ({
      %run_scoped3A_47 = tpu.sem_alloc : memref<!tpu.dma_semaphore, #tpu.memory_space<semaphore_mem>>
      %dma_start3A_48 = arith.constant 0 : i32
      %dma_start3A_49 = arith.constant 0 : i32
      %dma_start3A_50 = tpu.memref_slice %arg8[%run_scoped3A_5, %dma_start3A_48, %dma_start3A_49] : memref<2x16x128xi32, #tpu.memory_space<vmem>> -> memref<1x16x128xi32, #tpu.memory_space<vmem>>
      %dma_start3A_51 = tpu.memref_squeeze %dma_start3A_50 : memref<1x16x128xi32, #tpu.memory_space<vmem>> -> memref<16x128xi32, #tpu.memory_space<vmem>>
      %dma_start3A_52 = arith.constant 0 : i32
      %dma_start3A_53 = arith.constant 0 : i32
      %dma_start3A_54 = tpu.memref_slice %arg3[%arg1, %mul3A_2, %dma_start3A_52, %dma_start3A_53] : memref<16x10x16x128xi32, #tpu.memory_space<hbm>> -> memref<1x1x16x128xi32, #tpu.memory_space<hbm>>
      %dma_start3A_55 = tpu.memref_squeeze %dma_start3A_54 : memref<1x1x16x128xi32, #tpu.memory_space<hbm>> -> memref<16x128xi32, #tpu.memory_space<hbm>>
      %dma_start3A_56 = arith.constant 0 : i32
      %dma_start3A_57 = arith.constant 0 : i32
      %dma_start3A_58 = tpu.memref_slice %arg8[%run_scoped3A_5, %dma_start3A_56, %dma_start3A_57] : memref<2x16x128xi32, #tpu.memory_space<vmem>> -> memref<1x16x128xi32, #tpu.memory_space<vmem>>
      %dma_start3A_59 = tpu.memref_squeeze %dma_start3A_58 : memref<1x16x128xi32, #tpu.memory_space<vmem>> -> memref<16x128xi32, #tpu.memory_space<vmem>>
      %dma_start3A_60 = arith.constant 0 : i32
      %dma_start3A_61 = arith.constant 0 : i32
      %dma_start3A_62 = tpu.memref_slice %arg3[%arg1, %mul3A_2, %dma_start3A_60, %dma_start3A_61] : memref<16x10x16x128xi32, #tpu.memory_space<hbm>> -> memref<1x1x16x128xi32, #tpu.memory_space<hbm>>
      %dma_start3A_63 = tpu.memref_squeeze %dma_start3A_62 : memref<1x1x16x128xi32, #tpu.memory_space<hbm>> -> memref<16x128xi32, #tpu.memory_space<hbm>>
      tpu.enqueue_dma source(%dma_start3A_63 : memref<16x128xi32, #tpu.memory_space<hbm>>) target(%dma_start3A_59 : memref<16x128xi32, #tpu.memory_space<vmem>>) target_semaphore(%run_scoped3A_47 : memref<!tpu.dma_semaphore, #tpu.memory_space<semaphore_mem>>)
      %dma_wait3A = arith.constant 0 : i32
      %dma_wait3A_64 = arith.constant 0 : i32
      %dma_wait3A_65 = tpu.memref_slice %arg8[%run_scoped3A_5, %dma_wait3A, %dma_wait3A_64] : memref<2x16x128xi32, #tpu.memory_space<vmem>> -> memref<1x16x128xi32, #tpu.memory_space<vmem>>
      %dma_wait3A_66 = tpu.memref_squeeze %dma_wait3A_65 : memref<1x16x128xi32, #tpu.memory_space<vmem>> -> memref<16x128xi32, #tpu.memory_space<vmem>>
      %dma_wait3A_67 = arith.constant 0 : i32
      %dma_wait3A_68 = arith.constant 0 : i32
      %dma_wait3A_69 = tpu.memref_slice %arg3[%arg1, %mul3A_2, %dma_wait3A_67, %dma_wait3A_68] : memref<16x10x16x128xi32, #tpu.memory_space<hbm>> -> memref<1x1x16x128xi32, #tpu.memory_space<hbm>>
      %dma_wait3A_70 = tpu.memref_squeeze %dma_wait3A_69 : memref<1x1x16x128xi32, #tpu.memory_space<hbm>> -> memref<16x128xi32, #tpu.memory_space<hbm>>
      %dma_wait3A_71 = arith.constant 0 : i32
      %dma_wait3A_72 = arith.constant 0 : i32
      %dma_wait3A_73 = tpu.memref_slice %arg8[%run_scoped3A_5, %dma_wait3A_71, %dma_wait3A_72] : memref<2x16x128xi32, #tpu.memory_space<vmem>> -> memref<1x16x128xi32, #tpu.memory_space<vmem>>
      %dma_wait3A_74 = tpu.memref_squeeze %dma_wait3A_73 : memref<1x16x128xi32, #tpu.memory_space<vmem>> -> memref<16x128xi32, #tpu.memory_space<vmem>>
      %dma_wait3A_75 = arith.constant 0 : i32
      %dma_wait3A_76 = arith.constant 0 : i32
      %dma_wait3A_77 = tpu.memref_slice %arg3[%arg1, %mul3A_2, %dma_wait3A_75, %dma_wait3A_76] : memref<16x10x16x128xi32, #tpu.memory_space<hbm>> -> memref<1x1x16x128xi32, #tpu.memory_space<hbm>>
      %dma_wait3A_78 = tpu.memref_squeeze %dma_wait3A_77 : memref<1x1x16x128xi32, #tpu.memory_space<hbm>> -> memref<16x128xi32, #tpu.memory_space<hbm>>
      tpu.wait_dma2 semaphore(%run_scoped3A_47 : memref<!tpu.dma_semaphore, #tpu.memory_space<semaphore_mem>>) src(%dma_wait3A_78 : memref<16x128xi32, #tpu.memory_space<hbm>>) dst(%dma_wait3A_74 : memref<16x128xi32, #tpu.memory_space<vmem>>)
      tpu.yield
    }) : () -> ()
    %barrier3A = arith.constant 0 : index
    tpu.barrier barrier_id(%barrier3A)
    %dma_start3A = arith.constant 0 : i32
    %dma_start3A_6 = arith.constant 0 : i32
    %dma_start3A_7 = arith.constant 0 : i32
    %dma_start3A_8 = arith.constant 0 : i32
    %dma_start3A_9 = arith.constant 0 : i32
    %dma_start3A_10 = tpu.memref_slice %arg9[%dma_start3A_7, %dma_start3A_8, %dma_start3A_9] : memref<2x128x128xf32, #tpu.memory_space<vmem>> -> memref<1x128x128xf32, #tpu.memory_space<vmem>>
    %dma_start3A_11 = tpu.memref_squeeze %dma_start3A_10 : memref<1x128x128xf32, #tpu.memory_space<vmem>> -> memref<128x128xf32, #tpu.memory_space<vmem>>
    %dma_start3A_12 = arith.constant 0 : i32
    %dma_start3A_13 = tpu.memref_slice %arg7[%dma_start3A, %dma_start3A_6, %dma_start3A_12] : memref<2x16x128xi32, #tpu.memory_space<vmem>> -> memref<1x1x128xi32, #tpu.memory_space<vmem>>
    %dma_start3A_14 = tpu.memref_squeeze %dma_start3A_13 : memref<1x1x128xi32, #tpu.memory_space<vmem>> -> memref<128xi32, #tpu.memory_space<vmem>>
    %dma_start3A_15 = arith.constant 0 : i32
    %dma_start3A_16 = arith.constant 0 : i32
    %dma_start3A_17 = tpu.memref_slice %arg4[%dma_start3A_15, %dma_start3A_16] : memref<10000x128xf32, #tpu.memory_space<hbm>> -> memref<10000x128xf32, #tpu.memory_space<hbm>>
    tpu.enqueue_indirect_dma source(%dma_start3A_17 : memref<10000x128xf32, #tpu.memory_space<hbm>>) target(%dma_start3A_11 : memref<128x128xf32, #tpu.memory_space<vmem>>) offsets(%dma_start3A_14 : memref<128xi32, #tpu.memory_space<vmem>>) semaphore(%arg11 : memref<!tpu.dma_semaphore, #tpu.memory_space<semaphore_mem>>)
    %dma_start3A_18 = arith.constant 0 : i32
    %dma_start3A_19 = arith.constant 1 : i32
    %dma_start3A_20 = arith.constant 1 : i32
    %dma_start3A_21 = arith.constant 0 : i32
    %dma_start3A_22 = arith.constant 0 : i32
    %dma_start3A_23 = tpu.memref_slice %arg9[%dma_start3A_20, %dma_start3A_21, %dma_start3A_22] : memref<2x128x128xf32, #tpu.memory_space<vmem>> -> memref<1x128x128xf32, #tpu.memory_space<vmem>>
    %dma_start3A_24 = tpu.memref_squeeze %dma_start3A_23 : memref<1x128x128xf32, #tpu.memory_space<vmem>> -> memref<128x128xf32, #tpu.memory_space<vmem>>
    %dma_start3A_25 = arith.constant 0 : i32
    %dma_start3A_26 = tpu.memref_slice %arg7[%dma_start3A_18, %dma_start3A_19, %dma_start3A_25] : memref<2x16x128xi32, #tpu.memory_space<vmem>> -> memref<1x1x128xi32, #tpu.memory_space<vmem>>
    %dma_start3A_27 = tpu.memref_squeeze %dma_start3A_26 : memref<1x1x128xi32, #tpu.memory_space<vmem>> -> memref<128xi32, #tpu.memory_space<vmem>>
    %dma_start3A_28 = arith.constant 0 : i32
    %dma_start3A_29 = arith.constant 0 : i32
    %dma_start3A_30 = tpu.memref_slice %arg4[%dma_start3A_28, %dma_start3A_29] : memref<10000x128xf32, #tpu.memory_space<hbm>> -> memref<10000x128xf32, #tpu.memory_space<hbm>>
    tpu.enqueue_indirect_dma source(%dma_start3A_30 : memref<10000x128xf32, #tpu.memory_space<hbm>>) target(%dma_start3A_24 : memref<128x128xf32, #tpu.memory_space<vmem>>) offsets(%dma_start3A_27 : memref<128xi32, #tpu.memory_space<vmem>>) semaphore(%arg12 : memref<!tpu.dma_semaphore, #tpu.memory_space<semaphore_mem>>)
    %while3A = arith.constant 0 : i32
    %while3A_31 = arith.subi %select_n3A, %while3A : i32
    %while3A_32 = arith.addi %while3A, %while3A_31 : i32
    %while3A_33 = arith.constant 1 : i32
    %while3A_34 = arith.divsi %while3A_31, %while3A_33 : i32
    %while3A_35 = arith.muli %while3A_34, %while3A_33 : i32
    %while3A_36 = arith.addi %while3A, %while3A_35 : i32
    %while3A_37 = arith.constant 1 : i32
    scf.for %while3A_47 = %while3A to %while3A_36 step %while3A_37  : i32 {
      %rem3A = arith.constant 2 : i32
      %rem3A_48 = arith.remsi %while3A_47, %rem3A : i32
      %add3A = arith.constant 1 : i32
      %add3A_49 = arith.addi %while3A_47, %add3A : i32
      %rem3A_50 = arith.constant 2 : i32
      %rem3A_51 = arith.remsi %add3A_49, %rem3A_50 : i32
      %add3A_52 = arith.constant 1 : i32
      %add3A_53 = arith.addi %while3A_47, %add3A_52 : i32
      %lt3A_54 = arith.cmpi slt, %add3A_53, %select_n3A : i32
      %convert_element_type3A_55 = arith.extui %lt3A_54 : i1 to i32
      %cond3A_56 = arith.constant 0 : i32
      %cond3A_57 = arith.cmpi ne, %convert_element_type3A_55, %cond3A_56 : i32
      scf.if %cond3A_57 {
        %add3A_458 = arith.addi %mul3A_2, %while3A_47 : i32
        %add3A_459 = arith.constant 1 : i32
        %add3A_460 = arith.addi %add3A_458, %add3A_459 : i32
        %dma_start3A_461 = arith.constant 0 : i32
        %dma_start3A_462 = arith.constant 0 : i32
        %dma_start3A_463 = tpu.memref_slice %arg7[%rem3A_51, %dma_start3A_461, %dma_start3A_462] : memref<2x16x128xi32, #tpu.memory_space<vmem>> -> memref<1x16x128xi32, #tpu.memory_space<vmem>>
        %dma_start3A_464 = tpu.memref_squeeze %dma_start3A_463 : memref<1x16x128xi32, #tpu.memory_space<vmem>> -> memref<16x128xi32, #tpu.memory_space<vmem>>
        %dma_start3A_465 = arith.constant 0 : i32
        %dma_start3A_466 = arith.constant 0 : i32
        %dma_start3A_467 = tpu.memref_slice %arg2[%arg1, %add3A_460, %dma_start3A_465, %dma_start3A_466] : memref<16x10x16x128xi32, #tpu.memory_space<hbm>> -> memref<1x1x16x128xi32, #tpu.memory_space<hbm>>
        %dma_start3A_468 = tpu.memref_squeeze %dma_start3A_467 : memref<1x1x16x128xi32, #tpu.memory_space<hbm>> -> memref<16x128xi32, #tpu.memory_space<hbm>>
        %dma_start3A_469 = arith.constant 0 : i32
        %dma_start3A_470 = arith.constant 0 : i32
        %dma_start3A_471 = tpu.memref_slice %arg7[%rem3A_51, %dma_start3A_469, %dma_start3A_470] : memref<2x16x128xi32, #tpu.memory_space<vmem>> -> memref<1x16x128xi32, #tpu.memory_space<vmem>>
        %dma_start3A_472 = tpu.memref_squeeze %dma_start3A_471 : memref<1x16x128xi32, #tpu.memory_space<vmem>> -> memref<16x128xi32, #tpu.memory_space<vmem>>
        %dma_start3A_473 = arith.constant 0 : i32
        %dma_start3A_474 = arith.constant 0 : i32
        %dma_start3A_475 = tpu.memref_slice %arg2[%arg1, %add3A_460, %dma_start3A_473, %dma_start3A_474] : memref<16x10x16x128xi32, #tpu.memory_space<hbm>> -> memref<1x1x16x128xi32, #tpu.memory_space<hbm>>
        %dma_start3A_476 = tpu.memref_squeeze %dma_start3A_475 : memref<1x1x16x128xi32, #tpu.memory_space<hbm>> -> memref<16x128xi32, #tpu.memory_space<hbm>>
        tpu.enqueue_dma source(%dma_start3A_476 : memref<16x128xi32, #tpu.memory_space<hbm>>) target(%dma_start3A_472 : memref<16x128xi32, #tpu.memory_space<vmem>>) target_semaphore(%arg13 : memref<!tpu.dma_semaphore, #tpu.memory_space<semaphore_mem>>)
        %add3A_477 = arith.addi %mul3A_2, %while3A_47 : i32
        %add3A_478 = arith.constant 1 : i32
        %add3A_479 = arith.addi %add3A_477, %add3A_478 : i32
        %dma_start3A_480 = arith.constant 0 : i32
        %dma_start3A_481 = arith.constant 0 : i32
        %dma_start3A_482 = tpu.memref_slice %arg8[%rem3A_51, %dma_start3A_480, %dma_start3A_481] : memref<2x16x128xi32, #tpu.memory_space<vmem>> -> memref<1x16x128xi32, #tpu.memory_space<vmem>>
        %dma_start3A_483 = tpu.memref_squeeze %dma_start3A_482 : memref<1x16x128xi32, #tpu.memory_space<vmem>> -> memref<16x128xi32, #tpu.memory_space<vmem>>
        %dma_start3A_484 = arith.constant 0 : i32
        %dma_start3A_485 = arith.constant 0 : i32
        %dma_start3A_486 = tpu.memref_slice %arg3[%arg1, %add3A_479, %dma_start3A_484, %dma_start3A_485] : memref<16x10x16x128xi32, #tpu.memory_space<hbm>> -> memref<1x1x16x128xi32, #tpu.memory_space<hbm>>
        %dma_start3A_487 = tpu.memref_squeeze %dma_start3A_486 : memref<1x1x16x128xi32, #tpu.memory_space<hbm>> -> memref<16x128xi32, #tpu.memory_space<hbm>>
        %dma_start3A_488 = arith.constant 0 : i32
        %dma_start3A_489 = arith.constant 0 : i32
        %dma_start3A_490 = tpu.memref_slice %arg8[%rem3A_51, %dma_start3A_488, %dma_start3A_489] : memref<2x16x128xi32, #tpu.memory_space<vmem>> -> memref<1x16x128xi32, #tpu.memory_space<vmem>>
        %dma_start3A_491 = tpu.memref_squeeze %dma_start3A_490 : memref<1x16x128xi32, #tpu.memory_space<vmem>> -> memref<16x128xi32, #tpu.memory_space<vmem>>
        %dma_start3A_492 = arith.constant 0 : i32
        %dma_start3A_493 = arith.constant 0 : i32
        %dma_start3A_494 = tpu.memref_slice %arg3[%arg1, %add3A_479, %dma_start3A_492, %dma_start3A_493] : memref<16x10x16x128xi32, #tpu.memory_space<hbm>> -> memref<1x1x16x128xi32, #tpu.memory_space<hbm>>
        %dma_start3A_495 = tpu.memref_squeeze %dma_start3A_494 : memref<1x1x16x128xi32, #tpu.memory_space<hbm>> -> memref<16x128xi32, #tpu.memory_space<hbm>>
        tpu.enqueue_dma source(%dma_start3A_495 : memref<16x128xi32, #tpu.memory_space<hbm>>) target(%dma_start3A_491 : memref<16x128xi32, #tpu.memory_space<vmem>>) target_semaphore(%arg13 : memref<!tpu.dma_semaphore, #tpu.memory_space<semaphore_mem>>)
      } else {
      }
      %dma_wait3A = arith.constant 0 : i32
      %dma_wait3A_58 = arith.constant 0 : i32
      %dma_wait3A_59 = arith.constant 0 : i32
      %dma_wait3A_60 = arith.constant 0 : i32
      %dma_wait3A_61 = tpu.memref_slice %arg9[%dma_wait3A_58, %dma_wait3A_59, %dma_wait3A_60] : memref<2x128x128xf32, #tpu.memory_space<vmem>> -> memref<1x128x128xf32, #tpu.memory_space<vmem>>
      %dma_wait3A_62 = tpu.memref_squeeze %dma_wait3A_61 : memref<1x128x128xf32, #tpu.memory_space<vmem>> -> memref<128x128xf32, #tpu.memory_space<vmem>>
      %dma_wait3A_63 = arith.constant 0 : i32
      %dma_wait3A_64 = tpu.memref_slice %arg7[%rem3A_48, %dma_wait3A, %dma_wait3A_63] : memref<2x16x128xi32, #tpu.memory_space<vmem>> -> memref<1x1x128xi32, #tpu.memory_space<vmem>>
      %dma_wait3A_65 = tpu.memref_squeeze %dma_wait3A_64 : memref<1x1x128xi32, #tpu.memory_space<vmem>> -> memref<128xi32, #tpu.memory_space<vmem>>
      %dma_wait3A_66 = arith.constant 0 : i32
      %dma_wait3A_67 = arith.constant 0 : i32
      %dma_wait3A_68 = tpu.memref_slice %arg4[%dma_wait3A_66, %dma_wait3A_67] : memref<10000x128xf32, #tpu.memory_space<hbm>> -> memref<10000x128xf32, #tpu.memory_space<hbm>>
      tpu.wait_indirect_dma semaphore(%arg11 : memref<!tpu.dma_semaphore, #tpu.memory_space<semaphore_mem>>) src(%dma_wait3A_68 : memref<10000x128xf32, #tpu.memory_space<hbm>>) dst(%dma_wait3A_62 : memref<128x128xf32, #tpu.memory_space<vmem>>)
      %run_scoped3A_69 = arith.constant 0 : i32
      %run_scoped3A_70 = arith.constant 0 : i32
      "tpu.region"() ({
        %run_scoped3A_458 = tpu.sem_alloc : memref<!tpu.dma_semaphore, #tpu.memory_space<semaphore_mem>>
        %dma_start3A_459 = arith.constant 0 : i32
        %dma_start3A_460 = arith.constant 0 : i32
        %dma_start3A_461 = tpu.memref_slice %arg9[%run_scoped3A_69, %dma_start3A_459, %dma_start3A_460] : memref<2x128x128xf32, #tpu.memory_space<vmem>> -> memref<1x128x128xf32, #tpu.memory_space<vmem>>
        %dma_start3A_462 = tpu.memref_squeeze %dma_start3A_461 : memref<1x128x128xf32, #tpu.memory_space<vmem>> -> memref<128x128xf32, #tpu.memory_space<vmem>>
        %dma_start3A_463 = arith.constant 0 : i32
        %dma_start3A_464 = tpu.memref_slice %arg8[%rem3A_48, %run_scoped3A_70, %dma_start3A_463] : memref<2x16x128xi32, #tpu.memory_space<vmem>> -> memref<1x1x128xi32, #tpu.memory_space<vmem>>
        %dma_start3A_465 = tpu.memref_squeeze %dma_start3A_464 : memref<1x1x128xi32, #tpu.memory_space<vmem>> -> memref<128xi32, #tpu.memory_space<vmem>>
        %dma_start3A_466 = arith.constant 0 : i32
        %dma_start3A_467 = arith.constant 0 : i32
        %dma_start3A_468 = tpu.memref_slice %arg10[%dma_start3A_466, %dma_start3A_467] : memref<10240x128xf32, #tpu.memory_space<vmem_shared>> -> memref<10240x128xf32, #tpu.memory_space<vmem_shared>>
        tpu.enqueue_indirect_dma source(%dma_start3A_462 : memref<128x128xf32, #tpu.memory_space<vmem>>) target(%dma_start3A_468 : memref<10240x128xf32, #tpu.memory_space<vmem_shared>>) offsets(%dma_start3A_465 : memref<128xi32, #tpu.memory_space<vmem>>) semaphore(%run_scoped3A_458 : memref<!tpu.dma_semaphore, #tpu.memory_space<semaphore_mem>>) {add = true}
        %dma_wait3A_469 = arith.constant 0 : i32
        %dma_wait3A_470 = arith.constant 0 : i32
        %dma_wait3A_471 = tpu.memref_slice %arg9[%run_scoped3A_69, %dma_wait3A_469, %dma_wait3A_470] : memref<2x128x128xf32, #tpu.memory_space<vmem>> -> memref<1x128x128xf32, #tpu.memory_space<vmem>>
        %dma_wait3A_472 = tpu.memref_squeeze %dma_wait3A_471 : memref<1x128x128xf32, #tpu.memory_space<vmem>> -> memref<128x128xf32, #tpu.memory_space<vmem>>
        %dma_wait3A_473 = arith.constant 0 : i32
        %dma_wait3A_474 = tpu.memref_slice %arg8[%rem3A_48, %run_scoped3A_70, %dma_wait3A_473] : memref<2x16x128xi32, #tpu.memory_space<vmem>> -> memref<1x1x128xi32, #tpu.memory_space<vmem>>
        %dma_wait3A_475 = tpu.memref_squeeze %dma_wait3A_474 : memref<1x1x128xi32, #tpu.memory_space<vmem>> -> memref<128xi32, #tpu.memory_space<vmem>>
        %dma_wait3A_476 = arith.constant 0 : i32
        %dma_wait3A_477 = arith.constant 0 : i32
        %dma_wait3A_478 = tpu.memref_slice %arg10[%dma_wait3A_476, %dma_wait3A_477] : memref<10240x128xf32, #tpu.memory_space<vmem_shared>> -> memref<10240x128xf32, #tpu.memory_space<vmem_shared>>
        tpu.wait_indirect_dma semaphore(%run_scoped3A_458 : memref<!tpu.dma_semaphore, #tpu.memory_space<semaphore_mem>>) src(%dma_wait3A_472 : memref<128x128xf32, #tpu.memory_space<vmem>>) dst(%dma_wait3A_478 : memref<10240x128xf32, #tpu.memory_space<vmem_shared>>)
        tpu.yield
      }) : () -> ()
      %dma_start3A_71 = arith.constant 2 : i32
      %dma_start3A_72 = arith.constant 0 : i32
      %dma_start3A_73 = arith.constant 0 : i32
      %dma_start3A_74 = arith.constant 0 : i32
      %dma_start3A_75 = tpu.memref_slice %arg9[%dma_start3A_72, %dma_start3A_73, %dma_start3A_74] : memref<2x128x128xf32, #tpu.memory_space<vmem>> -> memref<1x128x128xf32, #tpu.memory_space<vmem>>
      %dma_start3A_76 = tpu.memref_squeeze %dma_start3A_75 : memref<1x128x128xf32, #tpu.memory_space<vmem>> -> memref<128x128xf32, #tpu.memory_space<vmem>>
      %dma_start3A_77 = arith.constant 0 : i32
      %dma_start3A_78 = tpu.memref_slice %arg7[%rem3A_48, %dma_start3A_71, %dma_start3A_77] : memref<2x16x128xi32, #tpu.memory_space<vmem>> -> memref<1x1x128xi32, #tpu.memory_space<vmem>>
      %dma_start3A_79 = tpu.memref_squeeze %dma_start3A_78 : memref<1x1x128xi32, #tpu.memory_space<vmem>> -> memref<128xi32, #tpu.memory_space<vmem>>
      %dma_start3A_80 = arith.constant 0 : i32
      %dma_start3A_81 = arith.constant 0 : i32
      %dma_start3A_82 = tpu.memref_slice %arg4[%dma_start3A_80, %dma_start3A_81] : memref<10000x128xf32, #tpu.memory_space<hbm>> -> memref<10000x128xf32, #tpu.memory_space<hbm>>
      tpu.enqueue_indirect_dma source(%dma_start3A_82 : memref<10000x128xf32, #tpu.memory_space<hbm>>) target(%dma_start3A_76 : memref<128x128xf32, #tpu.memory_space<vmem>>) offsets(%dma_start3A_79 : memref<128xi32, #tpu.memory_space<vmem>>) semaphore(%arg11 : memref<!tpu.dma_semaphore, #tpu.memory_space<semaphore_mem>>)
      %dma_wait3A_83 = arith.constant 1 : i32
      %dma_wait3A_84 = arith.constant 1 : i32
      %dma_wait3A_85 = arith.constant 0 : i32
      %dma_wait3A_86 = arith.constant 0 : i32
      %dma_wait3A_87 = tpu.memref_slice %arg9[%dma_wait3A_84, %dma_wait3A_85, %dma_wait3A_86] : memref<2x128x128xf32, #tpu.memory_space<vmem>> -> memref<1x128x128xf32, #tpu.memory_space<vmem>>
      %dma_wait3A_88 = tpu.memref_squeeze %dma_wait3A_87 : memref<1x128x128xf32, #tpu.memory_space<vmem>> -> memref<128x128xf32, #tpu.memory_space<vmem>>
      %dma_wait3A_89 = arith.constant 0 : i32
      %dma_wait3A_90 = tpu.memref_slice %arg7[%rem3A_48, %dma_wait3A_83, %dma_wait3A_89] : memref<2x16x128xi32, #tpu.memory_space<vmem>> -> memref<1x1x128xi32, #tpu.memory_space<vmem>>
      %dma_wait3A_91 = tpu.memref_squeeze %dma_wait3A_90 : memref<1x1x128xi32, #tpu.memory_space<vmem>> -> memref<128xi32, #tpu.memory_space<vmem>>
      %dma_wait3A_92 = arith.constant 0 : i32
      %dma_wait3A_93 = arith.constant 0 : i32
      %dma_wait3A_94 = tpu.memref_slice %arg4[%dma_wait3A_92, %dma_wait3A_93] : memref<10000x128xf32, #tpu.memory_space<hbm>> -> memref<10000x128xf32, #tpu.memory_space<hbm>>
      tpu.wait_indirect_dma semaphore(%arg12 : memref<!tpu.dma_semaphore, #tpu.memory_space<semaphore_mem>>) src(%dma_wait3A_94 : memref<10000x128xf32, #tpu.memory_space<hbm>>) dst(%dma_wait3A_88 : memref<128x128xf32, #tpu.memory_space<vmem>>)
      %run_scoped3A_95 = arith.constant 1 : i32
      %run_scoped3A_96 = arith.constant 1 : i32
      "tpu.region"() ({
        %run_scoped3A_458 = tpu.sem_alloc : memref<!tpu.dma_semaphore, #tpu.memory_space<semaphore_mem>>
        %dma_start3A_459 = arith.constant 0 : i32
        %dma_start3A_460 = arith.constant 0 : i32
        %dma_start3A_461 = tpu.memref_slice %arg9[%run_scoped3A_95, %dma_start3A_459, %dma_start3A_460] : memref<2x128x128xf32, #tpu.memory_space<vmem>> -> memref<1x128x128xf32, #tpu.memory_space<vmem>>
        %dma_start3A_462 = tpu.memref_squeeze %dma_start3A_461 : memref<1x128x128xf32, #tpu.memory_space<vmem>> -> memref<128x128xf32, #tpu.memory_space<vmem>>
        %dma_start3A_463 = arith.constant 0 : i32
        %dma_start3A_464 = tpu.memref_slice %arg8[%rem3A_48, %run_scoped3A_96, %dma_start3A_463] : memref<2x16x128xi32, #tpu.memory_space<vmem>> -> memref<1x1x128xi32, #tpu.memory_space<vmem>>
        %dma_start3A_465 = tpu.memref_squeeze %dma_start3A_464 : memref<1x1x128xi32, #tpu.memory_space<vmem>> -> memref<128xi32, #tpu.memory_space<vmem>>
        %dma_start3A_466 = arith.constant 0 : i32
        %dma_start3A_467 = arith.constant 0 : i32
        %dma_start3A_468 = tpu.memref_slice %arg10[%dma_start3A_466, %dma_start3A_467] : memref<10240x128xf32, #tpu.memory_space<vmem_shared>> -> memref<10240x128xf32, #tpu.memory_space<vmem_shared>>
        tpu.enqueue_indirect_dma source(%dma_start3A_462 : memref<128x128xf32, #tpu.memory_space<vmem>>) target(%dma_start3A_468 : memref<10240x128xf32, #tpu.memory_space<vmem_shared>>) offsets(%dma_start3A_465 : memref<128xi32, #tpu.memory_space<vmem>>) semaphore(%run_scoped3A_458 : memref<!tpu.dma_semaphore, #tpu.memory_space<semaphore_mem>>) {add = true}
        %dma_wait3A_469 = arith.constant 0 : i32
        %dma_wait3A_470 = arith.constant 0 : i32
        %dma_wait3A_471 = tpu.memref_slice %arg9[%run_scoped3A_95, %dma_wait3A_469, %dma_wait3A_470] : memref<2x128x128xf32, #tpu.memory_space<vmem>> -> memref<1x128x128xf32, #tpu.memory_space<vmem>>
        %dma_wait3A_472 = tpu.memref_squeeze %dma_wait3A_471 : memref<1x128x128xf32, #tpu.memory_space<vmem>> -> memref<128x128xf32, #tpu.memory_space<vmem>>
        %dma_wait3A_473 = arith.constant 0 : i32
        %dma_wait3A_474 = tpu.memref_slice %arg8[%rem3A_48, %run_scoped3A_96, %dma_wait3A_473] : memref<2x16x128xi32, #tpu.memory_space<vmem>> -> memref<1x1x128xi32, #tpu.memory_space<vmem>>
        %dma_wait3A_475 = tpu.memref_squeeze %dma_wait3A_474 : memref<1x1x128xi32, #tpu.memory_space<vmem>> -> memref<128xi32, #tpu.memory_space<vmem>>
        %dma_wait3A_476 = arith.constant 0 : i32
        %dma_wait3A_477 = arith.constant 0 : i32
        %dma_wait3A_478 = tpu.memref_slice %arg10[%dma_wait3A_476, %dma_wait3A_477] : memref<10240x128xf32, #tpu.memory_space<vmem_shared>> -> memref<10240x128xf32, #tpu.memory_space<vmem_shared>>
        tpu.wait_indirect_dma semaphore(%run_scoped3A_458 : memref<!tpu.dma_semaphore, #tpu.memory_space<semaphore_mem>>) src(%dma_wait3A_472 : memref<128x128xf32, #tpu.memory_space<vmem>>) dst(%dma_wait3A_478 : memref<10240x128xf32, #tpu.memory_space<vmem_shared>>)
        tpu.yield
      }) : () -> ()
      %dma_start3A_97 = arith.constant 3 : i32
      %dma_start3A_98 = arith.constant 1 : i32
      %dma_start3A_99 = arith.constant 0 : i32
      %dma_start3A_100 = arith.constant 0 : i32
      %dma_start3A_101 = tpu.memref_slice %arg9[%dma_start3A_98, %dma_start3A_99, %dma_start3A_100] : memref<2x128x128xf32, #tpu.memory_space<vmem>> -> memref<1x128x128xf32, #tpu.memory_space<vmem>>
      %dma_start3A_102 = tpu.memref_squeeze %dma_start3A_101 : memref<1x128x128xf32, #tpu.memory_space<vmem>> -> memref<128x128xf32, #tpu.memory_space<vmem>>
      %dma_start3A_103 = arith.constant 0 : i32
      %dma_start3A_104 = tpu.memref_slice %arg7[%rem3A_48, %dma_start3A_97, %dma_start3A_103] : memref<2x16x128xi32, #tpu.memory_space<vmem>> -> memref<1x1x128xi32, #tpu.memory_space<vmem>>
      %dma_start3A_105 = tpu.memref_squeeze %dma_start3A_104 : memref<1x1x128xi32, #tpu.memory_space<vmem>> -> memref<128xi32, #tpu.memory_space<vmem>>
      %dma_start3A_106 = arith.constant 0 : i32
      %dma_start3A_107 = arith.constant 0 : i32
      %dma_start3A_108 = tpu.memref_slice %arg4[%dma_start3A_106, %dma_start3A_107] : memref<10000x128xf32, #tpu.memory_space<hbm>> -> memref<10000x128xf32, #tpu.memory_space<hbm>>
      tpu.enqueue_indirect_dma source(%dma_start3A_108 : memref<10000x128xf32, #tpu.memory_space<hbm>>) target(%dma_start3A_102 : memref<128x128xf32, #tpu.memory_space<vmem>>) offsets(%dma_start3A_105 : memref<128xi32, #tpu.memory_space<vmem>>) semaphore(%arg12 : memref<!tpu.dma_semaphore, #tpu.memory_space<semaphore_mem>>)
      %dma_wait3A_109 = arith.constant 2 : i32
      %dma_wait3A_110 = arith.constant 0 : i32
      %dma_wait3A_111 = arith.constant 0 : i32
      %dma_wait3A_112 = arith.constant 0 : i32
      %dma_wait3A_113 = tpu.memref_slice %arg9[%dma_wait3A_110, %dma_wait3A_111, %dma_wait3A_112] : memref<2x128x128xf32, #tpu.memory_space<vmem>> -> memref<1x128x128xf32, #tpu.memory_space<vmem>>
      %dma_wait3A_114 = tpu.memref_squeeze %dma_wait3A_113 : memref<1x128x128xf32, #tpu.memory_space<vmem>> -> memref<128x128xf32, #tpu.memory_space<vmem>>
      %dma_wait3A_115 = arith.constant 0 : i32
      %dma_wait3A_116 = tpu.memref_slice %arg7[%rem3A_48, %dma_wait3A_109, %dma_wait3A_115] : memref<2x16x128xi32, #tpu.memory_space<vmem>> -> memref<1x1x128xi32, #tpu.memory_space<vmem>>
      %dma_wait3A_117 = tpu.memref_squeeze %dma_wait3A_116 : memref<1x1x128xi32, #tpu.memory_space<vmem>> -> memref<128xi32, #tpu.memory_space<vmem>>
      %dma_wait3A_118 = arith.constant 0 : i32
      %dma_wait3A_119 = arith.constant 0 : i32
      %dma_wait3A_120 = tpu.memref_slice %arg4[%dma_wait3A_118, %dma_wait3A_119] : memref<10000x128xf32, #tpu.memory_space<hbm>> -> memref<10000x128xf32, #tpu.memory_space<hbm>>
      tpu.wait_indirect_dma semaphore(%arg11 : memref<!tpu.dma_semaphore, #tpu.memory_space<semaphore_mem>>) src(%dma_wait3A_120 : memref<10000x128xf32, #tpu.memory_space<hbm>>) dst(%dma_wait3A_114 : memref<128x128xf32, #tpu.memory_space<vmem>>)
      %run_scoped3A_121 = arith.constant 0 : i32
      %run_scoped3A_122 = arith.constant 2 : i32
      "tpu.region"() ({
        %run_scoped3A_458 = tpu.sem_alloc : memref<!tpu.dma_semaphore, #tpu.memory_space<semaphore_mem>>
        %dma_start3A_459 = arith.constant 0 : i32
        %dma_start3A_460 = arith.constant 0 : i32
        %dma_start3A_461 = tpu.memref_slice %arg9[%run_scoped3A_121, %dma_start3A_459, %dma_start3A_460] : memref<2x128x128xf32, #tpu.memory_space<vmem>> -> memref<1x128x128xf32, #tpu.memory_space<vmem>>
        %dma_start3A_462 = tpu.memref_squeeze %dma_start3A_461 : memref<1x128x128xf32, #tpu.memory_space<vmem>> -> memref<128x128xf32, #tpu.memory_space<vmem>>
        %dma_start3A_463 = arith.constant 0 : i32
        %dma_start3A_464 = tpu.memref_slice %arg8[%rem3A_48, %run_scoped3A_122, %dma_start3A_463] : memref<2x16x128xi32, #tpu.memory_space<vmem>> -> memref<1x1x128xi32, #tpu.memory_space<vmem>>
        %dma_start3A_465 = tpu.memref_squeeze %dma_start3A_464 : memref<1x1x128xi32, #tpu.memory_space<vmem>> -> memref<128xi32, #tpu.memory_space<vmem>>
        %dma_start3A_466 = arith.constant 0 : i32
        %dma_start3A_467 = arith.constant 0 : i32
        %dma_start3A_468 = tpu.memref_slice %arg10[%dma_start3A_466, %dma_start3A_467] : memref<10240x128xf32, #tpu.memory_space<vmem_shared>> -> memref<10240x128xf32, #tpu.memory_space<vmem_shared>>
        tpu.enqueue_indirect_dma source(%dma_start3A_462 : memref<128x128xf32, #tpu.memory_space<vmem>>) target(%dma_start3A_468 : memref<10240x128xf32, #tpu.memory_space<vmem_shared>>) offsets(%dma_start3A_465 : memref<128xi32, #tpu.memory_space<vmem>>) semaphore(%run_scoped3A_458 : memref<!tpu.dma_semaphore, #tpu.memory_space<semaphore_mem>>) {add = true}
        %dma_wait3A_469 = arith.constant 0 : i32
        %dma_wait3A_470 = arith.constant 0 : i32
        %dma_wait3A_471 = tpu.memref_slice %arg9[%run_scoped3A_121, %dma_wait3A_469, %dma_wait3A_470] : memref<2x128x128xf32, #tpu.memory_space<vmem>> -> memref<1x128x128xf32, #tpu.memory_space<vmem>>
        %dma_wait3A_472 = tpu.memref_squeeze %dma_wait3A_471 : memref<1x128x128xf32, #tpu.memory_space<vmem>> -> memref<128x128xf32, #tpu.memory_space<vmem>>
        %dma_wait3A_473 = arith.constant 0 : i32
        %dma_wait3A_474 = tpu.memref_slice %arg8[%rem3A_48, %run_scoped3A_122, %dma_wait3A_473] : memref<2x16x128xi32, #tpu.memory_space<vmem>> -> memref<1x1x128xi32, #tpu.memory_space<vmem>>
        %dma_wait3A_475 = tpu.memref_squeeze %dma_wait3A_474 : memref<1x1x128xi32, #tpu.memory_space<vmem>> -> memref<128xi32, #tpu.memory_space<vmem>>
        %dma_wait3A_476 = arith.constant 0 : i32
        %dma_wait3A_477 = arith.constant 0 : i32
        %dma_wait3A_478 = tpu.memref_slice %arg10[%dma_wait3A_476, %dma_wait3A_477] : memref<10240x128xf32, #tpu.memory_space<vmem_shared>> -> memref<10240x128xf32, #tpu.memory_space<vmem_shared>>
        tpu.wait_indirect_dma semaphore(%run_scoped3A_458 : memref<!tpu.dma_semaphore, #tpu.memory_space<semaphore_mem>>) src(%dma_wait3A_472 : memref<128x128xf32, #tpu.memory_space<vmem>>) dst(%dma_wait3A_478 : memref<10240x128xf32, #tpu.memory_space<vmem_shared>>)
        tpu.yield
      }) : () -> ()
      %dma_start3A_123 = arith.constant 4 : i32
      %dma_start3A_124 = arith.constant 0 : i32
      %dma_start3A_125 = arith.constant 0 : i32
      %dma_start3A_126 = arith.constant 0 : i32
      %dma_start3A_127 = tpu.memref_slice %arg9[%dma_start3A_124, %dma_start3A_125, %dma_start3A_126] : memref<2x128x128xf32, #tpu.memory_space<vmem>> -> memref<1x128x128xf32, #tpu.memory_space<vmem>>
      %dma_start3A_128 = tpu.memref_squeeze %dma_start3A_127 : memref<1x128x128xf32, #tpu.memory_space<vmem>> -> memref<128x128xf32, #tpu.memory_space<vmem>>
      %dma_start3A_129 = arith.constant 0 : i32
      %dma_start3A_130 = tpu.memref_slice %arg7[%rem3A_48, %dma_start3A_123, %dma_start3A_129] : memref<2x16x128xi32, #tpu.memory_space<vmem>> -> memref<1x1x128xi32, #tpu.memory_space<vmem>>
      %dma_start3A_131 = tpu.memref_squeeze %dma_start3A_130 : memref<1x1x128xi32, #tpu.memory_space<vmem>> -> memref<128xi32, #tpu.memory_space<vmem>>
      %dma_start3A_132 = arith.constant 0 : i32
      %dma_start3A_133 = arith.constant 0 : i32
      %dma_start3A_134 = tpu.memref_slice %arg4[%dma_start3A_132, %dma_start3A_133] : memref<10000x128xf32, #tpu.memory_space<hbm>> -> memref<10000x128xf32, #tpu.memory_space<hbm>>
      tpu.enqueue_indirect_dma source(%dma_start3A_134 : memref<10000x128xf32, #tpu.memory_space<hbm>>) target(%dma_start3A_128 : memref<128x128xf32, #tpu.memory_space<vmem>>) offsets(%dma_start3A_131 : memref<128xi32, #tpu.memory_space<vmem>>) semaphore(%arg11 : memref<!tpu.dma_semaphore, #tpu.memory_space<semaphore_mem>>)
      %dma_wait3A_135 = arith.constant 3 : i32
      %dma_wait3A_136 = arith.constant 1 : i32
      %dma_wait3A_137 = arith.constant 0 : i32
      %dma_wait3A_138 = arith.constant 0 : i32
      %dma_wait3A_139 = tpu.memref_slice %arg9[%dma_wait3A_136, %dma_wait3A_137, %dma_wait3A_138] : memref<2x128x128xf32, #tpu.memory_space<vmem>> -> memref<1x128x128xf32, #tpu.memory_space<vmem>>
      %dma_wait3A_140 = tpu.memref_squeeze %dma_wait3A_139 : memref<1x128x128xf32, #tpu.memory_space<vmem>> -> memref<128x128xf32, #tpu.memory_space<vmem>>
      %dma_wait3A_141 = arith.constant 0 : i32
      %dma_wait3A_142 = tpu.memref_slice %arg7[%rem3A_48, %dma_wait3A_135, %dma_wait3A_141] : memref<2x16x128xi32, #tpu.memory_space<vmem>> -> memref<1x1x128xi32, #tpu.memory_space<vmem>>
      %dma_wait3A_143 = tpu.memref_squeeze %dma_wait3A_142 : memref<1x1x128xi32, #tpu.memory_space<vmem>> -> memref<128xi32, #tpu.memory_space<vmem>>
      %dma_wait3A_144 = arith.constant 0 : i32
      %dma_wait3A_145 = arith.constant 0 : i32
      %dma_wait3A_146 = tpu.memref_slice %arg4[%dma_wait3A_144, %dma_wait3A_145] : memref<10000x128xf32, #tpu.memory_space<hbm>> -> memref<10000x128xf32, #tpu.memory_space<hbm>>
      tpu.wait_indirect_dma semaphore(%arg12 : memref<!tpu.dma_semaphore, #tpu.memory_space<semaphore_mem>>) src(%dma_wait3A_146 : memref<10000x128xf32, #tpu.memory_space<hbm>>) dst(%dma_wait3A_140 : memref<128x128xf32, #tpu.memory_space<vmem>>)
      %run_scoped3A_147 = arith.constant 1 : i32
      %run_scoped3A_148 = arith.constant 3 : i32
      "tpu.region"() ({
        %run_scoped3A_458 = tpu.sem_alloc : memref<!tpu.dma_semaphore, #tpu.memory_space<semaphore_mem>>
        %dma_start3A_459 = arith.constant 0 : i32
        %dma_start3A_460 = arith.constant 0 : i32
        %dma_start3A_461 = tpu.memref_slice %arg9[%run_scoped3A_147, %dma_start3A_459, %dma_start3A_460] : memref<2x128x128xf32, #tpu.memory_space<vmem>> -> memref<1x128x128xf32, #tpu.memory_space<vmem>>
        %dma_start3A_462 = tpu.memref_squeeze %dma_start3A_461 : memref<1x128x128xf32, #tpu.memory_space<vmem>> -> memref<128x128xf32, #tpu.memory_space<vmem>>
        %dma_start3A_463 = arith.constant 0 : i32
        %dma_start3A_464 = tpu.memref_slice %arg8[%rem3A_48, %run_scoped3A_148, %dma_start3A_463] : memref<2x16x128xi32, #tpu.memory_space<vmem>> -> memref<1x1x128xi32, #tpu.memory_space<vmem>>
        %dma_start3A_465 = tpu.memref_squeeze %dma_start3A_464 : memref<1x1x128xi32, #tpu.memory_space<vmem>> -> memref<128xi32, #tpu.memory_space<vmem>>
        %dma_start3A_466 = arith.constant 0 : i32
        %dma_start3A_467 = arith.constant 0 : i32
        %dma_start3A_468 = tpu.memref_slice %arg10[%dma_start3A_466, %dma_start3A_467] : memref<10240x128xf32, #tpu.memory_space<vmem_shared>> -> memref<10240x128xf32, #tpu.memory_space<vmem_shared>>
        tpu.enqueue_indirect_dma source(%dma_start3A_462 : memref<128x128xf32, #tpu.memory_space<vmem>>) target(%dma_start3A_468 : memref<10240x128xf32, #tpu.memory_space<vmem_shared>>) offsets(%dma_start3A_465 : memref<128xi32, #tpu.memory_space<vmem>>) semaphore(%run_scoped3A_458 : memref<!tpu.dma_semaphore, #tpu.memory_space<semaphore_mem>>) {add = true}
        %dma_wait3A_469 = arith.constant 0 : i32
        %dma_wait3A_470 = arith.constant 0 : i32
        %dma_wait3A_471 = tpu.memref_slice %arg9[%run_scoped3A_147, %dma_wait3A_469, %dma_wait3A_470] : memref<2x128x128xf32, #tpu.memory_space<vmem>> -> memref<1x128x128xf32, #tpu.memory_space<vmem>>
        %dma_wait3A_472 = tpu.memref_squeeze %dma_wait3A_471 : memref<1x128x128xf32, #tpu.memory_space<vmem>> -> memref<128x128xf32, #tpu.memory_space<vmem>>
        %dma_wait3A_473 = arith.constant 0 : i32
        %dma_wait3A_474 = tpu.memref_slice %arg8[%rem3A_48, %run_scoped3A_148, %dma_wait3A_473] : memref<2x16x128xi32, #tpu.memory_space<vmem>> -> memref<1x1x128xi32, #tpu.memory_space<vmem>>
        %dma_wait3A_475 = tpu.memref_squeeze %dma_wait3A_474 : memref<1x1x128xi32, #tpu.memory_space<vmem>> -> memref<128xi32, #tpu.memory_space<vmem>>
        %dma_wait3A_476 = arith.constant 0 : i32
        %dma_wait3A_477 = arith.constant 0 : i32
        %dma_wait3A_478 = tpu.memref_slice %arg10[%dma_wait3A_476, %dma_wait3A_477] : memref<10240x128xf32, #tpu.memory_space<vmem_shared>> -> memref<10240x128xf32, #tpu.memory_space<vmem_shared>>
        tpu.wait_indirect_dma semaphore(%run_scoped3A_458 : memref<!tpu.dma_semaphore, #tpu.memory_space<semaphore_mem>>) src(%dma_wait3A_472 : memref<128x128xf32, #tpu.memory_space<vmem>>) dst(%dma_wait3A_478 : memref<10240x128xf32, #tpu.memory_space<vmem_shared>>)
        tpu.yield
      }) : () -> ()
      %dma_start3A_149 = arith.constant 5 : i32
      %dma_start3A_150 = arith.constant 1 : i32
      %dma_start3A_151 = arith.constant 0 : i32
      %dma_start3A_152 = arith.constant 0 : i32
      %dma_start3A_153 = tpu.memref_slice %arg9[%dma_start3A_150, %dma_start3A_151, %dma_start3A_152] : memref<2x128x128xf32, #tpu.memory_space<vmem>> -> memref<1x128x128xf32, #tpu.memory_space<vmem>>
      %dma_start3A_154 = tpu.memref_squeeze %dma_start3A_153 : memref<1x128x128xf32, #tpu.memory_space<vmem>> -> memref<128x128xf32, #tpu.memory_space<vmem>>
      %dma_start3A_155 = arith.constant 0 : i32
      %dma_start3A_156 = tpu.memref_slice %arg7[%rem3A_48, %dma_start3A_149, %dma_start3A_155] : memref<2x16x128xi32, #tpu.memory_space<vmem>> -> memref<1x1x128xi32, #tpu.memory_space<vmem>>
      %dma_start3A_157 = tpu.memref_squeeze %dma_start3A_156 : memref<1x1x128xi32, #tpu.memory_space<vmem>> -> memref<128xi32, #tpu.memory_space<vmem>>
      %dma_start3A_158 = arith.constant 0 : i32
      %dma_start3A_159 = arith.constant 0 : i32
      %dma_start3A_160 = tpu.memref_slice %arg4[%dma_start3A_158, %dma_start3A_159] : memref<10000x128xf32, #tpu.memory_space<hbm>> -> memref<10000x128xf32, #tpu.memory_space<hbm>>
      tpu.enqueue_indirect_dma source(%dma_start3A_160 : memref<10000x128xf32, #tpu.memory_space<hbm>>) target(%dma_start3A_154 : memref<128x128xf32, #tpu.memory_space<vmem>>) offsets(%dma_start3A_157 : memref<128xi32, #tpu.memory_space<vmem>>) semaphore(%arg12 : memref<!tpu.dma_semaphore, #tpu.memory_space<semaphore_mem>>)
      %dma_wait3A_161 = arith.constant 4 : i32
      %dma_wait3A_162 = arith.constant 0 : i32
      %dma_wait3A_163 = arith.constant 0 : i32
      %dma_wait3A_164 = arith.constant 0 : i32
      %dma_wait3A_165 = tpu.memref_slice %arg9[%dma_wait3A_162, %dma_wait3A_163, %dma_wait3A_164] : memref<2x128x128xf32, #tpu.memory_space<vmem>> -> memref<1x128x128xf32, #tpu.memory_space<vmem>>
      %dma_wait3A_166 = tpu.memref_squeeze %dma_wait3A_165 : memref<1x128x128xf32, #tpu.memory_space<vmem>> -> memref<128x128xf32, #tpu.memory_space<vmem>>
      %dma_wait3A_167 = arith.constant 0 : i32
      %dma_wait3A_168 = tpu.memref_slice %arg7[%rem3A_48, %dma_wait3A_161, %dma_wait3A_167] : memref<2x16x128xi32, #tpu.memory_space<vmem>> -> memref<1x1x128xi32, #tpu.memory_space<vmem>>
      %dma_wait3A_169 = tpu.memref_squeeze %dma_wait3A_168 : memref<1x1x128xi32, #tpu.memory_space<vmem>> -> memref<128xi32, #tpu.memory_space<vmem>>
      %dma_wait3A_170 = arith.constant 0 : i32
      %dma_wait3A_171 = arith.constant 0 : i32
      %dma_wait3A_172 = tpu.memref_slice %arg4[%dma_wait3A_170, %dma_wait3A_171] : memref<10000x128xf32, #tpu.memory_space<hbm>> -> memref<10000x128xf32, #tpu.memory_space<hbm>>
      tpu.wait_indirect_dma semaphore(%arg11 : memref<!tpu.dma_semaphore, #tpu.memory_space<semaphore_mem>>) src(%dma_wait3A_172 : memref<10000x128xf32, #tpu.memory_space<hbm>>) dst(%dma_wait3A_166 : memref<128x128xf32, #tpu.memory_space<vmem>>)
      %run_scoped3A_173 = arith.constant 0 : i32
      %run_scoped3A_174 = arith.constant 4 : i32
      "tpu.region"() ({
        %run_scoped3A_458 = tpu.sem_alloc : memref<!tpu.dma_semaphore, #tpu.memory_space<semaphore_mem>>
        %dma_start3A_459 = arith.constant 0 : i32
        %dma_start3A_460 = arith.constant 0 : i32
        %dma_start3A_461 = tpu.memref_slice %arg9[%run_scoped3A_173, %dma_start3A_459, %dma_start3A_460] : memref<2x128x128xf32, #tpu.memory_space<vmem>> -> memref<1x128x128xf32, #tpu.memory_space<vmem>>
        %dma_start3A_462 = tpu.memref_squeeze %dma_start3A_461 : memref<1x128x128xf32, #tpu.memory_space<vmem>> -> memref<128x128xf32, #tpu.memory_space<vmem>>
        %dma_start3A_463 = arith.constant 0 : i32
        %dma_start3A_464 = tpu.memref_slice %arg8[%rem3A_48, %run_scoped3A_174, %dma_start3A_463] : memref<2x16x128xi32, #tpu.memory_space<vmem>> -> memref<1x1x128xi32, #tpu.memory_space<vmem>>
        %dma_start3A_465 = tpu.memref_squeeze %dma_start3A_464 : memref<1x1x128xi32, #tpu.memory_space<vmem>> -> memref<128xi32, #tpu.memory_space<vmem>>
        %dma_start3A_466 = arith.constant 0 : i32
        %dma_start3A_467 = arith.constant 0 : i32
        %dma_start3A_468 = tpu.memref_slice %arg10[%dma_start3A_466, %dma_start3A_467] : memref<10240x128xf32, #tpu.memory_space<vmem_shared>> -> memref<10240x128xf32, #tpu.memory_space<vmem_shared>>
        tpu.enqueue_indirect_dma source(%dma_start3A_462 : memref<128x128xf32, #tpu.memory_space<vmem>>) target(%dma_start3A_468 : memref<10240x128xf32, #tpu.memory_space<vmem_shared>>) offsets(%dma_start3A_465 : memref<128xi32, #tpu.memory_space<vmem>>) semaphore(%run_scoped3A_458 : memref<!tpu.dma_semaphore, #tpu.memory_space<semaphore_mem>>) {add = true}
        %dma_wait3A_469 = arith.constant 0 : i32
        %dma_wait3A_470 = arith.constant 0 : i32
        %dma_wait3A_471 = tpu.memref_slice %arg9[%run_scoped3A_173, %dma_wait3A_469, %dma_wait3A_470] : memref<2x128x128xf32, #tpu.memory_space<vmem>> -> memref<1x128x128xf32, #tpu.memory_space<vmem>>
        %dma_wait3A_472 = tpu.memref_squeeze %dma_wait3A_471 : memref<1x128x128xf32, #tpu.memory_space<vmem>> -> memref<128x128xf32, #tpu.memory_space<vmem>>
        %dma_wait3A_473 = arith.constant 0 : i32
        %dma_wait3A_474 = tpu.memref_slice %arg8[%rem3A_48, %run_scoped3A_174, %dma_wait3A_473] : memref<2x16x128xi32, #tpu.memory_space<vmem>> -> memref<1x1x128xi32, #tpu.memory_space<vmem>>
        %dma_wait3A_475 = tpu.memref_squeeze %dma_wait3A_474 : memref<1x1x128xi32, #tpu.memory_space<vmem>> -> memref<128xi32, #tpu.memory_space<vmem>>
        %dma_wait3A_476 = arith.constant 0 : i32
        %dma_wait3A_477 = arith.constant 0 : i32
        %dma_wait3A_478 = tpu.memref_slice %arg10[%dma_wait3A_476, %dma_wait3A_477] : memref<10240x128xf32, #tpu.memory_space<vmem_shared>> -> memref<10240x128xf32, #tpu.memory_space<vmem_shared>>
        tpu.wait_indirect_dma semaphore(%run_scoped3A_458 : memref<!tpu.dma_semaphore, #tpu.memory_space<semaphore_mem>>) src(%dma_wait3A_472 : memref<128x128xf32, #tpu.memory_space<vmem>>) dst(%dma_wait3A_478 : memref<10240x128xf32, #tpu.memory_space<vmem_shared>>)
        tpu.yield
      }) : () -> ()
      %dma_start3A_175 = arith.constant 6 : i32
      %dma_start3A_176 = arith.constant 0 : i32
      %dma_start3A_177 = arith.constant 0 : i32
      %dma_start3A_178 = arith.constant 0 : i32
      %dma_start3A_179 = tpu.memref_slice %arg9[%dma_start3A_176, %dma_start3A_177, %dma_start3A_178] : memref<2x128x128xf32, #tpu.memory_space<vmem>> -> memref<1x128x128xf32, #tpu.memory_space<vmem>>
      %dma_start3A_180 = tpu.memref_squeeze %dma_start3A_179 : memref<1x128x128xf32, #tpu.memory_space<vmem>> -> memref<128x128xf32, #tpu.memory_space<vmem>>
      %dma_start3A_181 = arith.constant 0 : i32
      %dma_start3A_182 = tpu.memref_slice %arg7[%rem3A_48, %dma_start3A_175, %dma_start3A_181] : memref<2x16x128xi32, #tpu.memory_space<vmem>> -> memref<1x1x128xi32, #tpu.memory_space<vmem>>
      %dma_start3A_183 = tpu.memref_squeeze %dma_start3A_182 : memref<1x1x128xi32, #tpu.memory_space<vmem>> -> memref<128xi32, #tpu.memory_space<vmem>>
      %dma_start3A_184 = arith.constant 0 : i32
      %dma_start3A_185 = arith.constant 0 : i32
      %dma_start3A_186 = tpu.memref_slice %arg4[%dma_start3A_184, %dma_start3A_185] : memref<10000x128xf32, #tpu.memory_space<hbm>> -> memref<10000x128xf32, #tpu.memory_space<hbm>>
      tpu.enqueue_indirect_dma source(%dma_start3A_186 : memref<10000x128xf32, #tpu.memory_space<hbm>>) target(%dma_start3A_180 : memref<128x128xf32, #tpu.memory_space<vmem>>) offsets(%dma_start3A_183 : memref<128xi32, #tpu.memory_space<vmem>>) semaphore(%arg11 : memref<!tpu.dma_semaphore, #tpu.memory_space<semaphore_mem>>)
      %dma_wait3A_187 = arith.constant 5 : i32
      %dma_wait3A_188 = arith.constant 1 : i32
      %dma_wait3A_189 = arith.constant 0 : i32
      %dma_wait3A_190 = arith.constant 0 : i32
      %dma_wait3A_191 = tpu.memref_slice %arg9[%dma_wait3A_188, %dma_wait3A_189, %dma_wait3A_190] : memref<2x128x128xf32, #tpu.memory_space<vmem>> -> memref<1x128x128xf32, #tpu.memory_space<vmem>>
      %dma_wait3A_192 = tpu.memref_squeeze %dma_wait3A_191 : memref<1x128x128xf32, #tpu.memory_space<vmem>> -> memref<128x128xf32, #tpu.memory_space<vmem>>
      %dma_wait3A_193 = arith.constant 0 : i32
      %dma_wait3A_194 = tpu.memref_slice %arg7[%rem3A_48, %dma_wait3A_187, %dma_wait3A_193] : memref<2x16x128xi32, #tpu.memory_space<vmem>> -> memref<1x1x128xi32, #tpu.memory_space<vmem>>
      %dma_wait3A_195 = tpu.memref_squeeze %dma_wait3A_194 : memref<1x1x128xi32, #tpu.memory_space<vmem>> -> memref<128xi32, #tpu.memory_space<vmem>>
      %dma_wait3A_196 = arith.constant 0 : i32
      %dma_wait3A_197 = arith.constant 0 : i32
      %dma_wait3A_198 = tpu.memref_slice %arg4[%dma_wait3A_196, %dma_wait3A_197] : memref<10000x128xf32, #tpu.memory_space<hbm>> -> memref<10000x128xf32, #tpu.memory_space<hbm>>
      tpu.wait_indirect_dma semaphore(%arg12 : memref<!tpu.dma_semaphore, #tpu.memory_space<semaphore_mem>>) src(%dma_wait3A_198 : memref<10000x128xf32, #tpu.memory_space<hbm>>) dst(%dma_wait3A_192 : memref<128x128xf32, #tpu.memory_space<vmem>>)
      %run_scoped3A_199 = arith.constant 1 : i32
      %run_scoped3A_200 = arith.constant 5 : i32
      "tpu.region"() ({
        %run_scoped3A_458 = tpu.sem_alloc : memref<!tpu.dma_semaphore, #tpu.memory_space<semaphore_mem>>
        %dma_start3A_459 = arith.constant 0 : i32
        %dma_start3A_460 = arith.constant 0 : i32
        %dma_start3A_461 = tpu.memref_slice %arg9[%run_scoped3A_199, %dma_start3A_459, %dma_start3A_460] : memref<2x128x128xf32, #tpu.memory_space<vmem>> -> memref<1x128x128xf32, #tpu.memory_space<vmem>>
        %dma_start3A_462 = tpu.memref_squeeze %dma_start3A_461 : memref<1x128x128xf32, #tpu.memory_space<vmem>> -> memref<128x128xf32, #tpu.memory_space<vmem>>
        %dma_start3A_463 = arith.constant 0 : i32
        %dma_start3A_464 = tpu.memref_slice %arg8[%rem3A_48, %run_scoped3A_200, %dma_start3A_463] : memref<2x16x128xi32, #tpu.memory_space<vmem>> -> memref<1x1x128xi32, #tpu.memory_space<vmem>>
        %dma_start3A_465 = tpu.memref_squeeze %dma_start3A_464 : memref<1x1x128xi32, #tpu.memory_space<vmem>> -> memref<128xi32, #tpu.memory_space<vmem>>
        %dma_start3A_466 = arith.constant 0 : i32
        %dma_start3A_467 = arith.constant 0 : i32
        %dma_start3A_468 = tpu.memref_slice %arg10[%dma_start3A_466, %dma_start3A_467] : memref<10240x128xf32, #tpu.memory_space<vmem_shared>> -> memref<10240x128xf32, #tpu.memory_space<vmem_shared>>
        tpu.enqueue_indirect_dma source(%dma_start3A_462 : memref<128x128xf32, #tpu.memory_space<vmem>>) target(%dma_start3A_468 : memref<10240x128xf32, #tpu.memory_space<vmem_shared>>) offsets(%dma_start3A_465 : memref<128xi32, #tpu.memory_space<vmem>>) semaphore(%run_scoped3A_458 : memref<!tpu.dma_semaphore, #tpu.memory_space<semaphore_mem>>) {add = true}
        %dma_wait3A_469 = arith.constant 0 : i32
        %dma_wait3A_470 = arith.constant 0 : i32
        %dma_wait3A_471 = tpu.memref_slice %arg9[%run_scoped3A_199, %dma_wait3A_469, %dma_wait3A_470] : memref<2x128x128xf32, #tpu.memory_space<vmem>> -> memref<1x128x128xf32, #tpu.memory_space<vmem>>
        %dma_wait3A_472 = tpu.memref_squeeze %dma_wait3A_471 : memref<1x128x128xf32, #tpu.memory_space<vmem>> -> memref<128x128xf32, #tpu.memory_space<vmem>>
        %dma_wait3A_473 = arith.constant 0 : i32
        %dma_wait3A_474 = tpu.memref_slice %arg8[%rem3A_48, %run_scoped3A_200, %dma_wait3A_473] : memref<2x16x128xi32, #tpu.memory_space<vmem>> -> memref<1x1x128xi32, #tpu.memory_space<vmem>>
        %dma_wait3A_475 = tpu.memref_squeeze %dma_wait3A_474 : memref<1x1x128xi32, #tpu.memory_space<vmem>> -> memref<128xi32, #tpu.memory_space<vmem>>
        %dma_wait3A_476 = arith.constant 0 : i32
        %dma_wait3A_477 = arith.constant 0 : i32
        %dma_wait3A_478 = tpu.memref_slice %arg10[%dma_wait3A_476, %dma_wait3A_477] : memref<10240x128xf32, #tpu.memory_space<vmem_shared>> -> memref<10240x128xf32, #tpu.memory_space<vmem_shared>>
        tpu.wait_indirect_dma semaphore(%run_scoped3A_458 : memref<!tpu.dma_semaphore, #tpu.memory_space<semaphore_mem>>) src(%dma_wait3A_472 : memref<128x128xf32, #tpu.memory_space<vmem>>) dst(%dma_wait3A_478 : memref<10240x128xf32, #tpu.memory_space<vmem_shared>>)
        tpu.yield
      }) : () -> ()
      %dma_start3A_201 = arith.constant 7 : i32
      %dma_start3A_202 = arith.constant 1 : i32
      %dma_start3A_203 = arith.constant 0 : i32
      %dma_start3A_204 = arith.constant 0 : i32
      %dma_start3A_205 = tpu.memref_slice %arg9[%dma_start3A_202, %dma_start3A_203, %dma_start3A_204] : memref<2x128x128xf32, #tpu.memory_space<vmem>> -> memref<1x128x128xf32, #tpu.memory_space<vmem>>
      %dma_start3A_206 = tpu.memref_squeeze %dma_start3A_205 : memref<1x128x128xf32, #tpu.memory_space<vmem>> -> memref<128x128xf32, #tpu.memory_space<vmem>>
      %dma_start3A_207 = arith.constant 0 : i32
      %dma_start3A_208 = tpu.memref_slice %arg7[%rem3A_48, %dma_start3A_201, %dma_start3A_207] : memref<2x16x128xi32, #tpu.memory_space<vmem>> -> memref<1x1x128xi32, #tpu.memory_space<vmem>>
      %dma_start3A_209 = tpu.memref_squeeze %dma_start3A_208 : memref<1x1x128xi32, #tpu.memory_space<vmem>> -> memref<128xi32, #tpu.memory_space<vmem>>
      %dma_start3A_210 = arith.constant 0 : i32
      %dma_start3A_211 = arith.constant 0 : i32
      %dma_start3A_212 = tpu.memref_slice %arg4[%dma_start3A_210, %dma_start3A_211] : memref<10000x128xf32, #tpu.memory_space<hbm>> -> memref<10000x128xf32, #tpu.memory_space<hbm>>
      tpu.enqueue_indirect_dma source(%dma_start3A_212 : memref<10000x128xf32, #tpu.memory_space<hbm>>) target(%dma_start3A_206 : memref<128x128xf32, #tpu.memory_space<vmem>>) offsets(%dma_start3A_209 : memref<128xi32, #tpu.memory_space<vmem>>) semaphore(%arg12 : memref<!tpu.dma_semaphore, #tpu.memory_space<semaphore_mem>>)
      %dma_wait3A_213 = arith.constant 6 : i32
      %dma_wait3A_214 = arith.constant 0 : i32
      %dma_wait3A_215 = arith.constant 0 : i32
      %dma_wait3A_216 = arith.constant 0 : i32
      %dma_wait3A_217 = tpu.memref_slice %arg9[%dma_wait3A_214, %dma_wait3A_215, %dma_wait3A_216] : memref<2x128x128xf32, #tpu.memory_space<vmem>> -> memref<1x128x128xf32, #tpu.memory_space<vmem>>
      %dma_wait3A_218 = tpu.memref_squeeze %dma_wait3A_217 : memref<1x128x128xf32, #tpu.memory_space<vmem>> -> memref<128x128xf32, #tpu.memory_space<vmem>>
      %dma_wait3A_219 = arith.constant 0 : i32
      %dma_wait3A_220 = tpu.memref_slice %arg7[%rem3A_48, %dma_wait3A_213, %dma_wait3A_219] : memref<2x16x128xi32, #tpu.memory_space<vmem>> -> memref<1x1x128xi32, #tpu.memory_space<vmem>>
      %dma_wait3A_221 = tpu.memref_squeeze %dma_wait3A_220 : memref<1x1x128xi32, #tpu.memory_space<vmem>> -> memref<128xi32, #tpu.memory_space<vmem>>
      %dma_wait3A_222 = arith.constant 0 : i32
      %dma_wait3A_223 = arith.constant 0 : i32
      %dma_wait3A_224 = tpu.memref_slice %arg4[%dma_wait3A_222, %dma_wait3A_223] : memref<10000x128xf32, #tpu.memory_space<hbm>> -> memref<10000x128xf32, #tpu.memory_space<hbm>>
      tpu.wait_indirect_dma semaphore(%arg11 : memref<!tpu.dma_semaphore, #tpu.memory_space<semaphore_mem>>) src(%dma_wait3A_224 : memref<10000x128xf32, #tpu.memory_space<hbm>>) dst(%dma_wait3A_218 : memref<128x128xf32, #tpu.memory_space<vmem>>)
      %run_scoped3A_225 = arith.constant 0 : i32
      %run_scoped3A_226 = arith.constant 6 : i32
      "tpu.region"() ({
        %run_scoped3A_458 = tpu.sem_alloc : memref<!tpu.dma_semaphore, #tpu.memory_space<semaphore_mem>>
        %dma_start3A_459 = arith.constant 0 : i32
        %dma_start3A_460 = arith.constant 0 : i32
        %dma_start3A_461 = tpu.memref_slice %arg9[%run_scoped3A_225, %dma_start3A_459, %dma_start3A_460] : memref<2x128x128xf32, #tpu.memory_space<vmem>> -> memref<1x128x128xf32, #tpu.memory_space<vmem>>
        %dma_start3A_462 = tpu.memref_squeeze %dma_start3A_461 : memref<1x128x128xf32, #tpu.memory_space<vmem>> -> memref<128x128xf32, #tpu.memory_space<vmem>>
        %dma_start3A_463 = arith.constant 0 : i32
        %dma_start3A_464 = tpu.memref_slice %arg8[%rem3A_48, %run_scoped3A_226, %dma_start3A_463] : memref<2x16x128xi32, #tpu.memory_space<vmem>> -> memref<1x1x128xi32, #tpu.memory_space<vmem>>
        %dma_start3A_465 = tpu.memref_squeeze %dma_start3A_464 : memref<1x1x128xi32, #tpu.memory_space<vmem>> -> memref<128xi32, #tpu.memory_space<vmem>>
        %dma_start3A_466 = arith.constant 0 : i32
        %dma_start3A_467 = arith.constant 0 : i32
        %dma_start3A_468 = tpu.memref_slice %arg10[%dma_start3A_466, %dma_start3A_467] : memref<10240x128xf32, #tpu.memory_space<vmem_shared>> -> memref<10240x128xf32, #tpu.memory_space<vmem_shared>>
        tpu.enqueue_indirect_dma source(%dma_start3A_462 : memref<128x128xf32, #tpu.memory_space<vmem>>) target(%dma_start3A_468 : memref<10240x128xf32, #tpu.memory_space<vmem_shared>>) offsets(%dma_start3A_465 : memref<128xi32, #tpu.memory_space<vmem>>) semaphore(%run_scoped3A_458 : memref<!tpu.dma_semaphore, #tpu.memory_space<semaphore_mem>>) {add = true}
        %dma_wait3A_469 = arith.constant 0 : i32
        %dma_wait3A_470 = arith.constant 0 : i32
        %dma_wait3A_471 = tpu.memref_slice %arg9[%run_scoped3A_225, %dma_wait3A_469, %dma_wait3A_470] : memref<2x128x128xf32, #tpu.memory_space<vmem>> -> memref<1x128x128xf32, #tpu.memory_space<vmem>>
        %dma_wait3A_472 = tpu.memref_squeeze %dma_wait3A_471 : memref<1x128x128xf32, #tpu.memory_space<vmem>> -> memref<128x128xf32, #tpu.memory_space<vmem>>
        %dma_wait3A_473 = arith.constant 0 : i32
        %dma_wait3A_474 = tpu.memref_slice %arg8[%rem3A_48, %run_scoped3A_226, %dma_wait3A_473] : memref<2x16x128xi32, #tpu.memory_space<vmem>> -> memref<1x1x128xi32, #tpu.memory_space<vmem>>
        %dma_wait3A_475 = tpu.memref_squeeze %dma_wait3A_474 : memref<1x1x128xi32, #tpu.memory_space<vmem>> -> memref<128xi32, #tpu.memory_space<vmem>>
        %dma_wait3A_476 = arith.constant 0 : i32
        %dma_wait3A_477 = arith.constant 0 : i32
        %dma_wait3A_478 = tpu.memref_slice %arg10[%dma_wait3A_476, %dma_wait3A_477] : memref<10240x128xf32, #tpu.memory_space<vmem_shared>> -> memref<10240x128xf32, #tpu.memory_space<vmem_shared>>
        tpu.wait_indirect_dma semaphore(%run_scoped3A_458 : memref<!tpu.dma_semaphore, #tpu.memory_space<semaphore_mem>>) src(%dma_wait3A_472 : memref<128x128xf32, #tpu.memory_space<vmem>>) dst(%dma_wait3A_478 : memref<10240x128xf32, #tpu.memory_space<vmem_shared>>)
        tpu.yield
      }) : () -> ()
      %dma_start3A_227 = arith.constant 8 : i32
      %dma_start3A_228 = arith.constant 0 : i32
      %dma_start3A_229 = arith.constant 0 : i32
      %dma_start3A_230 = arith.constant 0 : i32
      %dma_start3A_231 = tpu.memref_slice %arg9[%dma_start3A_228, %dma_start3A_229, %dma_start3A_230] : memref<2x128x128xf32, #tpu.memory_space<vmem>> -> memref<1x128x128xf32, #tpu.memory_space<vmem>>
      %dma_start3A_232 = tpu.memref_squeeze %dma_start3A_231 : memref<1x128x128xf32, #tpu.memory_space<vmem>> -> memref<128x128xf32, #tpu.memory_space<vmem>>
      %dma_start3A_233 = arith.constant 0 : i32
      %dma_start3A_234 = tpu.memref_slice %arg7[%rem3A_48, %dma_start3A_227, %dma_start3A_233] : memref<2x16x128xi32, #tpu.memory_space<vmem>> -> memref<1x1x128xi32, #tpu.memory_space<vmem>>
      %dma_start3A_235 = tpu.memref_squeeze %dma_start3A_234 : memref<1x1x128xi32, #tpu.memory_space<vmem>> -> memref<128xi32, #tpu.memory_space<vmem>>
      %dma_start3A_236 = arith.constant 0 : i32
      %dma_start3A_237 = arith.constant 0 : i32
      %dma_start3A_238 = tpu.memref_slice %arg4[%dma_start3A_236, %dma_start3A_237] : memref<10000x128xf32, #tpu.memory_space<hbm>> -> memref<10000x128xf32, #tpu.memory_space<hbm>>
      tpu.enqueue_indirect_dma source(%dma_start3A_238 : memref<10000x128xf32, #tpu.memory_space<hbm>>) target(%dma_start3A_232 : memref<128x128xf32, #tpu.memory_space<vmem>>) offsets(%dma_start3A_235 : memref<128xi32, #tpu.memory_space<vmem>>) semaphore(%arg11 : memref<!tpu.dma_semaphore, #tpu.memory_space<semaphore_mem>>)
      %dma_wait3A_239 = arith.constant 7 : i32
      %dma_wait3A_240 = arith.constant 1 : i32
      %dma_wait3A_241 = arith.constant 0 : i32
      %dma_wait3A_242 = arith.constant 0 : i32
      %dma_wait3A_243 = tpu.memref_slice %arg9[%dma_wait3A_240, %dma_wait3A_241, %dma_wait3A_242] : memref<2x128x128xf32, #tpu.memory_space<vmem>> -> memref<1x128x128xf32, #tpu.memory_space<vmem>>
      %dma_wait3A_244 = tpu.memref_squeeze %dma_wait3A_243 : memref<1x128x128xf32, #tpu.memory_space<vmem>> -> memref<128x128xf32, #tpu.memory_space<vmem>>
      %dma_wait3A_245 = arith.constant 0 : i32
      %dma_wait3A_246 = tpu.memref_slice %arg7[%rem3A_48, %dma_wait3A_239, %dma_wait3A_245] : memref<2x16x128xi32, #tpu.memory_space<vmem>> -> memref<1x1x128xi32, #tpu.memory_space<vmem>>
      %dma_wait3A_247 = tpu.memref_squeeze %dma_wait3A_246 : memref<1x1x128xi32, #tpu.memory_space<vmem>> -> memref<128xi32, #tpu.memory_space<vmem>>
      %dma_wait3A_248 = arith.constant 0 : i32
      %dma_wait3A_249 = arith.constant 0 : i32
      %dma_wait3A_250 = tpu.memref_slice %arg4[%dma_wait3A_248, %dma_wait3A_249] : memref<10000x128xf32, #tpu.memory_space<hbm>> -> memref<10000x128xf32, #tpu.memory_space<hbm>>
      tpu.wait_indirect_dma semaphore(%arg12 : memref<!tpu.dma_semaphore, #tpu.memory_space<semaphore_mem>>) src(%dma_wait3A_250 : memref<10000x128xf32, #tpu.memory_space<hbm>>) dst(%dma_wait3A_244 : memref<128x128xf32, #tpu.memory_space<vmem>>)
      %run_scoped3A_251 = arith.constant 1 : i32
      %run_scoped3A_252 = arith.constant 7 : i32
      "tpu.region"() ({
        %run_scoped3A_458 = tpu.sem_alloc : memref<!tpu.dma_semaphore, #tpu.memory_space<semaphore_mem>>
        %dma_start3A_459 = arith.constant 0 : i32
        %dma_start3A_460 = arith.constant 0 : i32
        %dma_start3A_461 = tpu.memref_slice %arg9[%run_scoped3A_251, %dma_start3A_459, %dma_start3A_460] : memref<2x128x128xf32, #tpu.memory_space<vmem>> -> memref<1x128x128xf32, #tpu.memory_space<vmem>>
        %dma_start3A_462 = tpu.memref_squeeze %dma_start3A_461 : memref<1x128x128xf32, #tpu.memory_space<vmem>> -> memref<128x128xf32, #tpu.memory_space<vmem>>
        %dma_start3A_463 = arith.constant 0 : i32
        %dma_start3A_464 = tpu.memref_slice %arg8[%rem3A_48, %run_scoped3A_252, %dma_start3A_463] : memref<2x16x128xi32, #tpu.memory_space<vmem>> -> memref<1x1x128xi32, #tpu.memory_space<vmem>>
        %dma_start3A_465 = tpu.memref_squeeze %dma_start3A_464 : memref<1x1x128xi32, #tpu.memory_space<vmem>> -> memref<128xi32, #tpu.memory_space<vmem>>
        %dma_start3A_466 = arith.constant 0 : i32
        %dma_start3A_467 = arith.constant 0 : i32
        %dma_start3A_468 = tpu.memref_slice %arg10[%dma_start3A_466, %dma_start3A_467] : memref<10240x128xf32, #tpu.memory_space<vmem_shared>> -> memref<10240x128xf32, #tpu.memory_space<vmem_shared>>
        tpu.enqueue_indirect_dma source(%dma_start3A_462 : memref<128x128xf32, #tpu.memory_space<vmem>>) target(%dma_start3A_468 : memref<10240x128xf32, #tpu.memory_space<vmem_shared>>) offsets(%dma_start3A_465 : memref<128xi32, #tpu.memory_space<vmem>>) semaphore(%run_scoped3A_458 : memref<!tpu.dma_semaphore, #tpu.memory_space<semaphore_mem>>) {add = true}
        %dma_wait3A_469 = arith.constant 0 : i32
        %dma_wait3A_470 = arith.constant 0 : i32
        %dma_wait3A_471 = tpu.memref_slice %arg9[%run_scoped3A_251, %dma_wait3A_469, %dma_wait3A_470] : memref<2x128x128xf32, #tpu.memory_space<vmem>> -> memref<1x128x128xf32, #tpu.memory_space<vmem>>
        %dma_wait3A_472 = tpu.memref_squeeze %dma_wait3A_471 : memref<1x128x128xf32, #tpu.memory_space<vmem>> -> memref<128x128xf32, #tpu.memory_space<vmem>>
        %dma_wait3A_473 = arith.constant 0 : i32
        %dma_wait3A_474 = tpu.memref_slice %arg8[%rem3A_48, %run_scoped3A_252, %dma_wait3A_473] : memref<2x16x128xi32, #tpu.memory_space<vmem>> -> memref<1x1x128xi32, #tpu.memory_space<vmem>>
        %dma_wait3A_475 = tpu.memref_squeeze %dma_wait3A_474 : memref<1x1x128xi32, #tpu.memory_space<vmem>> -> memref<128xi32, #tpu.memory_space<vmem>>
        %dma_wait3A_476 = arith.constant 0 : i32
        %dma_wait3A_477 = arith.constant 0 : i32
        %dma_wait3A_478 = tpu.memref_slice %arg10[%dma_wait3A_476, %dma_wait3A_477] : memref<10240x128xf32, #tpu.memory_space<vmem_shared>> -> memref<10240x128xf32, #tpu.memory_space<vmem_shared>>
        tpu.wait_indirect_dma semaphore(%run_scoped3A_458 : memref<!tpu.dma_semaphore, #tpu.memory_space<semaphore_mem>>) src(%dma_wait3A_472 : memref<128x128xf32, #tpu.memory_space<vmem>>) dst(%dma_wait3A_478 : memref<10240x128xf32, #tpu.memory_space<vmem_shared>>)
        tpu.yield
      }) : () -> ()
      %dma_start3A_253 = arith.constant 9 : i32
      %dma_start3A_254 = arith.constant 1 : i32
      %dma_start3A_255 = arith.constant 0 : i32
      %dma_start3A_256 = arith.constant 0 : i32
      %dma_start3A_257 = tpu.memref_slice %arg9[%dma_start3A_254, %dma_start3A_255, %dma_start3A_256] : memref<2x128x128xf32, #tpu.memory_space<vmem>> -> memref<1x128x128xf32, #tpu.memory_space<vmem>>
      %dma_start3A_258 = tpu.memref_squeeze %dma_start3A_257 : memref<1x128x128xf32, #tpu.memory_space<vmem>> -> memref<128x128xf32, #tpu.memory_space<vmem>>
      %dma_start3A_259 = arith.constant 0 : i32
      %dma_start3A_260 = tpu.memref_slice %arg7[%rem3A_48, %dma_start3A_253, %dma_start3A_259] : memref<2x16x128xi32, #tpu.memory_space<vmem>> -> memref<1x1x128xi32, #tpu.memory_space<vmem>>
      %dma_start3A_261 = tpu.memref_squeeze %dma_start3A_260 : memref<1x1x128xi32, #tpu.memory_space<vmem>> -> memref<128xi32, #tpu.memory_space<vmem>>
      %dma_start3A_262 = arith.constant 0 : i32
      %dma_start3A_263 = arith.constant 0 : i32
      %dma_start3A_264 = tpu.memref_slice %arg4[%dma_start3A_262, %dma_start3A_263] : memref<10000x128xf32, #tpu.memory_space<hbm>> -> memref<10000x128xf32, #tpu.memory_space<hbm>>
      tpu.enqueue_indirect_dma source(%dma_start3A_264 : memref<10000x128xf32, #tpu.memory_space<hbm>>) target(%dma_start3A_258 : memref<128x128xf32, #tpu.memory_space<vmem>>) offsets(%dma_start3A_261 : memref<128xi32, #tpu.memory_space<vmem>>) semaphore(%arg12 : memref<!tpu.dma_semaphore, #tpu.memory_space<semaphore_mem>>)
      %dma_wait3A_265 = arith.constant 8 : i32
      %dma_wait3A_266 = arith.constant 0 : i32
      %dma_wait3A_267 = arith.constant 0 : i32
      %dma_wait3A_268 = arith.constant 0 : i32
      %dma_wait3A_269 = tpu.memref_slice %arg9[%dma_wait3A_266, %dma_wait3A_267, %dma_wait3A_268] : memref<2x128x128xf32, #tpu.memory_space<vmem>> -> memref<1x128x128xf32, #tpu.memory_space<vmem>>
      %dma_wait3A_270 = tpu.memref_squeeze %dma_wait3A_269 : memref<1x128x128xf32, #tpu.memory_space<vmem>> -> memref<128x128xf32, #tpu.memory_space<vmem>>
      %dma_wait3A_271 = arith.constant 0 : i32
      %dma_wait3A_272 = tpu.memref_slice %arg7[%rem3A_48, %dma_wait3A_265, %dma_wait3A_271] : memref<2x16x128xi32, #tpu.memory_space<vmem>> -> memref<1x1x128xi32, #tpu.memory_space<vmem>>
      %dma_wait3A_273 = tpu.memref_squeeze %dma_wait3A_272 : memref<1x1x128xi32, #tpu.memory_space<vmem>> -> memref<128xi32, #tpu.memory_space<vmem>>
      %dma_wait3A_274 = arith.constant 0 : i32
      %dma_wait3A_275 = arith.constant 0 : i32
      %dma_wait3A_276 = tpu.memref_slice %arg4[%dma_wait3A_274, %dma_wait3A_275] : memref<10000x128xf32, #tpu.memory_space<hbm>> -> memref<10000x128xf32, #tpu.memory_space<hbm>>
      tpu.wait_indirect_dma semaphore(%arg11 : memref<!tpu.dma_semaphore, #tpu.memory_space<semaphore_mem>>) src(%dma_wait3A_276 : memref<10000x128xf32, #tpu.memory_space<hbm>>) dst(%dma_wait3A_270 : memref<128x128xf32, #tpu.memory_space<vmem>>)
      %run_scoped3A_277 = arith.constant 0 : i32
      %run_scoped3A_278 = arith.constant 8 : i32
      "tpu.region"() ({
        %run_scoped3A_458 = tpu.sem_alloc : memref<!tpu.dma_semaphore, #tpu.memory_space<semaphore_mem>>
        %dma_start3A_459 = arith.constant 0 : i32
        %dma_start3A_460 = arith.constant 0 : i32
        %dma_start3A_461 = tpu.memref_slice %arg9[%run_scoped3A_277, %dma_start3A_459, %dma_start3A_460] : memref<2x128x128xf32, #tpu.memory_space<vmem>> -> memref<1x128x128xf32, #tpu.memory_space<vmem>>
        %dma_start3A_462 = tpu.memref_squeeze %dma_start3A_461 : memref<1x128x128xf32, #tpu.memory_space<vmem>> -> memref<128x128xf32, #tpu.memory_space<vmem>>
        %dma_start3A_463 = arith.constant 0 : i32
        %dma_start3A_464 = tpu.memref_slice %arg8[%rem3A_48, %run_scoped3A_278, %dma_start3A_463] : memref<2x16x128xi32, #tpu.memory_space<vmem>> -> memref<1x1x128xi32, #tpu.memory_space<vmem>>
        %dma_start3A_465 = tpu.memref_squeeze %dma_start3A_464 : memref<1x1x128xi32, #tpu.memory_space<vmem>> -> memref<128xi32, #tpu.memory_space<vmem>>
        %dma_start3A_466 = arith.constant 0 : i32
        %dma_start3A_467 = arith.constant 0 : i32
        %dma_start3A_468 = tpu.memref_slice %arg10[%dma_start3A_466, %dma_start3A_467] : memref<10240x128xf32, #tpu.memory_space<vmem_shared>> -> memref<10240x128xf32, #tpu.memory_space<vmem_shared>>
        tpu.enqueue_indirect_dma source(%dma_start3A_462 : memref<128x128xf32, #tpu.memory_space<vmem>>) target(%dma_start3A_468 : memref<10240x128xf32, #tpu.memory_space<vmem_shared>>) offsets(%dma_start3A_465 : memref<128xi32, #tpu.memory_space<vmem>>) semaphore(%run_scoped3A_458 : memref<!tpu.dma_semaphore, #tpu.memory_space<semaphore_mem>>) {add = true}
        %dma_wait3A_469 = arith.constant 0 : i32
        %dma_wait3A_470 = arith.constant 0 : i32
        %dma_wait3A_471 = tpu.memref_slice %arg9[%run_scoped3A_277, %dma_wait3A_469, %dma_wait3A_470] : memref<2x128x128xf32, #tpu.memory_space<vmem>> -> memref<1x128x128xf32, #tpu.memory_space<vmem>>
        %dma_wait3A_472 = tpu.memref_squeeze %dma_wait3A_471 : memref<1x128x128xf32, #tpu.memory_space<vmem>> -> memref<128x128xf32, #tpu.memory_space<vmem>>
        %dma_wait3A_473 = arith.constant 0 : i32
        %dma_wait3A_474 = tpu.memref_slice %arg8[%rem3A_48, %run_scoped3A_278, %dma_wait3A_473] : memref<2x16x128xi32, #tpu.memory_space<vmem>> -> memref<1x1x128xi32, #tpu.memory_space<vmem>>
        %dma_wait3A_475 = tpu.memref_squeeze %dma_wait3A_474 : memref<1x1x128xi32, #tpu.memory_space<vmem>> -> memref<128xi32, #tpu.memory_space<vmem>>
        %dma_wait3A_476 = arith.constant 0 : i32
        %dma_wait3A_477 = arith.constant 0 : i32
        %dma_wait3A_478 = tpu.memref_slice %arg10[%dma_wait3A_476, %dma_wait3A_477] : memref<10240x128xf32, #tpu.memory_space<vmem_shared>> -> memref<10240x128xf32, #tpu.memory_space<vmem_shared>>
        tpu.wait_indirect_dma semaphore(%run_scoped3A_458 : memref<!tpu.dma_semaphore, #tpu.memory_space<semaphore_mem>>) src(%dma_wait3A_472 : memref<128x128xf32, #tpu.memory_space<vmem>>) dst(%dma_wait3A_478 : memref<10240x128xf32, #tpu.memory_space<vmem_shared>>)
        tpu.yield
      }) : () -> ()
      %dma_start3A_279 = arith.constant 10 : i32
      %dma_start3A_280 = arith.constant 0 : i32
      %dma_start3A_281 = arith.constant 0 : i32
      %dma_start3A_282 = arith.constant 0 : i32
      %dma_start3A_283 = tpu.memref_slice %arg9[%dma_start3A_280, %dma_start3A_281, %dma_start3A_282] : memref<2x128x128xf32, #tpu.memory_space<vmem>> -> memref<1x128x128xf32, #tpu.memory_space<vmem>>
      %dma_start3A_284 = tpu.memref_squeeze %dma_start3A_283 : memref<1x128x128xf32, #tpu.memory_space<vmem>> -> memref<128x128xf32, #tpu.memory_space<vmem>>
      %dma_start3A_285 = arith.constant 0 : i32
      %dma_start3A_286 = tpu.memref_slice %arg7[%rem3A_48, %dma_start3A_279, %dma_start3A_285] : memref<2x16x128xi32, #tpu.memory_space<vmem>> -> memref<1x1x128xi32, #tpu.memory_space<vmem>>
      %dma_start3A_287 = tpu.memref_squeeze %dma_start3A_286 : memref<1x1x128xi32, #tpu.memory_space<vmem>> -> memref<128xi32, #tpu.memory_space<vmem>>
      %dma_start3A_288 = arith.constant 0 : i32
      %dma_start3A_289 = arith.constant 0 : i32
      %dma_start3A_290 = tpu.memref_slice %arg4[%dma_start3A_288, %dma_start3A_289] : memref<10000x128xf32, #tpu.memory_space<hbm>> -> memref<10000x128xf32, #tpu.memory_space<hbm>>
      tpu.enqueue_indirect_dma source(%dma_start3A_290 : memref<10000x128xf32, #tpu.memory_space<hbm>>) target(%dma_start3A_284 : memref<128x128xf32, #tpu.memory_space<vmem>>) offsets(%dma_start3A_287 : memref<128xi32, #tpu.memory_space<vmem>>) semaphore(%arg11 : memref<!tpu.dma_semaphore, #tpu.memory_space<semaphore_mem>>)
      %dma_wait3A_291 = arith.constant 9 : i32
      %dma_wait3A_292 = arith.constant 1 : i32
      %dma_wait3A_293 = arith.constant 0 : i32
      %dma_wait3A_294 = arith.constant 0 : i32
      %dma_wait3A_295 = tpu.memref_slice %arg9[%dma_wait3A_292, %dma_wait3A_293, %dma_wait3A_294] : memref<2x128x128xf32, #tpu.memory_space<vmem>> -> memref<1x128x128xf32, #tpu.memory_space<vmem>>
      %dma_wait3A_296 = tpu.memref_squeeze %dma_wait3A_295 : memref<1x128x128xf32, #tpu.memory_space<vmem>> -> memref<128x128xf32, #tpu.memory_space<vmem>>
      %dma_wait3A_297 = arith.constant 0 : i32
      %dma_wait3A_298 = tpu.memref_slice %arg7[%rem3A_48, %dma_wait3A_291, %dma_wait3A_297] : memref<2x16x128xi32, #tpu.memory_space<vmem>> -> memref<1x1x128xi32, #tpu.memory_space<vmem>>
      %dma_wait3A_299 = tpu.memref_squeeze %dma_wait3A_298 : memref<1x1x128xi32, #tpu.memory_space<vmem>> -> memref<128xi32, #tpu.memory_space<vmem>>
      %dma_wait3A_300 = arith.constant 0 : i32
      %dma_wait3A_301 = arith.constant 0 : i32
      %dma_wait3A_302 = tpu.memref_slice %arg4[%dma_wait3A_300, %dma_wait3A_301] : memref<10000x128xf32, #tpu.memory_space<hbm>> -> memref<10000x128xf32, #tpu.memory_space<hbm>>
      tpu.wait_indirect_dma semaphore(%arg12 : memref<!tpu.dma_semaphore, #tpu.memory_space<semaphore_mem>>) src(%dma_wait3A_302 : memref<10000x128xf32, #tpu.memory_space<hbm>>) dst(%dma_wait3A_296 : memref<128x128xf32, #tpu.memory_space<vmem>>)
      %run_scoped3A_303 = arith.constant 1 : i32
      %run_scoped3A_304 = arith.constant 9 : i32
      "tpu.region"() ({
        %run_scoped3A_458 = tpu.sem_alloc : memref<!tpu.dma_semaphore, #tpu.memory_space<semaphore_mem>>
        %dma_start3A_459 = arith.constant 0 : i32
        %dma_start3A_460 = arith.constant 0 : i32
        %dma_start3A_461 = tpu.memref_slice %arg9[%run_scoped3A_303, %dma_start3A_459, %dma_start3A_460] : memref<2x128x128xf32, #tpu.memory_space<vmem>> -> memref<1x128x128xf32, #tpu.memory_space<vmem>>
        %dma_start3A_462 = tpu.memref_squeeze %dma_start3A_461 : memref<1x128x128xf32, #tpu.memory_space<vmem>> -> memref<128x128xf32, #tpu.memory_space<vmem>>
        %dma_start3A_463 = arith.constant 0 : i32
        %dma_start3A_464 = tpu.memref_slice %arg8[%rem3A_48, %run_scoped3A_304, %dma_start3A_463] : memref<2x16x128xi32, #tpu.memory_space<vmem>> -> memref<1x1x128xi32, #tpu.memory_space<vmem>>
        %dma_start3A_465 = tpu.memref_squeeze %dma_start3A_464 : memref<1x1x128xi32, #tpu.memory_space<vmem>> -> memref<128xi32, #tpu.memory_space<vmem>>
        %dma_start3A_466 = arith.constant 0 : i32
        %dma_start3A_467 = arith.constant 0 : i32
        %dma_start3A_468 = tpu.memref_slice %arg10[%dma_start3A_466, %dma_start3A_467] : memref<10240x128xf32, #tpu.memory_space<vmem_shared>> -> memref<10240x128xf32, #tpu.memory_space<vmem_shared>>
        tpu.enqueue_indirect_dma source(%dma_start3A_462 : memref<128x128xf32, #tpu.memory_space<vmem>>) target(%dma_start3A_468 : memref<10240x128xf32, #tpu.memory_space<vmem_shared>>) offsets(%dma_start3A_465 : memref<128xi32, #tpu.memory_space<vmem>>) semaphore(%run_scoped3A_458 : memref<!tpu.dma_semaphore, #tpu.memory_space<semaphore_mem>>) {add = true}
        %dma_wait3A_469 = arith.constant 0 : i32
        %dma_wait3A_470 = arith.constant 0 : i32
        %dma_wait3A_471 = tpu.memref_slice %arg9[%run_scoped3A_303, %dma_wait3A_469, %dma_wait3A_470] : memref<2x128x128xf32, #tpu.memory_space<vmem>> -> memref<1x128x128xf32, #tpu.memory_space<vmem>>
        %dma_wait3A_472 = tpu.memref_squeeze %dma_wait3A_471 : memref<1x128x128xf32, #tpu.memory_space<vmem>> -> memref<128x128xf32, #tpu.memory_space<vmem>>
        %dma_wait3A_473 = arith.constant 0 : i32
        %dma_wait3A_474 = tpu.memref_slice %arg8[%rem3A_48, %run_scoped3A_304, %dma_wait3A_473] : memref<2x16x128xi32, #tpu.memory_space<vmem>> -> memref<1x1x128xi32, #tpu.memory_space<vmem>>
        %dma_wait3A_475 = tpu.memref_squeeze %dma_wait3A_474 : memref<1x1x128xi32, #tpu.memory_space<vmem>> -> memref<128xi32, #tpu.memory_space<vmem>>
        %dma_wait3A_476 = arith.constant 0 : i32
        %dma_wait3A_477 = arith.constant 0 : i32
        %dma_wait3A_478 = tpu.memref_slice %arg10[%dma_wait3A_476, %dma_wait3A_477] : memref<10240x128xf32, #tpu.memory_space<vmem_shared>> -> memref<10240x128xf32, #tpu.memory_space<vmem_shared>>
        tpu.wait_indirect_dma semaphore(%run_scoped3A_458 : memref<!tpu.dma_semaphore, #tpu.memory_space<semaphore_mem>>) src(%dma_wait3A_472 : memref<128x128xf32, #tpu.memory_space<vmem>>) dst(%dma_wait3A_478 : memref<10240x128xf32, #tpu.memory_space<vmem_shared>>)
        tpu.yield
      }) : () -> ()
      %dma_start3A_305 = arith.constant 11 : i32
      %dma_start3A_306 = arith.constant 1 : i32
      %dma_start3A_307 = arith.constant 0 : i32
      %dma_start3A_308 = arith.constant 0 : i32
      %dma_start3A_309 = tpu.memref_slice %arg9[%dma_start3A_306, %dma_start3A_307, %dma_start3A_308] : memref<2x128x128xf32, #tpu.memory_space<vmem>> -> memref<1x128x128xf32, #tpu.memory_space<vmem>>
      %dma_start3A_310 = tpu.memref_squeeze %dma_start3A_309 : memref<1x128x128xf32, #tpu.memory_space<vmem>> -> memref<128x128xf32, #tpu.memory_space<vmem>>
      %dma_start3A_311 = arith.constant 0 : i32
      %dma_start3A_312 = tpu.memref_slice %arg7[%rem3A_48, %dma_start3A_305, %dma_start3A_311] : memref<2x16x128xi32, #tpu.memory_space<vmem>> -> memref<1x1x128xi32, #tpu.memory_space<vmem>>
      %dma_start3A_313 = tpu.memref_squeeze %dma_start3A_312 : memref<1x1x128xi32, #tpu.memory_space<vmem>> -> memref<128xi32, #tpu.memory_space<vmem>>
      %dma_start3A_314 = arith.constant 0 : i32
      %dma_start3A_315 = arith.constant 0 : i32
      %dma_start3A_316 = tpu.memref_slice %arg4[%dma_start3A_314, %dma_start3A_315] : memref<10000x128xf32, #tpu.memory_space<hbm>> -> memref<10000x128xf32, #tpu.memory_space<hbm>>
      tpu.enqueue_indirect_dma source(%dma_start3A_316 : memref<10000x128xf32, #tpu.memory_space<hbm>>) target(%dma_start3A_310 : memref<128x128xf32, #tpu.memory_space<vmem>>) offsets(%dma_start3A_313 : memref<128xi32, #tpu.memory_space<vmem>>) semaphore(%arg12 : memref<!tpu.dma_semaphore, #tpu.memory_space<semaphore_mem>>)
      %dma_wait3A_317 = arith.constant 10 : i32
      %dma_wait3A_318 = arith.constant 0 : i32
      %dma_wait3A_319 = arith.constant 0 : i32
      %dma_wait3A_320 = arith.constant 0 : i32
      %dma_wait3A_321 = tpu.memref_slice %arg9[%dma_wait3A_318, %dma_wait3A_319, %dma_wait3A_320] : memref<2x128x128xf32, #tpu.memory_space<vmem>> -> memref<1x128x128xf32, #tpu.memory_space<vmem>>
      %dma_wait3A_322 = tpu.memref_squeeze %dma_wait3A_321 : memref<1x128x128xf32, #tpu.memory_space<vmem>> -> memref<128x128xf32, #tpu.memory_space<vmem>>
      %dma_wait3A_323 = arith.constant 0 : i32
      %dma_wait3A_324 = tpu.memref_slice %arg7[%rem3A_48, %dma_wait3A_317, %dma_wait3A_323] : memref<2x16x128xi32, #tpu.memory_space<vmem>> -> memref<1x1x128xi32, #tpu.memory_space<vmem>>
      %dma_wait3A_325 = tpu.memref_squeeze %dma_wait3A_324 : memref<1x1x128xi32, #tpu.memory_space<vmem>> -> memref<128xi32, #tpu.memory_space<vmem>>
      %dma_wait3A_326 = arith.constant 0 : i32
      %dma_wait3A_327 = arith.constant 0 : i32
      %dma_wait3A_328 = tpu.memref_slice %arg4[%dma_wait3A_326, %dma_wait3A_327] : memref<10000x128xf32, #tpu.memory_space<hbm>> -> memref<10000x128xf32, #tpu.memory_space<hbm>>
      tpu.wait_indirect_dma semaphore(%arg11 : memref<!tpu.dma_semaphore, #tpu.memory_space<semaphore_mem>>) src(%dma_wait3A_328 : memref<10000x128xf32, #tpu.memory_space<hbm>>) dst(%dma_wait3A_322 : memref<128x128xf32, #tpu.memory_space<vmem>>)
      %run_scoped3A_329 = arith.constant 0 : i32
      %run_scoped3A_330 = arith.constant 10 : i32
      "tpu.region"() ({
        %run_scoped3A_458 = tpu.sem_alloc : memref<!tpu.dma_semaphore, #tpu.memory_space<semaphore_mem>>
        %dma_start3A_459 = arith.constant 0 : i32
        %dma_start3A_460 = arith.constant 0 : i32
        %dma_start3A_461 = tpu.memref_slice %arg9[%run_scoped3A_329, %dma_start3A_459, %dma_start3A_460] : memref<2x128x128xf32, #tpu.memory_space<vmem>> -> memref<1x128x128xf32, #tpu.memory_space<vmem>>
        %dma_start3A_462 = tpu.memref_squeeze %dma_start3A_461 : memref<1x128x128xf32, #tpu.memory_space<vmem>> -> memref<128x128xf32, #tpu.memory_space<vmem>>
        %dma_start3A_463 = arith.constant 0 : i32
        %dma_start3A_464 = tpu.memref_slice %arg8[%rem3A_48, %run_scoped3A_330, %dma_start3A_463] : memref<2x16x128xi32, #tpu.memory_space<vmem>> -> memref<1x1x128xi32, #tpu.memory_space<vmem>>
        %dma_start3A_465 = tpu.memref_squeeze %dma_start3A_464 : memref<1x1x128xi32, #tpu.memory_space<vmem>> -> memref<128xi32, #tpu.memory_space<vmem>>
        %dma_start3A_466 = arith.constant 0 : i32
        %dma_start3A_467 = arith.constant 0 : i32
        %dma_start3A_468 = tpu.memref_slice %arg10[%dma_start3A_466, %dma_start3A_467] : memref<10240x128xf32, #tpu.memory_space<vmem_shared>> -> memref<10240x128xf32, #tpu.memory_space<vmem_shared>>
        tpu.enqueue_indirect_dma source(%dma_start3A_462 : memref<128x128xf32, #tpu.memory_space<vmem>>) target(%dma_start3A_468 : memref<10240x128xf32, #tpu.memory_space<vmem_shared>>) offsets(%dma_start3A_465 : memref<128xi32, #tpu.memory_space<vmem>>) semaphore(%run_scoped3A_458 : memref<!tpu.dma_semaphore, #tpu.memory_space<semaphore_mem>>) {add = true}
        %dma_wait3A_469 = arith.constant 0 : i32
        %dma_wait3A_470 = arith.constant 0 : i32
        %dma_wait3A_471 = tpu.memref_slice %arg9[%run_scoped3A_329, %dma_wait3A_469, %dma_wait3A_470] : memref<2x128x128xf32, #tpu.memory_space<vmem>> -> memref<1x128x128xf32, #tpu.memory_space<vmem>>
        %dma_wait3A_472 = tpu.memref_squeeze %dma_wait3A_471 : memref<1x128x128xf32, #tpu.memory_space<vmem>> -> memref<128x128xf32, #tpu.memory_space<vmem>>
        %dma_wait3A_473 = arith.constant 0 : i32
        %dma_wait3A_474 = tpu.memref_slice %arg8[%rem3A_48, %run_scoped3A_330, %dma_wait3A_473] : memref<2x16x128xi32, #tpu.memory_space<vmem>> -> memref<1x1x128xi32, #tpu.memory_space<vmem>>
        %dma_wait3A_475 = tpu.memref_squeeze %dma_wait3A_474 : memref<1x1x128xi32, #tpu.memory_space<vmem>> -> memref<128xi32, #tpu.memory_space<vmem>>
        %dma_wait3A_476 = arith.constant 0 : i32
        %dma_wait3A_477 = arith.constant 0 : i32
        %dma_wait3A_478 = tpu.memref_slice %arg10[%dma_wait3A_476, %dma_wait3A_477] : memref<10240x128xf32, #tpu.memory_space<vmem_shared>> -> memref<10240x128xf32, #tpu.memory_space<vmem_shared>>
        tpu.wait_indirect_dma semaphore(%run_scoped3A_458 : memref<!tpu.dma_semaphore, #tpu.memory_space<semaphore_mem>>) src(%dma_wait3A_472 : memref<128x128xf32, #tpu.memory_space<vmem>>) dst(%dma_wait3A_478 : memref<10240x128xf32, #tpu.memory_space<vmem_shared>>)
        tpu.yield
      }) : () -> ()
      %dma_start3A_331 = arith.constant 12 : i32
      %dma_start3A_332 = arith.constant 0 : i32
      %dma_start3A_333 = arith.constant 0 : i32
      %dma_start3A_334 = arith.constant 0 : i32
      %dma_start3A_335 = tpu.memref_slice %arg9[%dma_start3A_332, %dma_start3A_333, %dma_start3A_334] : memref<2x128x128xf32, #tpu.memory_space<vmem>> -> memref<1x128x128xf32, #tpu.memory_space<vmem>>
      %dma_start3A_336 = tpu.memref_squeeze %dma_start3A_335 : memref<1x128x128xf32, #tpu.memory_space<vmem>> -> memref<128x128xf32, #tpu.memory_space<vmem>>
      %dma_start3A_337 = arith.constant 0 : i32
      %dma_start3A_338 = tpu.memref_slice %arg7[%rem3A_48, %dma_start3A_331, %dma_start3A_337] : memref<2x16x128xi32, #tpu.memory_space<vmem>> -> memref<1x1x128xi32, #tpu.memory_space<vmem>>
      %dma_start3A_339 = tpu.memref_squeeze %dma_start3A_338 : memref<1x1x128xi32, #tpu.memory_space<vmem>> -> memref<128xi32, #tpu.memory_space<vmem>>
      %dma_start3A_340 = arith.constant 0 : i32
      %dma_start3A_341 = arith.constant 0 : i32
      %dma_start3A_342 = tpu.memref_slice %arg4[%dma_start3A_340, %dma_start3A_341] : memref<10000x128xf32, #tpu.memory_space<hbm>> -> memref<10000x128xf32, #tpu.memory_space<hbm>>
      tpu.enqueue_indirect_dma source(%dma_start3A_342 : memref<10000x128xf32, #tpu.memory_space<hbm>>) target(%dma_start3A_336 : memref<128x128xf32, #tpu.memory_space<vmem>>) offsets(%dma_start3A_339 : memref<128xi32, #tpu.memory_space<vmem>>) semaphore(%arg11 : memref<!tpu.dma_semaphore, #tpu.memory_space<semaphore_mem>>)
      %dma_wait3A_343 = arith.constant 11 : i32
      %dma_wait3A_344 = arith.constant 1 : i32
      %dma_wait3A_345 = arith.constant 0 : i32
      %dma_wait3A_346 = arith.constant 0 : i32
      %dma_wait3A_347 = tpu.memref_slice %arg9[%dma_wait3A_344, %dma_wait3A_345, %dma_wait3A_346] : memref<2x128x128xf32, #tpu.memory_space<vmem>> -> memref<1x128x128xf32, #tpu.memory_space<vmem>>
      %dma_wait3A_348 = tpu.memref_squeeze %dma_wait3A_347 : memref<1x128x128xf32, #tpu.memory_space<vmem>> -> memref<128x128xf32, #tpu.memory_space<vmem>>
      %dma_wait3A_349 = arith.constant 0 : i32
      %dma_wait3A_350 = tpu.memref_slice %arg7[%rem3A_48, %dma_wait3A_343, %dma_wait3A_349] : memref<2x16x128xi32, #tpu.memory_space<vmem>> -> memref<1x1x128xi32, #tpu.memory_space<vmem>>
      %dma_wait3A_351 = tpu.memref_squeeze %dma_wait3A_350 : memref<1x1x128xi32, #tpu.memory_space<vmem>> -> memref<128xi32, #tpu.memory_space<vmem>>
      %dma_wait3A_352 = arith.constant 0 : i32
      %dma_wait3A_353 = arith.constant 0 : i32
      %dma_wait3A_354 = tpu.memref_slice %arg4[%dma_wait3A_352, %dma_wait3A_353] : memref<10000x128xf32, #tpu.memory_space<hbm>> -> memref<10000x128xf32, #tpu.memory_space<hbm>>
      tpu.wait_indirect_dma semaphore(%arg12 : memref<!tpu.dma_semaphore, #tpu.memory_space<semaphore_mem>>) src(%dma_wait3A_354 : memref<10000x128xf32, #tpu.memory_space<hbm>>) dst(%dma_wait3A_348 : memref<128x128xf32, #tpu.memory_space<vmem>>)
      %run_scoped3A_355 = arith.constant 1 : i32
      %run_scoped3A_356 = arith.constant 11 : i32
      "tpu.region"() ({
        %run_scoped3A_458 = tpu.sem_alloc : memref<!tpu.dma_semaphore, #tpu.memory_space<semaphore_mem>>
        %dma_start3A_459 = arith.constant 0 : i32
        %dma_start3A_460 = arith.constant 0 : i32
        %dma_start3A_461 = tpu.memref_slice %arg9[%run_scoped3A_355, %dma_start3A_459, %dma_start3A_460] : memref<2x128x128xf32, #tpu.memory_space<vmem>> -> memref<1x128x128xf32, #tpu.memory_space<vmem>>
        %dma_start3A_462 = tpu.memref_squeeze %dma_start3A_461 : memref<1x128x128xf32, #tpu.memory_space<vmem>> -> memref<128x128xf32, #tpu.memory_space<vmem>>
        %dma_start3A_463 = arith.constant 0 : i32
        %dma_start3A_464 = tpu.memref_slice %arg8[%rem3A_48, %run_scoped3A_356, %dma_start3A_463] : memref<2x16x128xi32, #tpu.memory_space<vmem>> -> memref<1x1x128xi32, #tpu.memory_space<vmem>>
        %dma_start3A_465 = tpu.memref_squeeze %dma_start3A_464 : memref<1x1x128xi32, #tpu.memory_space<vmem>> -> memref<128xi32, #tpu.memory_space<vmem>>
        %dma_start3A_466 = arith.constant 0 : i32
        %dma_start3A_467 = arith.constant 0 : i32
        %dma_start3A_468 = tpu.memref_slice %arg10[%dma_start3A_466, %dma_start3A_467] : memref<10240x128xf32, #tpu.memory_space<vmem_shared>> -> memref<10240x128xf32, #tpu.memory_space<vmem_shared>>
        tpu.enqueue_indirect_dma source(%dma_start3A_462 : memref<128x128xf32, #tpu.memory_space<vmem>>) target(%dma_start3A_468 : memref<10240x128xf32, #tpu.memory_space<vmem_shared>>) offsets(%dma_start3A_465 : memref<128xi32, #tpu.memory_space<vmem>>) semaphore(%run_scoped3A_458 : memref<!tpu.dma_semaphore, #tpu.memory_space<semaphore_mem>>) {add = true}
        %dma_wait3A_469 = arith.constant 0 : i32
        %dma_wait3A_470 = arith.constant 0 : i32
        %dma_wait3A_471 = tpu.memref_slice %arg9[%run_scoped3A_355, %dma_wait3A_469, %dma_wait3A_470] : memref<2x128x128xf32, #tpu.memory_space<vmem>> -> memref<1x128x128xf32, #tpu.memory_space<vmem>>
        %dma_wait3A_472 = tpu.memref_squeeze %dma_wait3A_471 : memref<1x128x128xf32, #tpu.memory_space<vmem>> -> memref<128x128xf32, #tpu.memory_space<vmem>>
        %dma_wait3A_473 = arith.constant 0 : i32
        %dma_wait3A_474 = tpu.memref_slice %arg8[%rem3A_48, %run_scoped3A_356, %dma_wait3A_473] : memref<2x16x128xi32, #tpu.memory_space<vmem>> -> memref<1x1x128xi32, #tpu.memory_space<vmem>>
        %dma_wait3A_475 = tpu.memref_squeeze %dma_wait3A_474 : memref<1x1x128xi32, #tpu.memory_space<vmem>> -> memref<128xi32, #tpu.memory_space<vmem>>
        %dma_wait3A_476 = arith.constant 0 : i32
        %dma_wait3A_477 = arith.constant 0 : i32
        %dma_wait3A_478 = tpu.memref_slice %arg10[%dma_wait3A_476, %dma_wait3A_477] : memref<10240x128xf32, #tpu.memory_space<vmem_shared>> -> memref<10240x128xf32, #tpu.memory_space<vmem_shared>>
        tpu.wait_indirect_dma semaphore(%run_scoped3A_458 : memref<!tpu.dma_semaphore, #tpu.memory_space<semaphore_mem>>) src(%dma_wait3A_472 : memref<128x128xf32, #tpu.memory_space<vmem>>) dst(%dma_wait3A_478 : memref<10240x128xf32, #tpu.memory_space<vmem_shared>>)
        tpu.yield
      }) : () -> ()
      %dma_start3A_357 = arith.constant 13 : i32
      %dma_start3A_358 = arith.constant 1 : i32
      %dma_start3A_359 = arith.constant 0 : i32
      %dma_start3A_360 = arith.constant 0 : i32
      %dma_start3A_361 = tpu.memref_slice %arg9[%dma_start3A_358, %dma_start3A_359, %dma_start3A_360] : memref<2x128x128xf32, #tpu.memory_space<vmem>> -> memref<1x128x128xf32, #tpu.memory_space<vmem>>
      %dma_start3A_362 = tpu.memref_squeeze %dma_start3A_361 : memref<1x128x128xf32, #tpu.memory_space<vmem>> -> memref<128x128xf32, #tpu.memory_space<vmem>>
      %dma_start3A_363 = arith.constant 0 : i32
      %dma_start3A_364 = tpu.memref_slice %arg7[%rem3A_48, %dma_start3A_357, %dma_start3A_363] : memref<2x16x128xi32, #tpu.memory_space<vmem>> -> memref<1x1x128xi32, #tpu.memory_space<vmem>>
      %dma_start3A_365 = tpu.memref_squeeze %dma_start3A_364 : memref<1x1x128xi32, #tpu.memory_space<vmem>> -> memref<128xi32, #tpu.memory_space<vmem>>
      %dma_start3A_366 = arith.constant 0 : i32
      %dma_start3A_367 = arith.constant 0 : i32
      %dma_start3A_368 = tpu.memref_slice %arg4[%dma_start3A_366, %dma_start3A_367] : memref<10000x128xf32, #tpu.memory_space<hbm>> -> memref<10000x128xf32, #tpu.memory_space<hbm>>
      tpu.enqueue_indirect_dma source(%dma_start3A_368 : memref<10000x128xf32, #tpu.memory_space<hbm>>) target(%dma_start3A_362 : memref<128x128xf32, #tpu.memory_space<vmem>>) offsets(%dma_start3A_365 : memref<128xi32, #tpu.memory_space<vmem>>) semaphore(%arg12 : memref<!tpu.dma_semaphore, #tpu.memory_space<semaphore_mem>>)
      %dma_wait3A_369 = arith.constant 12 : i32
      %dma_wait3A_370 = arith.constant 0 : i32
      %dma_wait3A_371 = arith.constant 0 : i32
      %dma_wait3A_372 = arith.constant 0 : i32
      %dma_wait3A_373 = tpu.memref_slice %arg9[%dma_wait3A_370, %dma_wait3A_371, %dma_wait3A_372] : memref<2x128x128xf32, #tpu.memory_space<vmem>> -> memref<1x128x128xf32, #tpu.memory_space<vmem>>
      %dma_wait3A_374 = tpu.memref_squeeze %dma_wait3A_373 : memref<1x128x128xf32, #tpu.memory_space<vmem>> -> memref<128x128xf32, #tpu.memory_space<vmem>>
      %dma_wait3A_375 = arith.constant 0 : i32
      %dma_wait3A_376 = tpu.memref_slice %arg7[%rem3A_48, %dma_wait3A_369, %dma_wait3A_375] : memref<2x16x128xi32, #tpu.memory_space<vmem>> -> memref<1x1x128xi32, #tpu.memory_space<vmem>>
      %dma_wait3A_377 = tpu.memref_squeeze %dma_wait3A_376 : memref<1x1x128xi32, #tpu.memory_space<vmem>> -> memref<128xi32, #tpu.memory_space<vmem>>
      %dma_wait3A_378 = arith.constant 0 : i32
      %dma_wait3A_379 = arith.constant 0 : i32
      %dma_wait3A_380 = tpu.memref_slice %arg4[%dma_wait3A_378, %dma_wait3A_379] : memref<10000x128xf32, #tpu.memory_space<hbm>> -> memref<10000x128xf32, #tpu.memory_space<hbm>>
      tpu.wait_indirect_dma semaphore(%arg11 : memref<!tpu.dma_semaphore, #tpu.memory_space<semaphore_mem>>) src(%dma_wait3A_380 : memref<10000x128xf32, #tpu.memory_space<hbm>>) dst(%dma_wait3A_374 : memref<128x128xf32, #tpu.memory_space<vmem>>)
      %run_scoped3A_381 = arith.constant 0 : i32
      %run_scoped3A_382 = arith.constant 12 : i32
      "tpu.region"() ({
        %run_scoped3A_458 = tpu.sem_alloc : memref<!tpu.dma_semaphore, #tpu.memory_space<semaphore_mem>>
        %dma_start3A_459 = arith.constant 0 : i32
        %dma_start3A_460 = arith.constant 0 : i32
        %dma_start3A_461 = tpu.memref_slice %arg9[%run_scoped3A_381, %dma_start3A_459, %dma_start3A_460] : memref<2x128x128xf32, #tpu.memory_space<vmem>> -> memref<1x128x128xf32, #tpu.memory_space<vmem>>
        %dma_start3A_462 = tpu.memref_squeeze %dma_start3A_461 : memref<1x128x128xf32, #tpu.memory_space<vmem>> -> memref<128x128xf32, #tpu.memory_space<vmem>>
        %dma_start3A_463 = arith.constant 0 : i32
        %dma_start3A_464 = tpu.memref_slice %arg8[%rem3A_48, %run_scoped3A_382, %dma_start3A_463] : memref<2x16x128xi32, #tpu.memory_space<vmem>> -> memref<1x1x128xi32, #tpu.memory_space<vmem>>
        %dma_start3A_465 = tpu.memref_squeeze %dma_start3A_464 : memref<1x1x128xi32, #tpu.memory_space<vmem>> -> memref<128xi32, #tpu.memory_space<vmem>>
        %dma_start3A_466 = arith.constant 0 : i32
        %dma_start3A_467 = arith.constant 0 : i32
        %dma_start3A_468 = tpu.memref_slice %arg10[%dma_start3A_466, %dma_start3A_467] : memref<10240x128xf32, #tpu.memory_space<vmem_shared>> -> memref<10240x128xf32, #tpu.memory_space<vmem_shared>>
        tpu.enqueue_indirect_dma source(%dma_start3A_462 : memref<128x128xf32, #tpu.memory_space<vmem>>) target(%dma_start3A_468 : memref<10240x128xf32, #tpu.memory_space<vmem_shared>>) offsets(%dma_start3A_465 : memref<128xi32, #tpu.memory_space<vmem>>) semaphore(%run_scoped3A_458 : memref<!tpu.dma_semaphore, #tpu.memory_space<semaphore_mem>>) {add = true}
        %dma_wait3A_469 = arith.constant 0 : i32
        %dma_wait3A_470 = arith.constant 0 : i32
        %dma_wait3A_471 = tpu.memref_slice %arg9[%run_scoped3A_381, %dma_wait3A_469, %dma_wait3A_470] : memref<2x128x128xf32, #tpu.memory_space<vmem>> -> memref<1x128x128xf32, #tpu.memory_space<vmem>>
        %dma_wait3A_472 = tpu.memref_squeeze %dma_wait3A_471 : memref<1x128x128xf32, #tpu.memory_space<vmem>> -> memref<128x128xf32, #tpu.memory_space<vmem>>
        %dma_wait3A_473 = arith.constant 0 : i32
        %dma_wait3A_474 = tpu.memref_slice %arg8[%rem3A_48, %run_scoped3A_382, %dma_wait3A_473] : memref<2x16x128xi32, #tpu.memory_space<vmem>> -> memref<1x1x128xi32, #tpu.memory_space<vmem>>
        %dma_wait3A_475 = tpu.memref_squeeze %dma_wait3A_474 : memref<1x1x128xi32, #tpu.memory_space<vmem>> -> memref<128xi32, #tpu.memory_space<vmem>>
        %dma_wait3A_476 = arith.constant 0 : i32
        %dma_wait3A_477 = arith.constant 0 : i32
        %dma_wait3A_478 = tpu.memref_slice %arg10[%dma_wait3A_476, %dma_wait3A_477] : memref<10240x128xf32, #tpu.memory_space<vmem_shared>> -> memref<10240x128xf32, #tpu.memory_space<vmem_shared>>
        tpu.wait_indirect_dma semaphore(%run_scoped3A_458 : memref<!tpu.dma_semaphore, #tpu.memory_space<semaphore_mem>>) src(%dma_wait3A_472 : memref<128x128xf32, #tpu.memory_space<vmem>>) dst(%dma_wait3A_478 : memref<10240x128xf32, #tpu.memory_space<vmem_shared>>)
        tpu.yield
      }) : () -> ()
      %dma_start3A_383 = arith.constant 14 : i32
      %dma_start3A_384 = arith.constant 0 : i32
      %dma_start3A_385 = arith.constant 0 : i32
      %dma_start3A_386 = arith.constant 0 : i32
      %dma_start3A_387 = tpu.memref_slice %arg9[%dma_start3A_384, %dma_start3A_385, %dma_start3A_386] : memref<2x128x128xf32, #tpu.memory_space<vmem>> -> memref<1x128x128xf32, #tpu.memory_space<vmem>>
      %dma_start3A_388 = tpu.memref_squeeze %dma_start3A_387 : memref<1x128x128xf32, #tpu.memory_space<vmem>> -> memref<128x128xf32, #tpu.memory_space<vmem>>
      %dma_start3A_389 = arith.constant 0 : i32
      %dma_start3A_390 = tpu.memref_slice %arg7[%rem3A_48, %dma_start3A_383, %dma_start3A_389] : memref<2x16x128xi32, #tpu.memory_space<vmem>> -> memref<1x1x128xi32, #tpu.memory_space<vmem>>
      %dma_start3A_391 = tpu.memref_squeeze %dma_start3A_390 : memref<1x1x128xi32, #tpu.memory_space<vmem>> -> memref<128xi32, #tpu.memory_space<vmem>>
      %dma_start3A_392 = arith.constant 0 : i32
      %dma_start3A_393 = arith.constant 0 : i32
      %dma_start3A_394 = tpu.memref_slice %arg4[%dma_start3A_392, %dma_start3A_393] : memref<10000x128xf32, #tpu.memory_space<hbm>> -> memref<10000x128xf32, #tpu.memory_space<hbm>>
      tpu.enqueue_indirect_dma source(%dma_start3A_394 : memref<10000x128xf32, #tpu.memory_space<hbm>>) target(%dma_start3A_388 : memref<128x128xf32, #tpu.memory_space<vmem>>) offsets(%dma_start3A_391 : memref<128xi32, #tpu.memory_space<vmem>>) semaphore(%arg11 : memref<!tpu.dma_semaphore, #tpu.memory_space<semaphore_mem>>)
      %dma_wait3A_395 = arith.constant 13 : i32
      %dma_wait3A_396 = arith.constant 1 : i32
      %dma_wait3A_397 = arith.constant 0 : i32
      %dma_wait3A_398 = arith.constant 0 : i32
      %dma_wait3A_399 = tpu.memref_slice %arg9[%dma_wait3A_396, %dma_wait3A_397, %dma_wait3A_398] : memref<2x128x128xf32, #tpu.memory_space<vmem>> -> memref<1x128x128xf32, #tpu.memory_space<vmem>>
      %dma_wait3A_400 = tpu.memref_squeeze %dma_wait3A_399 : memref<1x128x128xf32, #tpu.memory_space<vmem>> -> memref<128x128xf32, #tpu.memory_space<vmem>>
      %dma_wait3A_401 = arith.constant 0 : i32
      %dma_wait3A_402 = tpu.memref_slice %arg7[%rem3A_48, %dma_wait3A_395, %dma_wait3A_401] : memref<2x16x128xi32, #tpu.memory_space<vmem>> -> memref<1x1x128xi32, #tpu.memory_space<vmem>>
      %dma_wait3A_403 = tpu.memref_squeeze %dma_wait3A_402 : memref<1x1x128xi32, #tpu.memory_space<vmem>> -> memref<128xi32, #tpu.memory_space<vmem>>
      %dma_wait3A_404 = arith.constant 0 : i32
      %dma_wait3A_405 = arith.constant 0 : i32
      %dma_wait3A_406 = tpu.memref_slice %arg4[%dma_wait3A_404, %dma_wait3A_405] : memref<10000x128xf32, #tpu.memory_space<hbm>> -> memref<10000x128xf32, #tpu.memory_space<hbm>>
      tpu.wait_indirect_dma semaphore(%arg12 : memref<!tpu.dma_semaphore, #tpu.memory_space<semaphore_mem>>) src(%dma_wait3A_406 : memref<10000x128xf32, #tpu.memory_space<hbm>>) dst(%dma_wait3A_400 : memref<128x128xf32, #tpu.memory_space<vmem>>)
      %run_scoped3A_407 = arith.constant 1 : i32
      %run_scoped3A_408 = arith.constant 13 : i32
      "tpu.region"() ({
        %run_scoped3A_458 = tpu.sem_alloc : memref<!tpu.dma_semaphore, #tpu.memory_space<semaphore_mem>>
        %dma_start3A_459 = arith.constant 0 : i32
        %dma_start3A_460 = arith.constant 0 : i32
        %dma_start3A_461 = tpu.memref_slice %arg9[%run_scoped3A_407, %dma_start3A_459, %dma_start3A_460] : memref<2x128x128xf32, #tpu.memory_space<vmem>> -> memref<1x128x128xf32, #tpu.memory_space<vmem>>
        %dma_start3A_462 = tpu.memref_squeeze %dma_start3A_461 : memref<1x128x128xf32, #tpu.memory_space<vmem>> -> memref<128x128xf32, #tpu.memory_space<vmem>>
        %dma_start3A_463 = arith.constant 0 : i32
        %dma_start3A_464 = tpu.memref_slice %arg8[%rem3A_48, %run_scoped3A_408, %dma_start3A_463] : memref<2x16x128xi32, #tpu.memory_space<vmem>> -> memref<1x1x128xi32, #tpu.memory_space<vmem>>
        %dma_start3A_465 = tpu.memref_squeeze %dma_start3A_464 : memref<1x1x128xi32, #tpu.memory_space<vmem>> -> memref<128xi32, #tpu.memory_space<vmem>>
        %dma_start3A_466 = arith.constant 0 : i32
        %dma_start3A_467 = arith.constant 0 : i32
        %dma_start3A_468 = tpu.memref_slice %arg10[%dma_start3A_466, %dma_start3A_467] : memref<10240x128xf32, #tpu.memory_space<vmem_shared>> -> memref<10240x128xf32, #tpu.memory_space<vmem_shared>>
        tpu.enqueue_indirect_dma source(%dma_start3A_462 : memref<128x128xf32, #tpu.memory_space<vmem>>) target(%dma_start3A_468 : memref<10240x128xf32, #tpu.memory_space<vmem_shared>>) offsets(%dma_start3A_465 : memref<128xi32, #tpu.memory_space<vmem>>) semaphore(%run_scoped3A_458 : memref<!tpu.dma_semaphore, #tpu.memory_space<semaphore_mem>>) {add = true}
        %dma_wait3A_469 = arith.constant 0 : i32
        %dma_wait3A_470 = arith.constant 0 : i32
        %dma_wait3A_471 = tpu.memref_slice %arg9[%run_scoped3A_407, %dma_wait3A_469, %dma_wait3A_470] : memref<2x128x128xf32, #tpu.memory_space<vmem>> -> memref<1x128x128xf32, #tpu.memory_space<vmem>>
        %dma_wait3A_472 = tpu.memref_squeeze %dma_wait3A_471 : memref<1x128x128xf32, #tpu.memory_space<vmem>> -> memref<128x128xf32, #tpu.memory_space<vmem>>
        %dma_wait3A_473 = arith.constant 0 : i32
        %dma_wait3A_474 = tpu.memref_slice %arg8[%rem3A_48, %run_scoped3A_408, %dma_wait3A_473] : memref<2x16x128xi32, #tpu.memory_space<vmem>> -> memref<1x1x128xi32, #tpu.memory_space<vmem>>
        %dma_wait3A_475 = tpu.memref_squeeze %dma_wait3A_474 : memref<1x1x128xi32, #tpu.memory_space<vmem>> -> memref<128xi32, #tpu.memory_space<vmem>>
        %dma_wait3A_476 = arith.constant 0 : i32
        %dma_wait3A_477 = arith.constant 0 : i32
        %dma_wait3A_478 = tpu.memref_slice %arg10[%dma_wait3A_476, %dma_wait3A_477] : memref<10240x128xf32, #tpu.memory_space<vmem_shared>> -> memref<10240x128xf32, #tpu.memory_space<vmem_shared>>
        tpu.wait_indirect_dma semaphore(%run_scoped3A_458 : memref<!tpu.dma_semaphore, #tpu.memory_space<semaphore_mem>>) src(%dma_wait3A_472 : memref<128x128xf32, #tpu.memory_space<vmem>>) dst(%dma_wait3A_478 : memref<10240x128xf32, #tpu.memory_space<vmem_shared>>)
        tpu.yield
      }) : () -> ()
      %dma_start3A_409 = arith.constant 15 : i32
      %dma_start3A_410 = arith.constant 1 : i32
      %dma_start3A_411 = arith.constant 0 : i32
      %dma_start3A_412 = arith.constant 0 : i32
      %dma_start3A_413 = tpu.memref_slice %arg9[%dma_start3A_410, %dma_start3A_411, %dma_start3A_412] : memref<2x128x128xf32, #tpu.memory_space<vmem>> -> memref<1x128x128xf32, #tpu.memory_space<vmem>>
      %dma_start3A_414 = tpu.memref_squeeze %dma_start3A_413 : memref<1x128x128xf32, #tpu.memory_space<vmem>> -> memref<128x128xf32, #tpu.memory_space<vmem>>
      %dma_start3A_415 = arith.constant 0 : i32
      %dma_start3A_416 = tpu.memref_slice %arg7[%rem3A_48, %dma_start3A_409, %dma_start3A_415] : memref<2x16x128xi32, #tpu.memory_space<vmem>> -> memref<1x1x128xi32, #tpu.memory_space<vmem>>
      %dma_start3A_417 = tpu.memref_squeeze %dma_start3A_416 : memref<1x1x128xi32, #tpu.memory_space<vmem>> -> memref<128xi32, #tpu.memory_space<vmem>>
      %dma_start3A_418 = arith.constant 0 : i32
      %dma_start3A_419 = arith.constant 0 : i32
      %dma_start3A_420 = tpu.memref_slice %arg4[%dma_start3A_418, %dma_start3A_419] : memref<10000x128xf32, #tpu.memory_space<hbm>> -> memref<10000x128xf32, #tpu.memory_space<hbm>>
      tpu.enqueue_indirect_dma source(%dma_start3A_420 : memref<10000x128xf32, #tpu.memory_space<hbm>>) target(%dma_start3A_414 : memref<128x128xf32, #tpu.memory_space<vmem>>) offsets(%dma_start3A_417 : memref<128xi32, #tpu.memory_space<vmem>>) semaphore(%arg12 : memref<!tpu.dma_semaphore, #tpu.memory_space<semaphore_mem>>)
      %convert_element_type3A_421 = arith.extui %lt3A_54 : i1 to i32
      %cond3A_422 = arith.constant 0 : i32
      %cond3A_423 = arith.cmpi ne, %convert_element_type3A_421, %cond3A_422 : i32
      scf.if %cond3A_423 {
        %add3A_458 = arith.addi %mul3A_2, %while3A_47 : i32
        %add3A_459 = arith.constant 1 : i32
        %add3A_460 = arith.addi %add3A_458, %add3A_459 : i32
        %dma_wait3A_461 = arith.constant 0 : i32
        %dma_wait3A_462 = arith.constant 0 : i32
        %dma_wait3A_463 = tpu.memref_slice %arg7[%rem3A_51, %dma_wait3A_461, %dma_wait3A_462] : memref<2x16x128xi32, #tpu.memory_space<vmem>> -> memref<1x16x128xi32, #tpu.memory_space<vmem>>
        %dma_wait3A_464 = tpu.memref_squeeze %dma_wait3A_463 : memref<1x16x128xi32, #tpu.memory_space<vmem>> -> memref<16x128xi32, #tpu.memory_space<vmem>>
        %dma_wait3A_465 = arith.constant 0 : i32
        %dma_wait3A_466 = arith.constant 0 : i32
        %dma_wait3A_467 = tpu.memref_slice %arg2[%arg1, %add3A_460, %dma_wait3A_465, %dma_wait3A_466] : memref<16x10x16x128xi32, #tpu.memory_space<hbm>> -> memref<1x1x16x128xi32, #tpu.memory_space<hbm>>
        %dma_wait3A_468 = tpu.memref_squeeze %dma_wait3A_467 : memref<1x1x16x128xi32, #tpu.memory_space<hbm>> -> memref<16x128xi32, #tpu.memory_space<hbm>>
        %dma_wait3A_469 = arith.constant 0 : i32
        %dma_wait3A_470 = arith.constant 0 : i32
        %dma_wait3A_471 = tpu.memref_slice %arg7[%rem3A_51, %dma_wait3A_469, %dma_wait3A_470] : memref<2x16x128xi32, #tpu.memory_space<vmem>> -> memref<1x16x128xi32, #tpu.memory_space<vmem>>
        %dma_wait3A_472 = tpu.memref_squeeze %dma_wait3A_471 : memref<1x16x128xi32, #tpu.memory_space<vmem>> -> memref<16x128xi32, #tpu.memory_space<vmem>>
        %dma_wait3A_473 = arith.constant 0 : i32
        %dma_wait3A_474 = arith.constant 0 : i32
        %dma_wait3A_475 = tpu.memref_slice %arg2[%arg1, %add3A_460, %dma_wait3A_473, %dma_wait3A_474] : memref<16x10x16x128xi32, #tpu.memory_space<hbm>> -> memref<1x1x16x128xi32, #tpu.memory_space<hbm>>
        %dma_wait3A_476 = tpu.memref_squeeze %dma_wait3A_475 : memref<1x1x16x128xi32, #tpu.memory_space<hbm>> -> memref<16x128xi32, #tpu.memory_space<hbm>>
        tpu.wait_dma2 semaphore(%arg13 : memref<!tpu.dma_semaphore, #tpu.memory_space<semaphore_mem>>) src(%dma_wait3A_476 : memref<16x128xi32, #tpu.memory_space<hbm>>) dst(%dma_wait3A_472 : memref<16x128xi32, #tpu.memory_space<vmem>>)
        %add3A_477 = arith.addi %mul3A_2, %while3A_47 : i32
        %add3A_478 = arith.constant 1 : i32
        %add3A_479 = arith.addi %add3A_477, %add3A_478 : i32
        %dma_wait3A_480 = arith.constant 0 : i32
        %dma_wait3A_481 = arith.constant 0 : i32
        %dma_wait3A_482 = tpu.memref_slice %arg8[%rem3A_51, %dma_wait3A_480, %dma_wait3A_481] : memref<2x16x128xi32, #tpu.memory_space<vmem>> -> memref<1x16x128xi32, #tpu.memory_space<vmem>>
        %dma_wait3A_483 = tpu.memref_squeeze %dma_wait3A_482 : memref<1x16x128xi32, #tpu.memory_space<vmem>> -> memref<16x128xi32, #tpu.memory_space<vmem>>
        %dma_wait3A_484 = arith.constant 0 : i32
        %dma_wait3A_485 = arith.constant 0 : i32
        %dma_wait3A_486 = tpu.memref_slice %arg3[%arg1, %add3A_479, %dma_wait3A_484, %dma_wait3A_485] : memref<16x10x16x128xi32, #tpu.memory_space<hbm>> -> memref<1x1x16x128xi32, #tpu.memory_space<hbm>>
        %dma_wait3A_487 = tpu.memref_squeeze %dma_wait3A_486 : memref<1x1x16x128xi32, #tpu.memory_space<hbm>> -> memref<16x128xi32, #tpu.memory_space<hbm>>
        %dma_wait3A_488 = arith.constant 0 : i32
        %dma_wait3A_489 = arith.constant 0 : i32
        %dma_wait3A_490 = tpu.memref_slice %arg8[%rem3A_51, %dma_wait3A_488, %dma_wait3A_489] : memref<2x16x128xi32, #tpu.memory_space<vmem>> -> memref<1x16x128xi32, #tpu.memory_space<vmem>>
        %dma_wait3A_491 = tpu.memref_squeeze %dma_wait3A_490 : memref<1x16x128xi32, #tpu.memory_space<vmem>> -> memref<16x128xi32, #tpu.memory_space<vmem>>
        %dma_wait3A_492 = arith.constant 0 : i32
        %dma_wait3A_493 = arith.constant 0 : i32
        %dma_wait3A_494 = tpu.memref_slice %arg3[%arg1, %add3A_479, %dma_wait3A_492, %dma_wait3A_493] : memref<16x10x16x128xi32, #tpu.memory_space<hbm>> -> memref<1x1x16x128xi32, #tpu.memory_space<hbm>>
        %dma_wait3A_495 = tpu.memref_squeeze %dma_wait3A_494 : memref<1x1x16x128xi32, #tpu.memory_space<hbm>> -> memref<16x128xi32, #tpu.memory_space<hbm>>
        tpu.wait_dma2 semaphore(%arg13 : memref<!tpu.dma_semaphore, #tpu.memory_space<semaphore_mem>>) src(%dma_wait3A_495 : memref<16x128xi32, #tpu.memory_space<hbm>>) dst(%dma_wait3A_491 : memref<16x128xi32, #tpu.memory_space<vmem>>)
      } else {
      }
      %dma_wait3A_424 = arith.constant 14 : i32
      %dma_wait3A_425 = arith.constant 0 : i32
      %dma_wait3A_426 = arith.constant 0 : i32
      %dma_wait3A_427 = arith.constant 0 : i32
      %dma_wait3A_428 = tpu.memref_slice %arg9[%dma_wait3A_425, %dma_wait3A_426, %dma_wait3A_427] : memref<2x128x128xf32, #tpu.memory_space<vmem>> -> memref<1x128x128xf32, #tpu.memory_space<vmem>>
      %dma_wait3A_429 = tpu.memref_squeeze %dma_wait3A_428 : memref<1x128x128xf32, #tpu.memory_space<vmem>> -> memref<128x128xf32, #tpu.memory_space<vmem>>
      %dma_wait3A_430 = arith.constant 0 : i32
      %dma_wait3A_431 = tpu.memref_slice %arg7[%rem3A_48, %dma_wait3A_424, %dma_wait3A_430] : memref<2x16x128xi32, #tpu.memory_space<vmem>> -> memref<1x1x128xi32, #tpu.memory_space<vmem>>
      %dma_wait3A_432 = tpu.memref_squeeze %dma_wait3A_431 : memref<1x1x128xi32, #tpu.memory_space<vmem>> -> memref<128xi32, #tpu.memory_space<vmem>>
      %dma_wait3A_433 = arith.constant 0 : i32
      %dma_wait3A_434 = arith.constant 0 : i32
      %dma_wait3A_435 = tpu.memref_slice %arg4[%dma_wait3A_433, %dma_wait3A_434] : memref<10000x128xf32, #tpu.memory_space<hbm>> -> memref<10000x128xf32, #tpu.memory_space<hbm>>
      tpu.wait_indirect_dma semaphore(%arg11 : memref<!tpu.dma_semaphore, #tpu.memory_space<semaphore_mem>>) src(%dma_wait3A_435 : memref<10000x128xf32, #tpu.memory_space<hbm>>) dst(%dma_wait3A_429 : memref<128x128xf32, #tpu.memory_space<vmem>>)
      %run_scoped3A_436 = arith.constant 0 : i32
      %run_scoped3A_437 = arith.constant 14 : i32
      "tpu.region"() ({
        %run_scoped3A_458 = tpu.sem_alloc : memref<!tpu.dma_semaphore, #tpu.memory_space<semaphore_mem>>
        %dma_start3A_459 = arith.constant 0 : i32
        %dma_start3A_460 = arith.constant 0 : i32
        %dma_start3A_461 = tpu.memref_slice %arg9[%run_scoped3A_436, %dma_start3A_459, %dma_start3A_460] : memref<2x128x128xf32, #tpu.memory_space<vmem>> -> memref<1x128x128xf32, #tpu.memory_space<vmem>>
        %dma_start3A_462 = tpu.memref_squeeze %dma_start3A_461 : memref<1x128x128xf32, #tpu.memory_space<vmem>> -> memref<128x128xf32, #tpu.memory_space<vmem>>
        %dma_start3A_463 = arith.constant 0 : i32
        %dma_start3A_464 = tpu.memref_slice %arg8[%rem3A_48, %run_scoped3A_437, %dma_start3A_463] : memref<2x16x128xi32, #tpu.memory_space<vmem>> -> memref<1x1x128xi32, #tpu.memory_space<vmem>>
        %dma_start3A_465 = tpu.memref_squeeze %dma_start3A_464 : memref<1x1x128xi32, #tpu.memory_space<vmem>> -> memref<128xi32, #tpu.memory_space<vmem>>
        %dma_start3A_466 = arith.constant 0 : i32
        %dma_start3A_467 = arith.constant 0 : i32
        %dma_start3A_468 = tpu.memref_slice %arg10[%dma_start3A_466, %dma_start3A_467] : memref<10240x128xf32, #tpu.memory_space<vmem_shared>> -> memref<10240x128xf32, #tpu.memory_space<vmem_shared>>
        tpu.enqueue_indirect_dma source(%dma_start3A_462 : memref<128x128xf32, #tpu.memory_space<vmem>>) target(%dma_start3A_468 : memref<10240x128xf32, #tpu.memory_space<vmem_shared>>) offsets(%dma_start3A_465 : memref<128xi32, #tpu.memory_space<vmem>>) semaphore(%run_scoped3A_458 : memref<!tpu.dma_semaphore, #tpu.memory_space<semaphore_mem>>) {add = true}
        %dma_wait3A_469 = arith.constant 0 : i32
        %dma_wait3A_470 = arith.constant 0 : i32
        %dma_wait3A_471 = tpu.memref_slice %arg9[%run_scoped3A_436, %dma_wait3A_469, %dma_wait3A_470] : memref<2x128x128xf32, #tpu.memory_space<vmem>> -> memref<1x128x128xf32, #tpu.memory_space<vmem>>
        %dma_wait3A_472 = tpu.memref_squeeze %dma_wait3A_471 : memref<1x128x128xf32, #tpu.memory_space<vmem>> -> memref<128x128xf32, #tpu.memory_space<vmem>>
        %dma_wait3A_473 = arith.constant 0 : i32
        %dma_wait3A_474 = tpu.memref_slice %arg8[%rem3A_48, %run_scoped3A_437, %dma_wait3A_473] : memref<2x16x128xi32, #tpu.memory_space<vmem>> -> memref<1x1x128xi32, #tpu.memory_space<vmem>>
        %dma_wait3A_475 = tpu.memref_squeeze %dma_wait3A_474 : memref<1x1x128xi32, #tpu.memory_space<vmem>> -> memref<128xi32, #tpu.memory_space<vmem>>
        %dma_wait3A_476 = arith.constant 0 : i32
        %dma_wait3A_477 = arith.constant 0 : i32
        %dma_wait3A_478 = tpu.memref_slice %arg10[%dma_wait3A_476, %dma_wait3A_477] : memref<10240x128xf32, #tpu.memory_space<vmem_shared>> -> memref<10240x128xf32, #tpu.memory_space<vmem_shared>>
        tpu.wait_indirect_dma semaphore(%run_scoped3A_458 : memref<!tpu.dma_semaphore, #tpu.memory_space<semaphore_mem>>) src(%dma_wait3A_472 : memref<128x128xf32, #tpu.memory_space<vmem>>) dst(%dma_wait3A_478 : memref<10240x128xf32, #tpu.memory_space<vmem_shared>>)
        tpu.yield
      }) : () -> ()
      %convert_element_type3A_438 = arith.extui %lt3A_54 : i1 to i32
      %cond3A_439 = arith.constant 0 : i32
      %cond3A_440 = arith.cmpi ne, %convert_element_type3A_438, %cond3A_439 : i32
      scf.if %cond3A_440 {
        %dma_start3A_458 = arith.constant 0 : i32
        %dma_start3A_459 = arith.constant 0 : i32
        %dma_start3A_460 = arith.constant 0 : i32
        %dma_start3A_461 = arith.constant 0 : i32
        %dma_start3A_462 = tpu.memref_slice %arg9[%dma_start3A_459, %dma_start3A_460, %dma_start3A_461] : memref<2x128x128xf32, #tpu.memory_space<vmem>> -> memref<1x128x128xf32, #tpu.memory_space<vmem>>
        %dma_start3A_463 = tpu.memref_squeeze %dma_start3A_462 : memref<1x128x128xf32, #tpu.memory_space<vmem>> -> memref<128x128xf32, #tpu.memory_space<vmem>>
        %dma_start3A_464 = arith.constant 0 : i32
        %dma_start3A_465 = tpu.memref_slice %arg7[%rem3A_51, %dma_start3A_458, %dma_start3A_464] : memref<2x16x128xi32, #tpu.memory_space<vmem>> -> memref<1x1x128xi32, #tpu.memory_space<vmem>>
        %dma_start3A_466 = tpu.memref_squeeze %dma_start3A_465 : memref<1x1x128xi32, #tpu.memory_space<vmem>> -> memref<128xi32, #tpu.memory_space<vmem>>
        %dma_start3A_467 = arith.constant 0 : i32
        %dma_start3A_468 = arith.constant 0 : i32
        %dma_start3A_469 = tpu.memref_slice %arg4[%dma_start3A_467, %dma_start3A_468] : memref<10000x128xf32, #tpu.memory_space<hbm>> -> memref<10000x128xf32, #tpu.memory_space<hbm>>
        tpu.enqueue_indirect_dma source(%dma_start3A_469 : memref<10000x128xf32, #tpu.memory_space<hbm>>) target(%dma_start3A_463 : memref<128x128xf32, #tpu.memory_space<vmem>>) offsets(%dma_start3A_466 : memref<128xi32, #tpu.memory_space<vmem>>) semaphore(%arg11 : memref<!tpu.dma_semaphore, #tpu.memory_space<semaphore_mem>>)
      } else {
      }
      %dma_wait3A_441 = arith.constant 15 : i32
      %dma_wait3A_442 = arith.constant 1 : i32
      %dma_wait3A_443 = arith.constant 0 : i32
      %dma_wait3A_444 = arith.constant 0 : i32
      %dma_wait3A_445 = tpu.memref_slice %arg9[%dma_wait3A_442, %dma_wait3A_443, %dma_wait3A_444] : memref<2x128x128xf32, #tpu.memory_space<vmem>> -> memref<1x128x128xf32, #tpu.memory_space<vmem>>
      %dma_wait3A_446 = tpu.memref_squeeze %dma_wait3A_445 : memref<1x128x128xf32, #tpu.memory_space<vmem>> -> memref<128x128xf32, #tpu.memory_space<vmem>>
      %dma_wait3A_447 = arith.constant 0 : i32
      %dma_wait3A_448 = tpu.memref_slice %arg7[%rem3A_48, %dma_wait3A_441, %dma_wait3A_447] : memref<2x16x128xi32, #tpu.memory_space<vmem>> -> memref<1x1x128xi32, #tpu.memory_space<vmem>>
      %dma_wait3A_449 = tpu.memref_squeeze %dma_wait3A_448 : memref<1x1x128xi32, #tpu.memory_space<vmem>> -> memref<128xi32, #tpu.memory_space<vmem>>
      %dma_wait3A_450 = arith.constant 0 : i32
      %dma_wait3A_451 = arith.constant 0 : i32
      %dma_wait3A_452 = tpu.memref_slice %arg4[%dma_wait3A_450, %dma_wait3A_451] : memref<10000x128xf32, #tpu.memory_space<hbm>> -> memref<10000x128xf32, #tpu.memory_space<hbm>>
      tpu.wait_indirect_dma semaphore(%arg12 : memref<!tpu.dma_semaphore, #tpu.memory_space<semaphore_mem>>) src(%dma_wait3A_452 : memref<10000x128xf32, #tpu.memory_space<hbm>>) dst(%dma_wait3A_446 : memref<128x128xf32, #tpu.memory_space<vmem>>)
      %run_scoped3A_453 = arith.constant 1 : i32
      %run_scoped3A_454 = arith.constant 15 : i32
      "tpu.region"() ({
        %run_scoped3A_458 = tpu.sem_alloc : memref<!tpu.dma_semaphore, #tpu.memory_space<semaphore_mem>>
        %dma_start3A_459 = arith.constant 0 : i32
        %dma_start3A_460 = arith.constant 0 : i32
        %dma_start3A_461 = tpu.memref_slice %arg9[%run_scoped3A_453, %dma_start3A_459, %dma_start3A_460] : memref<2x128x128xf32, #tpu.memory_space<vmem>> -> memref<1x128x128xf32, #tpu.memory_space<vmem>>
        %dma_start3A_462 = tpu.memref_squeeze %dma_start3A_461 : memref<1x128x128xf32, #tpu.memory_space<vmem>> -> memref<128x128xf32, #tpu.memory_space<vmem>>
        %dma_start3A_463 = arith.constant 0 : i32
        %dma_start3A_464 = tpu.memref_slice %arg8[%rem3A_48, %run_scoped3A_454, %dma_start3A_463] : memref<2x16x128xi32, #tpu.memory_space<vmem>> -> memref<1x1x128xi32, #tpu.memory_space<vmem>>
        %dma_start3A_465 = tpu.memref_squeeze %dma_start3A_464 : memref<1x1x128xi32, #tpu.memory_space<vmem>> -> memref<128xi32, #tpu.memory_space<vmem>>
        %dma_start3A_466 = arith.constant 0 : i32
        %dma_start3A_467 = arith.constant 0 : i32
        %dma_start3A_468 = tpu.memref_slice %arg10[%dma_start3A_466, %dma_start3A_467] : memref<10240x128xf32, #tpu.memory_space<vmem_shared>> -> memref<10240x128xf32, #tpu.memory_space<vmem_shared>>
        tpu.enqueue_indirect_dma source(%dma_start3A_462 : memref<128x128xf32, #tpu.memory_space<vmem>>) target(%dma_start3A_468 : memref<10240x128xf32, #tpu.memory_space<vmem_shared>>) offsets(%dma_start3A_465 : memref<128xi32, #tpu.memory_space<vmem>>) semaphore(%run_scoped3A_458 : memref<!tpu.dma_semaphore, #tpu.memory_space<semaphore_mem>>) {add = true}
        %dma_wait3A_469 = arith.constant 0 : i32
        %dma_wait3A_470 = arith.constant 0 : i32
        %dma_wait3A_471 = tpu.memref_slice %arg9[%run_scoped3A_453, %dma_wait3A_469, %dma_wait3A_470] : memref<2x128x128xf32, #tpu.memory_space<vmem>> -> memref<1x128x128xf32, #tpu.memory_space<vmem>>
        %dma_wait3A_472 = tpu.memref_squeeze %dma_wait3A_471 : memref<1x128x128xf32, #tpu.memory_space<vmem>> -> memref<128x128xf32, #tpu.memory_space<vmem>>
        %dma_wait3A_473 = arith.constant 0 : i32
        %dma_wait3A_474 = tpu.memref_slice %arg8[%rem3A_48, %run_scoped3A_454, %dma_wait3A_473] : memref<2x16x128xi32, #tpu.memory_space<vmem>> -> memref<1x1x128xi32, #tpu.memory_space<vmem>>
        %dma_wait3A_475 = tpu.memref_squeeze %dma_wait3A_474 : memref<1x1x128xi32, #tpu.memory_space<vmem>> -> memref<128xi32, #tpu.memory_space<vmem>>
        %dma_wait3A_476 = arith.constant 0 : i32
        %dma_wait3A_477 = arith.constant 0 : i32
        %dma_wait3A_478 = tpu.memref_slice %arg10[%dma_wait3A_476, %dma_wait3A_477] : memref<10240x128xf32, #tpu.memory_space<vmem_shared>> -> memref<10240x128xf32, #tpu.memory_space<vmem_shared>>
        tpu.wait_indirect_dma semaphore(%run_scoped3A_458 : memref<!tpu.dma_semaphore, #tpu.memory_space<semaphore_mem>>) src(%dma_wait3A_472 : memref<128x128xf32, #tpu.memory_space<vmem>>) dst(%dma_wait3A_478 : memref<10240x128xf32, #tpu.memory_space<vmem_shared>>)
        tpu.yield
      }) : () -> ()
      %convert_element_type3A_455 = arith.extui %lt3A_54 : i1 to i32
      %cond3A_456 = arith.constant 0 : i32
      %cond3A_457 = arith.cmpi ne, %convert_element_type3A_455, %cond3A_456 : i32
      scf.if %cond3A_457 {
        %dma_start3A_458 = arith.constant 1 : i32
        %dma_start3A_459 = arith.constant 1 : i32
        %dma_start3A_460 = arith.constant 0 : i32
        %dma_start3A_461 = arith.constant 0 : i32
        %dma_start3A_462 = tpu.memref_slice %arg9[%dma_start3A_459, %dma_start3A_460, %dma_start3A_461] : memref<2x128x128xf32, #tpu.memory_space<vmem>> -> memref<1x128x128xf32, #tpu.memory_space<vmem>>
        %dma_start3A_463 = tpu.memref_squeeze %dma_start3A_462 : memref<1x128x128xf32, #tpu.memory_space<vmem>> -> memref<128x128xf32, #tpu.memory_space<vmem>>
        %dma_start3A_464 = arith.constant 0 : i32
        %dma_start3A_465 = tpu.memref_slice %arg7[%rem3A_51, %dma_start3A_458, %dma_start3A_464] : memref<2x16x128xi32, #tpu.memory_space<vmem>> -> memref<1x1x128xi32, #tpu.memory_space<vmem>>
        %dma_start3A_466 = tpu.memref_squeeze %dma_start3A_465 : memref<1x1x128xi32, #tpu.memory_space<vmem>> -> memref<128xi32, #tpu.memory_space<vmem>>
        %dma_start3A_467 = arith.constant 0 : i32
        %dma_start3A_468 = arith.constant 0 : i32
        %dma_start3A_469 = tpu.memref_slice %arg4[%dma_start3A_467, %dma_start3A_468] : memref<10000x128xf32, #tpu.memory_space<hbm>> -> memref<10000x128xf32, #tpu.memory_space<hbm>>
        tpu.enqueue_indirect_dma source(%dma_start3A_469 : memref<10000x128xf32, #tpu.memory_space<hbm>>) target(%dma_start3A_463 : memref<128x128xf32, #tpu.memory_space<vmem>>) offsets(%dma_start3A_466 : memref<128xi32, #tpu.memory_space<vmem>>) semaphore(%arg12 : memref<!tpu.dma_semaphore, #tpu.memory_space<semaphore_mem>>)
      } else {
      }
    }
    %while3A_38 = arith.constant 1 : i32
    scf.for %while3A_47 = %while3A_36 to %while3A_32 step %while3A_38  : i32 {
      %rem3A = arith.constant 2 : i32
      %rem3A_48 = arith.remsi %while3A_47, %rem3A : i32
      %add3A = arith.constant 1 : i32
      %add3A_49 = arith.addi %while3A_47, %add3A : i32
      %rem3A_50 = arith.constant 2 : i32
      %rem3A_51 = arith.remsi %add3A_49, %rem3A_50 : i32
      %add3A_52 = arith.constant 1 : i32
      %add3A_53 = arith.addi %while3A_47, %add3A_52 : i32
      %lt3A_54 = arith.cmpi slt, %add3A_53, %select_n3A : i32
      %convert_element_type3A_55 = arith.extui %lt3A_54 : i1 to i32
      %cond3A_56 = arith.constant 0 : i32
      %cond3A_57 = arith.cmpi ne, %convert_element_type3A_55, %cond3A_56 : i32
      scf.if %cond3A_57 {
        %add3A_458 = arith.addi %mul3A_2, %while3A_47 : i32
        %add3A_459 = arith.constant 1 : i32
        %add3A_460 = arith.addi %add3A_458, %add3A_459 : i32
        %dma_start3A_461 = arith.constant 0 : i32
        %dma_start3A_462 = arith.constant 0 : i32
        %dma_start3A_463 = tpu.memref_slice %arg7[%rem3A_51, %dma_start3A_461, %dma_start3A_462] : memref<2x16x128xi32, #tpu.memory_space<vmem>> -> memref<1x16x128xi32, #tpu.memory_space<vmem>>
        %dma_start3A_464 = tpu.memref_squeeze %dma_start3A_463 : memref<1x16x128xi32, #tpu.memory_space<vmem>> -> memref<16x128xi32, #tpu.memory_space<vmem>>
        %dma_start3A_465 = arith.constant 0 : i32
        %dma_start3A_466 = arith.constant 0 : i32
        %dma_start3A_467 = tpu.memref_slice %arg2[%arg1, %add3A_460, %dma_start3A_465, %dma_start3A_466] : memref<16x10x16x128xi32, #tpu.memory_space<hbm>> -> memref<1x1x16x128xi32, #tpu.memory_space<hbm>>
        %dma_start3A_468 = tpu.memref_squeeze %dma_start3A_467 : memref<1x1x16x128xi32, #tpu.memory_space<hbm>> -> memref<16x128xi32, #tpu.memory_space<hbm>>
        %dma_start3A_469 = arith.constant 0 : i32
        %dma_start3A_470 = arith.constant 0 : i32
        %dma_start3A_471 = tpu.memref_slice %arg7[%rem3A_51, %dma_start3A_469, %dma_start3A_470] : memref<2x16x128xi32, #tpu.memory_space<vmem>> -> memref<1x16x128xi32, #tpu.memory_space<vmem>>
        %dma_start3A_472 = tpu.memref_squeeze %dma_start3A_471 : memref<1x16x128xi32, #tpu.memory_space<vmem>> -> memref<16x128xi32, #tpu.memory_space<vmem>>
        %dma_start3A_473 = arith.constant 0 : i32
        %dma_start3A_474 = arith.constant 0 : i32
        %dma_start3A_475 = tpu.memref_slice %arg2[%arg1, %add3A_460, %dma_start3A_473, %dma_start3A_474] : memref<16x10x16x128xi32, #tpu.memory_space<hbm>> -> memref<1x1x16x128xi32, #tpu.memory_space<hbm>>
        %dma_start3A_476 = tpu.memref_squeeze %dma_start3A_475 : memref<1x1x16x128xi32, #tpu.memory_space<hbm>> -> memref<16x128xi32, #tpu.memory_space<hbm>>
        tpu.enqueue_dma source(%dma_start3A_476 : memref<16x128xi32, #tpu.memory_space<hbm>>) target(%dma_start3A_472 : memref<16x128xi32, #tpu.memory_space<vmem>>) target_semaphore(%arg13 : memref<!tpu.dma_semaphore, #tpu.memory_space<semaphore_mem>>)
        %add3A_477 = arith.addi %mul3A_2, %while3A_47 : i32
        %add3A_478 = arith.constant 1 : i32
        %add3A_479 = arith.addi %add3A_477, %add3A_478 : i32
        %dma_start3A_480 = arith.constant 0 : i32
        %dma_start3A_481 = arith.constant 0 : i32
        %dma_start3A_482 = tpu.memref_slice %arg8[%rem3A_51, %dma_start3A_480, %dma_start3A_481] : memref<2x16x128xi32, #tpu.memory_space<vmem>> -> memref<1x16x128xi32, #tpu.memory_space<vmem>>
        %dma_start3A_483 = tpu.memref_squeeze %dma_start3A_482 : memref<1x16x128xi32, #tpu.memory_space<vmem>> -> memref<16x128xi32, #tpu.memory_space<vmem>>
        %dma_start3A_484 = arith.constant 0 : i32
        %dma_start3A_485 = arith.constant 0 : i32
        %dma_start3A_486 = tpu.memref_slice %arg3[%arg1, %add3A_479, %dma_start3A_484, %dma_start3A_485] : memref<16x10x16x128xi32, #tpu.memory_space<hbm>> -> memref<1x1x16x128xi32, #tpu.memory_space<hbm>>
        %dma_start3A_487 = tpu.memref_squeeze %dma_start3A_486 : memref<1x1x16x128xi32, #tpu.memory_space<hbm>> -> memref<16x128xi32, #tpu.memory_space<hbm>>
        %dma_start3A_488 = arith.constant 0 : i32
        %dma_start3A_489 = arith.constant 0 : i32
        %dma_start3A_490 = tpu.memref_slice %arg8[%rem3A_51, %dma_start3A_488, %dma_start3A_489] : memref<2x16x128xi32, #tpu.memory_space<vmem>> -> memref<1x16x128xi32, #tpu.memory_space<vmem>>
        %dma_start3A_491 = tpu.memref_squeeze %dma_start3A_490 : memref<1x16x128xi32, #tpu.memory_space<vmem>> -> memref<16x128xi32, #tpu.memory_space<vmem>>
        %dma_start3A_492 = arith.constant 0 : i32
        %dma_start3A_493 = arith.constant 0 : i32
        %dma_start3A_494 = tpu.memref_slice %arg3[%arg1, %add3A_479, %dma_start3A_492, %dma_start3A_493] : memref<16x10x16x128xi32, #tpu.memory_space<hbm>> -> memref<1x1x16x128xi32, #tpu.memory_space<hbm>>
        %dma_start3A_495 = tpu.memref_squeeze %dma_start3A_494 : memref<1x1x16x128xi32, #tpu.memory_space<hbm>> -> memref<16x128xi32, #tpu.memory_space<hbm>>
        tpu.enqueue_dma source(%dma_start3A_495 : memref<16x128xi32, #tpu.memory_space<hbm>>) target(%dma_start3A_491 : memref<16x128xi32, #tpu.memory_space<vmem>>) target_semaphore(%arg13 : memref<!tpu.dma_semaphore, #tpu.memory_space<semaphore_mem>>)
      } else {
      }
      %dma_wait3A = arith.constant 0 : i32
      %dma_wait3A_58 = arith.constant 0 : i32
      %dma_wait3A_59 = arith.constant 0 : i32
      %dma_wait3A_60 = arith.constant 0 : i32
      %dma_wait3A_61 = tpu.memref_slice %arg9[%dma_wait3A_58, %dma_wait3A_59, %dma_wait3A_60] : memref<2x128x128xf32, #tpu.memory_space<vmem>> -> memref<1x128x128xf32, #tpu.memory_space<vmem>>
      %dma_wait3A_62 = tpu.memref_squeeze %dma_wait3A_61 : memref<1x128x128xf32, #tpu.memory_space<vmem>> -> memref<128x128xf32, #tpu.memory_space<vmem>>
      %dma_wait3A_63 = arith.constant 0 : i32
      %dma_wait3A_64 = tpu.memref_slice %arg7[%rem3A_48, %dma_wait3A, %dma_wait3A_63] : memref<2x16x128xi32, #tpu.memory_space<vmem>> -> memref<1x1x128xi32, #tpu.memory_space<vmem>>
      %dma_wait3A_65 = tpu.memref_squeeze %dma_wait3A_64 : memref<1x1x128xi32, #tpu.memory_space<vmem>> -> memref<128xi32, #tpu.memory_space<vmem>>
      %dma_wait3A_66 = arith.constant 0 : i32
      %dma_wait3A_67 = arith.constant 0 : i32
      %dma_wait3A_68 = tpu.memref_slice %arg4[%dma_wait3A_66, %dma_wait3A_67] : memref<10000x128xf32, #tpu.memory_space<hbm>> -> memref<10000x128xf32, #tpu.memory_space<hbm>>
      tpu.wait_indirect_dma semaphore(%arg11 : memref<!tpu.dma_semaphore, #tpu.memory_space<semaphore_mem>>) src(%dma_wait3A_68 : memref<10000x128xf32, #tpu.memory_space<hbm>>) dst(%dma_wait3A_62 : memref<128x128xf32, #tpu.memory_space<vmem>>)
      %run_scoped3A_69 = arith.constant 0 : i32
      %run_scoped3A_70 = arith.constant 0 : i32
      "tpu.region"() ({
        %run_scoped3A_458 = tpu.sem_alloc : memref<!tpu.dma_semaphore, #tpu.memory_space<semaphore_mem>>
        %dma_start3A_459 = arith.constant 0 : i32
        %dma_start3A_460 = arith.constant 0 : i32
        %dma_start3A_461 = tpu.memref_slice %arg9[%run_scoped3A_69, %dma_start3A_459, %dma_start3A_460] : memref<2x128x128xf32, #tpu.memory_space<vmem>> -> memref<1x128x128xf32, #tpu.memory_space<vmem>>
        %dma_start3A_462 = tpu.memref_squeeze %dma_start3A_461 : memref<1x128x128xf32, #tpu.memory_space<vmem>> -> memref<128x128xf32, #tpu.memory_space<vmem>>
        %dma_start3A_463 = arith.constant 0 : i32
        %dma_start3A_464 = tpu.memref_slice %arg8[%rem3A_48, %run_scoped3A_70, %dma_start3A_463] : memref<2x16x128xi32, #tpu.memory_space<vmem>> -> memref<1x1x128xi32, #tpu.memory_space<vmem>>
        %dma_start3A_465 = tpu.memref_squeeze %dma_start3A_464 : memref<1x1x128xi32, #tpu.memory_space<vmem>> -> memref<128xi32, #tpu.memory_space<vmem>>
        %dma_start3A_466 = arith.constant 0 : i32
        %dma_start3A_467 = arith.constant 0 : i32
        %dma_start3A_468 = tpu.memref_slice %arg10[%dma_start3A_466, %dma_start3A_467] : memref<10240x128xf32, #tpu.memory_space<vmem_shared>> -> memref<10240x128xf32, #tpu.memory_space<vmem_shared>>
        tpu.enqueue_indirect_dma source(%dma_start3A_462 : memref<128x128xf32, #tpu.memory_space<vmem>>) target(%dma_start3A_468 : memref<10240x128xf32, #tpu.memory_space<vmem_shared>>) offsets(%dma_start3A_465 : memref<128xi32, #tpu.memory_space<vmem>>) semaphore(%run_scoped3A_458 : memref<!tpu.dma_semaphore, #tpu.memory_space<semaphore_mem>>) {add = true}
        %dma_wait3A_469 = arith.constant 0 : i32
        %dma_wait3A_470 = arith.constant 0 : i32
        %dma_wait3A_471 = tpu.memref_slice %arg9[%run_scoped3A_69, %dma_wait3A_469, %dma_wait3A_470] : memref<2x128x128xf32, #tpu.memory_space<vmem>> -> memref<1x128x128xf32, #tpu.memory_space<vmem>>
        %dma_wait3A_472 = tpu.memref_squeeze %dma_wait3A_471 : memref<1x128x128xf32, #tpu.memory_space<vmem>> -> memref<128x128xf32, #tpu.memory_space<vmem>>
        %dma_wait3A_473 = arith.constant 0 : i32
        %dma_wait3A_474 = tpu.memref_slice %arg8[%rem3A_48, %run_scoped3A_70, %dma_wait3A_473] : memref<2x16x128xi32, #tpu.memory_space<vmem>> -> memref<1x1x128xi32, #tpu.memory_space<vmem>>
        %dma_wait3A_475 = tpu.memref_squeeze %dma_wait3A_474 : memref<1x1x128xi32, #tpu.memory_space<vmem>> -> memref<128xi32, #tpu.memory_space<vmem>>
        %dma_wait3A_476 = arith.constant 0 : i32
        %dma_wait3A_477 = arith.constant 0 : i32
        %dma_wait3A_478 = tpu.memref_slice %arg10[%dma_wait3A_476, %dma_wait3A_477] : memref<10240x128xf32, #tpu.memory_space<vmem_shared>> -> memref<10240x128xf32, #tpu.memory_space<vmem_shared>>
        tpu.wait_indirect_dma semaphore(%run_scoped3A_458 : memref<!tpu.dma_semaphore, #tpu.memory_space<semaphore_mem>>) src(%dma_wait3A_472 : memref<128x128xf32, #tpu.memory_space<vmem>>) dst(%dma_wait3A_478 : memref<10240x128xf32, #tpu.memory_space<vmem_shared>>)
        tpu.yield
      }) : () -> ()
      %dma_start3A_71 = arith.constant 2 : i32
      %dma_start3A_72 = arith.constant 0 : i32
      %dma_start3A_73 = arith.constant 0 : i32
      %dma_start3A_74 = arith.constant 0 : i32
      %dma_start3A_75 = tpu.memref_slice %arg9[%dma_start3A_72, %dma_start3A_73, %dma_start3A_74] : memref<2x128x128xf32, #tpu.memory_space<vmem>> -> memref<1x128x128xf32, #tpu.memory_space<vmem>>
      %dma_start3A_76 = tpu.memref_squeeze %dma_start3A_75 : memref<1x128x128xf32, #tpu.memory_space<vmem>> -> memref<128x128xf32, #tpu.memory_space<vmem>>
      %dma_start3A_77 = arith.constant 0 : i32
      %dma_start3A_78 = tpu.memref_slice %arg7[%rem3A_48, %dma_start3A_71, %dma_start3A_77] : memref<2x16x128xi32, #tpu.memory_space<vmem>> -> memref<1x1x128xi32, #tpu.memory_space<vmem>>
      %dma_start3A_79 = tpu.memref_squeeze %dma_start3A_78 : memref<1x1x128xi32, #tpu.memory_space<vmem>> -> memref<128xi32, #tpu.memory_space<vmem>>
      %dma_start3A_80 = arith.constant 0 : i32
      %dma_start3A_81 = arith.constant 0 : i32
      %dma_start3A_82 = tpu.memref_slice %arg4[%dma_start3A_80, %dma_start3A_81] : memref<10000x128xf32, #tpu.memory_space<hbm>> -> memref<10000x128xf32, #tpu.memory_space<hbm>>
      tpu.enqueue_indirect_dma source(%dma_start3A_82 : memref<10000x128xf32, #tpu.memory_space<hbm>>) target(%dma_start3A_76 : memref<128x128xf32, #tpu.memory_space<vmem>>) offsets(%dma_start3A_79 : memref<128xi32, #tpu.memory_space<vmem>>) semaphore(%arg11 : memref<!tpu.dma_semaphore, #tpu.memory_space<semaphore_mem>>)
      %dma_wait3A_83 = arith.constant 1 : i32
      %dma_wait3A_84 = arith.constant 1 : i32
      %dma_wait3A_85 = arith.constant 0 : i32
      %dma_wait3A_86 = arith.constant 0 : i32
      %dma_wait3A_87 = tpu.memref_slice %arg9[%dma_wait3A_84, %dma_wait3A_85, %dma_wait3A_86] : memref<2x128x128xf32, #tpu.memory_space<vmem>> -> memref<1x128x128xf32, #tpu.memory_space<vmem>>
      %dma_wait3A_88 = tpu.memref_squeeze %dma_wait3A_87 : memref<1x128x128xf32, #tpu.memory_space<vmem>> -> memref<128x128xf32, #tpu.memory_space<vmem>>
      %dma_wait3A_89 = arith.constant 0 : i32
      %dma_wait3A_90 = tpu.memref_slice %arg7[%rem3A_48, %dma_wait3A_83, %dma_wait3A_89] : memref<2x16x128xi32, #tpu.memory_space<vmem>> -> memref<1x1x128xi32, #tpu.memory_space<vmem>>
      %dma_wait3A_91 = tpu.memref_squeeze %dma_wait3A_90 : memref<1x1x128xi32, #tpu.memory_space<vmem>> -> memref<128xi32, #tpu.memory_space<vmem>>
      %dma_wait3A_92 = arith.constant 0 : i32
      %dma_wait3A_93 = arith.constant 0 : i32
      %dma_wait3A_94 = tpu.memref_slice %arg4[%dma_wait3A_92, %dma_wait3A_93] : memref<10000x128xf32, #tpu.memory_space<hbm>> -> memref<10000x128xf32, #tpu.memory_space<hbm>>
      tpu.wait_indirect_dma semaphore(%arg12 : memref<!tpu.dma_semaphore, #tpu.memory_space<semaphore_mem>>) src(%dma_wait3A_94 : memref<10000x128xf32, #tpu.memory_space<hbm>>) dst(%dma_wait3A_88 : memref<128x128xf32, #tpu.memory_space<vmem>>)
      %run_scoped3A_95 = arith.constant 1 : i32
      %run_scoped3A_96 = arith.constant 1 : i32
      "tpu.region"() ({
        %run_scoped3A_458 = tpu.sem_alloc : memref<!tpu.dma_semaphore, #tpu.memory_space<semaphore_mem>>
        %dma_start3A_459 = arith.constant 0 : i32
        %dma_start3A_460 = arith.constant 0 : i32
        %dma_start3A_461 = tpu.memref_slice %arg9[%run_scoped3A_95, %dma_start3A_459, %dma_start3A_460] : memref<2x128x128xf32, #tpu.memory_space<vmem>> -> memref<1x128x128xf32, #tpu.memory_space<vmem>>
        %dma_start3A_462 = tpu.memref_squeeze %dma_start3A_461 : memref<1x128x128xf32, #tpu.memory_space<vmem>> -> memref<128x128xf32, #tpu.memory_space<vmem>>
        %dma_start3A_463 = arith.constant 0 : i32
        %dma_start3A_464 = tpu.memref_slice %arg8[%rem3A_48, %run_scoped3A_96, %dma_start3A_463] : memref<2x16x128xi32, #tpu.memory_space<vmem>> -> memref<1x1x128xi32, #tpu.memory_space<vmem>>
        %dma_start3A_465 = tpu.memref_squeeze %dma_start3A_464 : memref<1x1x128xi32, #tpu.memory_space<vmem>> -> memref<128xi32, #tpu.memory_space<vmem>>
        %dma_start3A_466 = arith.constant 0 : i32
        %dma_start3A_467 = arith.constant 0 : i32
        %dma_start3A_468 = tpu.memref_slice %arg10[%dma_start3A_466, %dma_start3A_467] : memref<10240x128xf32, #tpu.memory_space<vmem_shared>> -> memref<10240x128xf32, #tpu.memory_space<vmem_shared>>
        tpu.enqueue_indirect_dma source(%dma_start3A_462 : memref<128x128xf32, #tpu.memory_space<vmem>>) target(%dma_start3A_468 : memref<10240x128xf32, #tpu.memory_space<vmem_shared>>) offsets(%dma_start3A_465 : memref<128xi32, #tpu.memory_space<vmem>>) semaphore(%run_scoped3A_458 : memref<!tpu.dma_semaphore, #tpu.memory_space<semaphore_mem>>) {add = true}
        %dma_wait3A_469 = arith.constant 0 : i32
        %dma_wait3A_470 = arith.constant 0 : i32
        %dma_wait3A_471 = tpu.memref_slice %arg9[%run_scoped3A_95, %dma_wait3A_469, %dma_wait3A_470] : memref<2x128x128xf32, #tpu.memory_space<vmem>> -> memref<1x128x128xf32, #tpu.memory_space<vmem>>
        %dma_wait3A_472 = tpu.memref_squeeze %dma_wait3A_471 : memref<1x128x128xf32, #tpu.memory_space<vmem>> -> memref<128x128xf32, #tpu.memory_space<vmem>>
        %dma_wait3A_473 = arith.constant 0 : i32
        %dma_wait3A_474 = tpu.memref_slice %arg8[%rem3A_48, %run_scoped3A_96, %dma_wait3A_473] : memref<2x16x128xi32, #tpu.memory_space<vmem>> -> memref<1x1x128xi32, #tpu.memory_space<vmem>>
        %dma_wait3A_475 = tpu.memref_squeeze %dma_wait3A_474 : memref<1x1x128xi32, #tpu.memory_space<vmem>> -> memref<128xi32, #tpu.memory_space<vmem>>
        %dma_wait3A_476 = arith.constant 0 : i32
        %dma_wait3A_477 = arith.constant 0 : i32
        %dma_wait3A_478 = tpu.memref_slice %arg10[%dma_wait3A_476, %dma_wait3A_477] : memref<10240x128xf32, #tpu.memory_space<vmem_shared>> -> memref<10240x128xf32, #tpu.memory_space<vmem_shared>>
        tpu.wait_indirect_dma semaphore(%run_scoped3A_458 : memref<!tpu.dma_semaphore, #tpu.memory_space<semaphore_mem>>) src(%dma_wait3A_472 : memref<128x128xf32, #tpu.memory_space<vmem>>) dst(%dma_wait3A_478 : memref<10240x128xf32, #tpu.memory_space<vmem_shared>>)
        tpu.yield
      }) : () -> ()
      %dma_start3A_97 = arith.constant 3 : i32
      %dma_start3A_98 = arith.constant 1 : i32
      %dma_start3A_99 = arith.constant 0 : i32
      %dma_start3A_100 = arith.constant 0 : i32
      %dma_start3A_101 = tpu.memref_slice %arg9[%dma_start3A_98, %dma_start3A_99, %dma_start3A_100] : memref<2x128x128xf32, #tpu.memory_space<vmem>> -> memref<1x128x128xf32, #tpu.memory_space<vmem>>
      %dma_start3A_102 = tpu.memref_squeeze %dma_start3A_101 : memref<1x128x128xf32, #tpu.memory_space<vmem>> -> memref<128x128xf32, #tpu.memory_space<vmem>>
      %dma_start3A_103 = arith.constant 0 : i32
      %dma_start3A_104 = tpu.memref_slice %arg7[%rem3A_48, %dma_start3A_97, %dma_start3A_103] : memref<2x16x128xi32, #tpu.memory_space<vmem>> -> memref<1x1x128xi32, #tpu.memory_space<vmem>>
      %dma_start3A_105 = tpu.memref_squeeze %dma_start3A_104 : memref<1x1x128xi32, #tpu.memory_space<vmem>> -> memref<128xi32, #tpu.memory_space<vmem>>
      %dma_start3A_106 = arith.constant 0 : i32
      %dma_start3A_107 = arith.constant 0 : i32
      %dma_start3A_108 = tpu.memref_slice %arg4[%dma_start3A_106, %dma_start3A_107] : memref<10000x128xf32, #tpu.memory_space<hbm>> -> memref<10000x128xf32, #tpu.memory_space<hbm>>
      tpu.enqueue_indirect_dma source(%dma_start3A_108 : memref<10000x128xf32, #tpu.memory_space<hbm>>) target(%dma_start3A_102 : memref<128x128xf32, #tpu.memory_space<vmem>>) offsets(%dma_start3A_105 : memref<128xi32, #tpu.memory_space<vmem>>) semaphore(%arg12 : memref<!tpu.dma_semaphore, #tpu.memory_space<semaphore_mem>>)
      %dma_wait3A_109 = arith.constant 2 : i32
      %dma_wait3A_110 = arith.constant 0 : i32
      %dma_wait3A_111 = arith.constant 0 : i32
      %dma_wait3A_112 = arith.constant 0 : i32
      %dma_wait3A_113 = tpu.memref_slice %arg9[%dma_wait3A_110, %dma_wait3A_111, %dma_wait3A_112] : memref<2x128x128xf32, #tpu.memory_space<vmem>> -> memref<1x128x128xf32, #tpu.memory_space<vmem>>
      %dma_wait3A_114 = tpu.memref_squeeze %dma_wait3A_113 : memref<1x128x128xf32, #tpu.memory_space<vmem>> -> memref<128x128xf32, #tpu.memory_space<vmem>>
      %dma_wait3A_115 = arith.constant 0 : i32
      %dma_wait3A_116 = tpu.memref_slice %arg7[%rem3A_48, %dma_wait3A_109, %dma_wait3A_115] : memref<2x16x128xi32, #tpu.memory_space<vmem>> -> memref<1x1x128xi32, #tpu.memory_space<vmem>>
      %dma_wait3A_117 = tpu.memref_squeeze %dma_wait3A_116 : memref<1x1x128xi32, #tpu.memory_space<vmem>> -> memref<128xi32, #tpu.memory_space<vmem>>
      %dma_wait3A_118 = arith.constant 0 : i32
      %dma_wait3A_119 = arith.constant 0 : i32
      %dma_wait3A_120 = tpu.memref_slice %arg4[%dma_wait3A_118, %dma_wait3A_119] : memref<10000x128xf32, #tpu.memory_space<hbm>> -> memref<10000x128xf32, #tpu.memory_space<hbm>>
      tpu.wait_indirect_dma semaphore(%arg11 : memref<!tpu.dma_semaphore, #tpu.memory_space<semaphore_mem>>) src(%dma_wait3A_120 : memref<10000x128xf32, #tpu.memory_space<hbm>>) dst(%dma_wait3A_114 : memref<128x128xf32, #tpu.memory_space<vmem>>)
      %run_scoped3A_121 = arith.constant 0 : i32
      %run_scoped3A_122 = arith.constant 2 : i32
      "tpu.region"() ({
        %run_scoped3A_458 = tpu.sem_alloc : memref<!tpu.dma_semaphore, #tpu.memory_space<semaphore_mem>>
        %dma_start3A_459 = arith.constant 0 : i32
        %dma_start3A_460 = arith.constant 0 : i32
        %dma_start3A_461 = tpu.memref_slice %arg9[%run_scoped3A_121, %dma_start3A_459, %dma_start3A_460] : memref<2x128x128xf32, #tpu.memory_space<vmem>> -> memref<1x128x128xf32, #tpu.memory_space<vmem>>
        %dma_start3A_462 = tpu.memref_squeeze %dma_start3A_461 : memref<1x128x128xf32, #tpu.memory_space<vmem>> -> memref<128x128xf32, #tpu.memory_space<vmem>>
        %dma_start3A_463 = arith.constant 0 : i32
        %dma_start3A_464 = tpu.memref_slice %arg8[%rem3A_48, %run_scoped3A_122, %dma_start3A_463] : memref<2x16x128xi32, #tpu.memory_space<vmem>> -> memref<1x1x128xi32, #tpu.memory_space<vmem>>
        %dma_start3A_465 = tpu.memref_squeeze %dma_start3A_464 : memref<1x1x128xi32, #tpu.memory_space<vmem>> -> memref<128xi32, #tpu.memory_space<vmem>>
        %dma_start3A_466 = arith.constant 0 : i32
        %dma_start3A_467 = arith.constant 0 : i32
        %dma_start3A_468 = tpu.memref_slice %arg10[%dma_start3A_466, %dma_start3A_467] : memref<10240x128xf32, #tpu.memory_space<vmem_shared>> -> memref<10240x128xf32, #tpu.memory_space<vmem_shared>>
        tpu.enqueue_indirect_dma source(%dma_start3A_462 : memref<128x128xf32, #tpu.memory_space<vmem>>) target(%dma_start3A_468 : memref<10240x128xf32, #tpu.memory_space<vmem_shared>>) offsets(%dma_start3A_465 : memref<128xi32, #tpu.memory_space<vmem>>) semaphore(%run_scoped3A_458 : memref<!tpu.dma_semaphore, #tpu.memory_space<semaphore_mem>>) {add = true}
        %dma_wait3A_469 = arith.constant 0 : i32
        %dma_wait3A_470 = arith.constant 0 : i32
        %dma_wait3A_471 = tpu.memref_slice %arg9[%run_scoped3A_121, %dma_wait3A_469, %dma_wait3A_470] : memref<2x128x128xf32, #tpu.memory_space<vmem>> -> memref<1x128x128xf32, #tpu.memory_space<vmem>>
        %dma_wait3A_472 = tpu.memref_squeeze %dma_wait3A_471 : memref<1x128x128xf32, #tpu.memory_space<vmem>> -> memref<128x128xf32, #tpu.memory_space<vmem>>
        %dma_wait3A_473 = arith.constant 0 : i32
        %dma_wait3A_474 = tpu.memref_slice %arg8[%rem3A_48, %run_scoped3A_122, %dma_wait3A_473] : memref<2x16x128xi32, #tpu.memory_space<vmem>> -> memref<1x1x128xi32, #tpu.memory_space<vmem>>
        %dma_wait3A_475 = tpu.memref_squeeze %dma_wait3A_474 : memref<1x1x128xi32, #tpu.memory_space<vmem>> -> memref<128xi32, #tpu.memory_space<vmem>>
        %dma_wait3A_476 = arith.constant 0 : i32
        %dma_wait3A_477 = arith.constant 0 : i32
        %dma_wait3A_478 = tpu.memref_slice %arg10[%dma_wait3A_476, %dma_wait3A_477] : memref<10240x128xf32, #tpu.memory_space<vmem_shared>> -> memref<10240x128xf32, #tpu.memory_space<vmem_shared>>
        tpu.wait_indirect_dma semaphore(%run_scoped3A_458 : memref<!tpu.dma_semaphore, #tpu.memory_space<semaphore_mem>>) src(%dma_wait3A_472 : memref<128x128xf32, #tpu.memory_space<vmem>>) dst(%dma_wait3A_478 : memref<10240x128xf32, #tpu.memory_space<vmem_shared>>)
        tpu.yield
      }) : () -> ()
      %dma_start3A_123 = arith.constant 4 : i32
      %dma_start3A_124 = arith.constant 0 : i32
      %dma_start3A_125 = arith.constant 0 : i32
      %dma_start3A_126 = arith.constant 0 : i32
      %dma_start3A_127 = tpu.memref_slice %arg9[%dma_start3A_124, %dma_start3A_125, %dma_start3A_126] : memref<2x128x128xf32, #tpu.memory_space<vmem>> -> memref<1x128x128xf32, #tpu.memory_space<vmem>>
      %dma_start3A_128 = tpu.memref_squeeze %dma_start3A_127 : memref<1x128x128xf32, #tpu.memory_space<vmem>> -> memref<128x128xf32, #tpu.memory_space<vmem>>
      %dma_start3A_129 = arith.constant 0 : i32
      %dma_start3A_130 = tpu.memref_slice %arg7[%rem3A_48, %dma_start3A_123, %dma_start3A_129] : memref<2x16x128xi32, #tpu.memory_space<vmem>> -> memref<1x1x128xi32, #tpu.memory_space<vmem>>
      %dma_start3A_131 = tpu.memref_squeeze %dma_start3A_130 : memref<1x1x128xi32, #tpu.memory_space<vmem>> -> memref<128xi32, #tpu.memory_space<vmem>>
      %dma_start3A_132 = arith.constant 0 : i32
      %dma_start3A_133 = arith.constant 0 : i32
      %dma_start3A_134 = tpu.memref_slice %arg4[%dma_start3A_132, %dma_start3A_133] : memref<10000x128xf32, #tpu.memory_space<hbm>> -> memref<10000x128xf32, #tpu.memory_space<hbm>>
      tpu.enqueue_indirect_dma source(%dma_start3A_134 : memref<10000x128xf32, #tpu.memory_space<hbm>>) target(%dma_start3A_128 : memref<128x128xf32, #tpu.memory_space<vmem>>) offsets(%dma_start3A_131 : memref<128xi32, #tpu.memory_space<vmem>>) semaphore(%arg11 : memref<!tpu.dma_semaphore, #tpu.memory_space<semaphore_mem>>)
      %dma_wait3A_135 = arith.constant 3 : i32
      %dma_wait3A_136 = arith.constant 1 : i32
      %dma_wait3A_137 = arith.constant 0 : i32
      %dma_wait3A_138 = arith.constant 0 : i32
      %dma_wait3A_139 = tpu.memref_slice %arg9[%dma_wait3A_136, %dma_wait3A_137, %dma_wait3A_138] : memref<2x128x128xf32, #tpu.memory_space<vmem>> -> memref<1x128x128xf32, #tpu.memory_space<vmem>>
      %dma_wait3A_140 = tpu.memref_squeeze %dma_wait3A_139 : memref<1x128x128xf32, #tpu.memory_space<vmem>> -> memref<128x128xf32, #tpu.memory_space<vmem>>
      %dma_wait3A_141 = arith.constant 0 : i32
      %dma_wait3A_142 = tpu.memref_slice %arg7[%rem3A_48, %dma_wait3A_135, %dma_wait3A_141] : memref<2x16x128xi32, #tpu.memory_space<vmem>> -> memref<1x1x128xi32, #tpu.memory_space<vmem>>
      %dma_wait3A_143 = tpu.memref_squeeze %dma_wait3A_142 : memref<1x1x128xi32, #tpu.memory_space<vmem>> -> memref<128xi32, #tpu.memory_space<vmem>>
      %dma_wait3A_144 = arith.constant 0 : i32
      %dma_wait3A_145 = arith.constant 0 : i32
      %dma_wait3A_146 = tpu.memref_slice %arg4[%dma_wait3A_144, %dma_wait3A_145] : memref<10000x128xf32, #tpu.memory_space<hbm>> -> memref<10000x128xf32, #tpu.memory_space<hbm>>
      tpu.wait_indirect_dma semaphore(%arg12 : memref<!tpu.dma_semaphore, #tpu.memory_space<semaphore_mem>>) src(%dma_wait3A_146 : memref<10000x128xf32, #tpu.memory_space<hbm>>) dst(%dma_wait3A_140 : memref<128x128xf32, #tpu.memory_space<vmem>>)
      %run_scoped3A_147 = arith.constant 1 : i32
      %run_scoped3A_148 = arith.constant 3 : i32
      "tpu.region"() ({
        %run_scoped3A_458 = tpu.sem_alloc : memref<!tpu.dma_semaphore, #tpu.memory_space<semaphore_mem>>
        %dma_start3A_459 = arith.constant 0 : i32
        %dma_start3A_460 = arith.constant 0 : i32
        %dma_start3A_461 = tpu.memref_slice %arg9[%run_scoped3A_147, %dma_start3A_459, %dma_start3A_460] : memref<2x128x128xf32, #tpu.memory_space<vmem>> -> memref<1x128x128xf32, #tpu.memory_space<vmem>>
        %dma_start3A_462 = tpu.memref_squeeze %dma_start3A_461 : memref<1x128x128xf32, #tpu.memory_space<vmem>> -> memref<128x128xf32, #tpu.memory_space<vmem>>
        %dma_start3A_463 = arith.constant 0 : i32
        %dma_start3A_464 = tpu.memref_slice %arg8[%rem3A_48, %run_scoped3A_148, %dma_start3A_463] : memref<2x16x128xi32, #tpu.memory_space<vmem>> -> memref<1x1x128xi32, #tpu.memory_space<vmem>>
        %dma_start3A_465 = tpu.memref_squeeze %dma_start3A_464 : memref<1x1x128xi32, #tpu.memory_space<vmem>> -> memref<128xi32, #tpu.memory_space<vmem>>
        %dma_start3A_466 = arith.constant 0 : i32
        %dma_start3A_467 = arith.constant 0 : i32
        %dma_start3A_468 = tpu.memref_slice %arg10[%dma_start3A_466, %dma_start3A_467] : memref<10240x128xf32, #tpu.memory_space<vmem_shared>> -> memref<10240x128xf32, #tpu.memory_space<vmem_shared>>
        tpu.enqueue_indirect_dma source(%dma_start3A_462 : memref<128x128xf32, #tpu.memory_space<vmem>>) target(%dma_start3A_468 : memref<10240x128xf32, #tpu.memory_space<vmem_shared>>) offsets(%dma_start3A_465 : memref<128xi32, #tpu.memory_space<vmem>>) semaphore(%run_scoped3A_458 : memref<!tpu.dma_semaphore, #tpu.memory_space<semaphore_mem>>) {add = true}
        %dma_wait3A_469 = arith.constant 0 : i32
        %dma_wait3A_470 = arith.constant 0 : i32
        %dma_wait3A_471 = tpu.memref_slice %arg9[%run_scoped3A_147, %dma_wait3A_469, %dma_wait3A_470] : memref<2x128x128xf32, #tpu.memory_space<vmem>> -> memref<1x128x128xf32, #tpu.memory_space<vmem>>
        %dma_wait3A_472 = tpu.memref_squeeze %dma_wait3A_471 : memref<1x128x128xf32, #tpu.memory_space<vmem>> -> memref<128x128xf32, #tpu.memory_space<vmem>>
        %dma_wait3A_473 = arith.constant 0 : i32
        %dma_wait3A_474 = tpu.memref_slice %arg8[%rem3A_48, %run_scoped3A_148, %dma_wait3A_473] : memref<2x16x128xi32, #tpu.memory_space<vmem>> -> memref<1x1x128xi32, #tpu.memory_space<vmem>>
        %dma_wait3A_475 = tpu.memref_squeeze %dma_wait3A_474 : memref<1x1x128xi32, #tpu.memory_space<vmem>> -> memref<128xi32, #tpu.memory_space<vmem>>
        %dma_wait3A_476 = arith.constant 0 : i32
        %dma_wait3A_477 = arith.constant 0 : i32
        %dma_wait3A_478 = tpu.memref_slice %arg10[%dma_wait3A_476, %dma_wait3A_477] : memref<10240x128xf32, #tpu.memory_space<vmem_shared>> -> memref<10240x128xf32, #tpu.memory_space<vmem_shared>>
        tpu.wait_indirect_dma semaphore(%run_scoped3A_458 : memref<!tpu.dma_semaphore, #tpu.memory_space<semaphore_mem>>) src(%dma_wait3A_472 : memref<128x128xf32, #tpu.memory_space<vmem>>) dst(%dma_wait3A_478 : memref<10240x128xf32, #tpu.memory_space<vmem_shared>>)
        tpu.yield
      }) : () -> ()
      %dma_start3A_149 = arith.constant 5 : i32
      %dma_start3A_150 = arith.constant 1 : i32
      %dma_start3A_151 = arith.constant 0 : i32
      %dma_start3A_152 = arith.constant 0 : i32
      %dma_start3A_153 = tpu.memref_slice %arg9[%dma_start3A_150, %dma_start3A_151, %dma_start3A_152] : memref<2x128x128xf32, #tpu.memory_space<vmem>> -> memref<1x128x128xf32, #tpu.memory_space<vmem>>
      %dma_start3A_154 = tpu.memref_squeeze %dma_start3A_153 : memref<1x128x128xf32, #tpu.memory_space<vmem>> -> memref<128x128xf32, #tpu.memory_space<vmem>>
      %dma_start3A_155 = arith.constant 0 : i32
      %dma_start3A_156 = tpu.memref_slice %arg7[%rem3A_48, %dma_start3A_149, %dma_start3A_155] : memref<2x16x128xi32, #tpu.memory_space<vmem>> -> memref<1x1x128xi32, #tpu.memory_space<vmem>>
      %dma_start3A_157 = tpu.memref_squeeze %dma_start3A_156 : memref<1x1x128xi32, #tpu.memory_space<vmem>> -> memref<128xi32, #tpu.memory_space<vmem>>
      %dma_start3A_158 = arith.constant 0 : i32
      %dma_start3A_159 = arith.constant 0 : i32
      %dma_start3A_160 = tpu.memref_slice %arg4[%dma_start3A_158, %dma_start3A_159] : memref<10000x128xf32, #tpu.memory_space<hbm>> -> memref<10000x128xf32, #tpu.memory_space<hbm>>
      tpu.enqueue_indirect_dma source(%dma_start3A_160 : memref<10000x128xf32, #tpu.memory_space<hbm>>) target(%dma_start3A_154 : memref<128x128xf32, #tpu.memory_space<vmem>>) offsets(%dma_start3A_157 : memref<128xi32, #tpu.memory_space<vmem>>) semaphore(%arg12 : memref<!tpu.dma_semaphore, #tpu.memory_space<semaphore_mem>>)
      %dma_wait3A_161 = arith.constant 4 : i32
      %dma_wait3A_162 = arith.constant 0 : i32
      %dma_wait3A_163 = arith.constant 0 : i32
      %dma_wait3A_164 = arith.constant 0 : i32
      %dma_wait3A_165 = tpu.memref_slice %arg9[%dma_wait3A_162, %dma_wait3A_163, %dma_wait3A_164] : memref<2x128x128xf32, #tpu.memory_space<vmem>> -> memref<1x128x128xf32, #tpu.memory_space<vmem>>
      %dma_wait3A_166 = tpu.memref_squeeze %dma_wait3A_165 : memref<1x128x128xf32, #tpu.memory_space<vmem>> -> memref<128x128xf32, #tpu.memory_space<vmem>>
      %dma_wait3A_167 = arith.constant 0 : i32
      %dma_wait3A_168 = tpu.memref_slice %arg7[%rem3A_48, %dma_wait3A_161, %dma_wait3A_167] : memref<2x16x128xi32, #tpu.memory_space<vmem>> -> memref<1x1x128xi32, #tpu.memory_space<vmem>>
      %dma_wait3A_169 = tpu.memref_squeeze %dma_wait3A_168 : memref<1x1x128xi32, #tpu.memory_space<vmem>> -> memref<128xi32, #tpu.memory_space<vmem>>
      %dma_wait3A_170 = arith.constant 0 : i32
      %dma_wait3A_171 = arith.constant 0 : i32
      %dma_wait3A_172 = tpu.memref_slice %arg4[%dma_wait3A_170, %dma_wait3A_171] : memref<10000x128xf32, #tpu.memory_space<hbm>> -> memref<10000x128xf32, #tpu.memory_space<hbm>>
      tpu.wait_indirect_dma semaphore(%arg11 : memref<!tpu.dma_semaphore, #tpu.memory_space<semaphore_mem>>) src(%dma_wait3A_172 : memref<10000x128xf32, #tpu.memory_space<hbm>>) dst(%dma_wait3A_166 : memref<128x128xf32, #tpu.memory_space<vmem>>)
      %run_scoped3A_173 = arith.constant 0 : i32
      %run_scoped3A_174 = arith.constant 4 : i32
      "tpu.region"() ({
        %run_scoped3A_458 = tpu.sem_alloc : memref<!tpu.dma_semaphore, #tpu.memory_space<semaphore_mem>>
        %dma_start3A_459 = arith.constant 0 : i32
        %dma_start3A_460 = arith.constant 0 : i32
        %dma_start3A_461 = tpu.memref_slice %arg9[%run_scoped3A_173, %dma_start3A_459, %dma_start3A_460] : memref<2x128x128xf32, #tpu.memory_space<vmem>> -> memref<1x128x128xf32, #tpu.memory_space<vmem>>
        %dma_start3A_462 = tpu.memref_squeeze %dma_start3A_461 : memref<1x128x128xf32, #tpu.memory_space<vmem>> -> memref<128x128xf32, #tpu.memory_space<vmem>>
        %dma_start3A_463 = arith.constant 0 : i32
        %dma_start3A_464 = tpu.memref_slice %arg8[%rem3A_48, %run_scoped3A_174, %dma_start3A_463] : memref<2x16x128xi32, #tpu.memory_space<vmem>> -> memref<1x1x128xi32, #tpu.memory_space<vmem>>
        %dma_start3A_465 = tpu.memref_squeeze %dma_start3A_464 : memref<1x1x128xi32, #tpu.memory_space<vmem>> -> memref<128xi32, #tpu.memory_space<vmem>>
        %dma_start3A_466 = arith.constant 0 : i32
        %dma_start3A_467 = arith.constant 0 : i32
        %dma_start3A_468 = tpu.memref_slice %arg10[%dma_start3A_466, %dma_start3A_467] : memref<10240x128xf32, #tpu.memory_space<vmem_shared>> -> memref<10240x128xf32, #tpu.memory_space<vmem_shared>>
        tpu.enqueue_indirect_dma source(%dma_start3A_462 : memref<128x128xf32, #tpu.memory_space<vmem>>) target(%dma_start3A_468 : memref<10240x128xf32, #tpu.memory_space<vmem_shared>>) offsets(%dma_start3A_465 : memref<128xi32, #tpu.memory_space<vmem>>) semaphore(%run_scoped3A_458 : memref<!tpu.dma_semaphore, #tpu.memory_space<semaphore_mem>>) {add = true}
        %dma_wait3A_469 = arith.constant 0 : i32
        %dma_wait3A_470 = arith.constant 0 : i32
        %dma_wait3A_471 = tpu.memref_slice %arg9[%run_scoped3A_173, %dma_wait3A_469, %dma_wait3A_470] : memref<2x128x128xf32, #tpu.memory_space<vmem>> -> memref<1x128x128xf32, #tpu.memory_space<vmem>>
        %dma_wait3A_472 = tpu.memref_squeeze %dma_wait3A_471 : memref<1x128x128xf32, #tpu.memory_space<vmem>> -> memref<128x128xf32, #tpu.memory_space<vmem>>
        %dma_wait3A_473 = arith.constant 0 : i32
        %dma_wait3A_474 = tpu.memref_slice %arg8[%rem3A_48, %run_scoped3A_174, %dma_wait3A_473] : memref<2x16x128xi32, #tpu.memory_space<vmem>> -> memref<1x1x128xi32, #tpu.memory_space<vmem>>
        %dma_wait3A_475 = tpu.memref_squeeze %dma_wait3A_474 : memref<1x1x128xi32, #tpu.memory_space<vmem>> -> memref<128xi32, #tpu.memory_space<vmem>>
        %dma_wait3A_476 = arith.constant 0 : i32
        %dma_wait3A_477 = arith.constant 0 : i32
        %dma_wait3A_478 = tpu.memref_slice %arg10[%dma_wait3A_476, %dma_wait3A_477] : memref<10240x128xf32, #tpu.memory_space<vmem_shared>> -> memref<10240x128xf32, #tpu.memory_space<vmem_shared>>
        tpu.wait_indirect_dma semaphore(%run_scoped3A_458 : memref<!tpu.dma_semaphore, #tpu.memory_space<semaphore_mem>>) src(%dma_wait3A_472 : memref<128x128xf32, #tpu.memory_space<vmem>>) dst(%dma_wait3A_478 : memref<10240x128xf32, #tpu.memory_space<vmem_shared>>)
        tpu.yield
      }) : () -> ()
      %dma_start3A_175 = arith.constant 6 : i32
      %dma_start3A_176 = arith.constant 0 : i32
      %dma_start3A_177 = arith.constant 0 : i32
      %dma_start3A_178 = arith.constant 0 : i32
      %dma_start3A_179 = tpu.memref_slice %arg9[%dma_start3A_176, %dma_start3A_177, %dma_start3A_178] : memref<2x128x128xf32, #tpu.memory_space<vmem>> -> memref<1x128x128xf32, #tpu.memory_space<vmem>>
      %dma_start3A_180 = tpu.memref_squeeze %dma_start3A_179 : memref<1x128x128xf32, #tpu.memory_space<vmem>> -> memref<128x128xf32, #tpu.memory_space<vmem>>
      %dma_start3A_181 = arith.constant 0 : i32
      %dma_start3A_182 = tpu.memref_slice %arg7[%rem3A_48, %dma_start3A_175, %dma_start3A_181] : memref<2x16x128xi32, #tpu.memory_space<vmem>> -> memref<1x1x128xi32, #tpu.memory_space<vmem>>
      %dma_start3A_183 = tpu.memref_squeeze %dma_start3A_182 : memref<1x1x128xi32, #tpu.memory_space<vmem>> -> memref<128xi32, #tpu.memory_space<vmem>>
      %dma_start3A_184 = arith.constant 0 : i32
      %dma_start3A_185 = arith.constant 0 : i32
      %dma_start3A_186 = tpu.memref_slice %arg4[%dma_start3A_184, %dma_start3A_185] : memref<10000x128xf32, #tpu.memory_space<hbm>> -> memref<10000x128xf32, #tpu.memory_space<hbm>>
      tpu.enqueue_indirect_dma source(%dma_start3A_186 : memref<10000x128xf32, #tpu.memory_space<hbm>>) target(%dma_start3A_180 : memref<128x128xf32, #tpu.memory_space<vmem>>) offsets(%dma_start3A_183 : memref<128xi32, #tpu.memory_space<vmem>>) semaphore(%arg11 : memref<!tpu.dma_semaphore, #tpu.memory_space<semaphore_mem>>)
      %dma_wait3A_187 = arith.constant 5 : i32
      %dma_wait3A_188 = arith.constant 1 : i32
      %dma_wait3A_189 = arith.constant 0 : i32
      %dma_wait3A_190 = arith.constant 0 : i32
      %dma_wait3A_191 = tpu.memref_slice %arg9[%dma_wait3A_188, %dma_wait3A_189, %dma_wait3A_190] : memref<2x128x128xf32, #tpu.memory_space<vmem>> -> memref<1x128x128xf32, #tpu.memory_space<vmem>>
      %dma_wait3A_192 = tpu.memref_squeeze %dma_wait3A_191 : memref<1x128x128xf32, #tpu.memory_space<vmem>> -> memref<128x128xf32, #tpu.memory_space<vmem>>
      %dma_wait3A_193 = arith.constant 0 : i32
      %dma_wait3A_194 = tpu.memref_slice %arg7[%rem3A_48, %dma_wait3A_187, %dma_wait3A_193] : memref<2x16x128xi32, #tpu.memory_space<vmem>> -> memref<1x1x128xi32, #tpu.memory_space<vmem>>
      %dma_wait3A_195 = tpu.memref_squeeze %dma_wait3A_194 : memref<1x1x128xi32, #tpu.memory_space<vmem>> -> memref<128xi32, #tpu.memory_space<vmem>>
      %dma_wait3A_196 = arith.constant 0 : i32
      %dma_wait3A_197 = arith.constant 0 : i32
      %dma_wait3A_198 = tpu.memref_slice %arg4[%dma_wait3A_196, %dma_wait3A_197] : memref<10000x128xf32, #tpu.memory_space<hbm>> -> memref<10000x128xf32, #tpu.memory_space<hbm>>
      tpu.wait_indirect_dma semaphore(%arg12 : memref<!tpu.dma_semaphore, #tpu.memory_space<semaphore_mem>>) src(%dma_wait3A_198 : memref<10000x128xf32, #tpu.memory_space<hbm>>) dst(%dma_wait3A_192 : memref<128x128xf32, #tpu.memory_space<vmem>>)
      %run_scoped3A_199 = arith.constant 1 : i32
      %run_scoped3A_200 = arith.constant 5 : i32
      "tpu.region"() ({
        %run_scoped3A_458 = tpu.sem_alloc : memref<!tpu.dma_semaphore, #tpu.memory_space<semaphore_mem>>
        %dma_start3A_459 = arith.constant 0 : i32
        %dma_start3A_460 = arith.constant 0 : i32
        %dma_start3A_461 = tpu.memref_slice %arg9[%run_scoped3A_199, %dma_start3A_459, %dma_start3A_460] : memref<2x128x128xf32, #tpu.memory_space<vmem>> -> memref<1x128x128xf32, #tpu.memory_space<vmem>>
        %dma_start3A_462 = tpu.memref_squeeze %dma_start3A_461 : memref<1x128x128xf32, #tpu.memory_space<vmem>> -> memref<128x128xf32, #tpu.memory_space<vmem>>
        %dma_start3A_463 = arith.constant 0 : i32
        %dma_start3A_464 = tpu.memref_slice %arg8[%rem3A_48, %run_scoped3A_200, %dma_start3A_463] : memref<2x16x128xi32, #tpu.memory_space<vmem>> -> memref<1x1x128xi32, #tpu.memory_space<vmem>>
        %dma_start3A_465 = tpu.memref_squeeze %dma_start3A_464 : memref<1x1x128xi32, #tpu.memory_space<vmem>> -> memref<128xi32, #tpu.memory_space<vmem>>
        %dma_start3A_466 = arith.constant 0 : i32
        %dma_start3A_467 = arith.constant 0 : i32
        %dma_start3A_468 = tpu.memref_slice %arg10[%dma_start3A_466, %dma_start3A_467] : memref<10240x128xf32, #tpu.memory_space<vmem_shared>> -> memref<10240x128xf32, #tpu.memory_space<vmem_shared>>
        tpu.enqueue_indirect_dma source(%dma_start3A_462 : memref<128x128xf32, #tpu.memory_space<vmem>>) target(%dma_start3A_468 : memref<10240x128xf32, #tpu.memory_space<vmem_shared>>) offsets(%dma_start3A_465 : memref<128xi32, #tpu.memory_space<vmem>>) semaphore(%run_scoped3A_458 : memref<!tpu.dma_semaphore, #tpu.memory_space<semaphore_mem>>) {add = true}
        %dma_wait3A_469 = arith.constant 0 : i32
        %dma_wait3A_470 = arith.constant 0 : i32
        %dma_wait3A_471 = tpu.memref_slice %arg9[%run_scoped3A_199, %dma_wait3A_469, %dma_wait3A_470] : memref<2x128x128xf32, #tpu.memory_space<vmem>> -> memref<1x128x128xf32, #tpu.memory_space<vmem>>
        %dma_wait3A_472 = tpu.memref_squeeze %dma_wait3A_471 : memref<1x128x128xf32, #tpu.memory_space<vmem>> -> memref<128x128xf32, #tpu.memory_space<vmem>>
        %dma_wait3A_473 = arith.constant 0 : i32
        %dma_wait3A_474 = tpu.memref_slice %arg8[%rem3A_48, %run_scoped3A_200, %dma_wait3A_473] : memref<2x16x128xi32, #tpu.memory_space<vmem>> -> memref<1x1x128xi32, #tpu.memory_space<vmem>>
        %dma_wait3A_475 = tpu.memref_squeeze %dma_wait3A_474 : memref<1x1x128xi32, #tpu.memory_space<vmem>> -> memref<128xi32, #tpu.memory_space<vmem>>
        %dma_wait3A_476 = arith.constant 0 : i32
        %dma_wait3A_477 = arith.constant 0 : i32
        %dma_wait3A_478 = tpu.memref_slice %arg10[%dma_wait3A_476, %dma_wait3A_477] : memref<10240x128xf32, #tpu.memory_space<vmem_shared>> -> memref<10240x128xf32, #tpu.memory_space<vmem_shared>>
        tpu.wait_indirect_dma semaphore(%run_scoped3A_458 : memref<!tpu.dma_semaphore, #tpu.memory_space<semaphore_mem>>) src(%dma_wait3A_472 : memref<128x128xf32, #tpu.memory_space<vmem>>) dst(%dma_wait3A_478 : memref<10240x128xf32, #tpu.memory_space<vmem_shared>>)
        tpu.yield
      }) : () -> ()
      %dma_start3A_201 = arith.constant 7 : i32
      %dma_start3A_202 = arith.constant 1 : i32
      %dma_start3A_203 = arith.constant 0 : i32
      %dma_start3A_204 = arith.constant 0 : i32
      %dma_start3A_205 = tpu.memref_slice %arg9[%dma_start3A_202, %dma_start3A_203, %dma_start3A_204] : memref<2x128x128xf32, #tpu.memory_space<vmem>> -> memref<1x128x128xf32, #tpu.memory_space<vmem>>
      %dma_start3A_206 = tpu.memref_squeeze %dma_start3A_205 : memref<1x128x128xf32, #tpu.memory_space<vmem>> -> memref<128x128xf32, #tpu.memory_space<vmem>>
      %dma_start3A_207 = arith.constant 0 : i32
      %dma_start3A_208 = tpu.memref_slice %arg7[%rem3A_48, %dma_start3A_201, %dma_start3A_207] : memref<2x16x128xi32, #tpu.memory_space<vmem>> -> memref<1x1x128xi32, #tpu.memory_space<vmem>>
      %dma_start3A_209 = tpu.memref_squeeze %dma_start3A_208 : memref<1x1x128xi32, #tpu.memory_space<vmem>> -> memref<128xi32, #tpu.memory_space<vmem>>
      %dma_start3A_210 = arith.constant 0 : i32
      %dma_start3A_211 = arith.constant 0 : i32
      %dma_start3A_212 = tpu.memref_slice %arg4[%dma_start3A_210, %dma_start3A_211] : memref<10000x128xf32, #tpu.memory_space<hbm>> -> memref<10000x128xf32, #tpu.memory_space<hbm>>
      tpu.enqueue_indirect_dma source(%dma_start3A_212 : memref<10000x128xf32, #tpu.memory_space<hbm>>) target(%dma_start3A_206 : memref<128x128xf32, #tpu.memory_space<vmem>>) offsets(%dma_start3A_209 : memref<128xi32, #tpu.memory_space<vmem>>) semaphore(%arg12 : memref<!tpu.dma_semaphore, #tpu.memory_space<semaphore_mem>>)
      %dma_wait3A_213 = arith.constant 6 : i32
      %dma_wait3A_214 = arith.constant 0 : i32
      %dma_wait3A_215 = arith.constant 0 : i32
      %dma_wait3A_216 = arith.constant 0 : i32
      %dma_wait3A_217 = tpu.memref_slice %arg9[%dma_wait3A_214, %dma_wait3A_215, %dma_wait3A_216] : memref<2x128x128xf32, #tpu.memory_space<vmem>> -> memref<1x128x128xf32, #tpu.memory_space<vmem>>
      %dma_wait3A_218 = tpu.memref_squeeze %dma_wait3A_217 : memref<1x128x128xf32, #tpu.memory_space<vmem>> -> memref<128x128xf32, #tpu.memory_space<vmem>>
      %dma_wait3A_219 = arith.constant 0 : i32
      %dma_wait3A_220 = tpu.memref_slice %arg7[%rem3A_48, %dma_wait3A_213, %dma_wait3A_219] : memref<2x16x128xi32, #tpu.memory_space<vmem>> -> memref<1x1x128xi32, #tpu.memory_space<vmem>>
      %dma_wait3A_221 = tpu.memref_squeeze %dma_wait3A_220 : memref<1x1x128xi32, #tpu.memory_space<vmem>> -> memref<128xi32, #tpu.memory_space<vmem>>
      %dma_wait3A_222 = arith.constant 0 : i32
      %dma_wait3A_223 = arith.constant 0 : i32
      %dma_wait3A_224 = tpu.memref_slice %arg4[%dma_wait3A_222, %dma_wait3A_223] : memref<10000x128xf32, #tpu.memory_space<hbm>> -> memref<10000x128xf32, #tpu.memory_space<hbm>>
      tpu.wait_indirect_dma semaphore(%arg11 : memref<!tpu.dma_semaphore, #tpu.memory_space<semaphore_mem>>) src(%dma_wait3A_224 : memref<10000x128xf32, #tpu.memory_space<hbm>>) dst(%dma_wait3A_218 : memref<128x128xf32, #tpu.memory_space<vmem>>)
      %run_scoped3A_225 = arith.constant 0 : i32
      %run_scoped3A_226 = arith.constant 6 : i32
      "tpu.region"() ({
        %run_scoped3A_458 = tpu.sem_alloc : memref<!tpu.dma_semaphore, #tpu.memory_space<semaphore_mem>>
        %dma_start3A_459 = arith.constant 0 : i32
        %dma_start3A_460 = arith.constant 0 : i32
        %dma_start3A_461 = tpu.memref_slice %arg9[%run_scoped3A_225, %dma_start3A_459, %dma_start3A_460] : memref<2x128x128xf32, #tpu.memory_space<vmem>> -> memref<1x128x128xf32, #tpu.memory_space<vmem>>
        %dma_start3A_462 = tpu.memref_squeeze %dma_start3A_461 : memref<1x128x128xf32, #tpu.memory_space<vmem>> -> memref<128x128xf32, #tpu.memory_space<vmem>>
        %dma_start3A_463 = arith.constant 0 : i32
        %dma_start3A_464 = tpu.memref_slice %arg8[%rem3A_48, %run_scoped3A_226, %dma_start3A_463] : memref<2x16x128xi32, #tpu.memory_space<vmem>> -> memref<1x1x128xi32, #tpu.memory_space<vmem>>
        %dma_start3A_465 = tpu.memref_squeeze %dma_start3A_464 : memref<1x1x128xi32, #tpu.memory_space<vmem>> -> memref<128xi32, #tpu.memory_space<vmem>>
        %dma_start3A_466 = arith.constant 0 : i32
        %dma_start3A_467 = arith.constant 0 : i32
        %dma_start3A_468 = tpu.memref_slice %arg10[%dma_start3A_466, %dma_start3A_467] : memref<10240x128xf32, #tpu.memory_space<vmem_shared>> -> memref<10240x128xf32, #tpu.memory_space<vmem_shared>>
        tpu.enqueue_indirect_dma source(%dma_start3A_462 : memref<128x128xf32, #tpu.memory_space<vmem>>) target(%dma_start3A_468 : memref<10240x128xf32, #tpu.memory_space<vmem_shared>>) offsets(%dma_start3A_465 : memref<128xi32, #tpu.memory_space<vmem>>) semaphore(%run_scoped3A_458 : memref<!tpu.dma_semaphore, #tpu.memory_space<semaphore_mem>>) {add = true}
        %dma_wait3A_469 = arith.constant 0 : i32
        %dma_wait3A_470 = arith.constant 0 : i32
        %dma_wait3A_471 = tpu.memref_slice %arg9[%run_scoped3A_225, %dma_wait3A_469, %dma_wait3A_470] : memref<2x128x128xf32, #tpu.memory_space<vmem>> -> memref<1x128x128xf32, #tpu.memory_space<vmem>>
        %dma_wait3A_472 = tpu.memref_squeeze %dma_wait3A_471 : memref<1x128x128xf32, #tpu.memory_space<vmem>> -> memref<128x128xf32, #tpu.memory_space<vmem>>
        %dma_wait3A_473 = arith.constant 0 : i32
        %dma_wait3A_474 = tpu.memref_slice %arg8[%rem3A_48, %run_scoped3A_226, %dma_wait3A_473] : memref<2x16x128xi32, #tpu.memory_space<vmem>> -> memref<1x1x128xi32, #tpu.memory_space<vmem>>
        %dma_wait3A_475 = tpu.memref_squeeze %dma_wait3A_474 : memref<1x1x128xi32, #tpu.memory_space<vmem>> -> memref<128xi32, #tpu.memory_space<vmem>>
        %dma_wait3A_476 = arith.constant 0 : i32
        %dma_wait3A_477 = arith.constant 0 : i32
        %dma_wait3A_478 = tpu.memref_slice %arg10[%dma_wait3A_476, %dma_wait3A_477] : memref<10240x128xf32, #tpu.memory_space<vmem_shared>> -> memref<10240x128xf32, #tpu.memory_space<vmem_shared>>
        tpu.wait_indirect_dma semaphore(%run_scoped3A_458 : memref<!tpu.dma_semaphore, #tpu.memory_space<semaphore_mem>>) src(%dma_wait3A_472 : memref<128x128xf32, #tpu.memory_space<vmem>>) dst(%dma_wait3A_478 : memref<10240x128xf32, #tpu.memory_space<vmem_shared>>)
        tpu.yield
      }) : () -> ()
      %dma_start3A_227 = arith.constant 8 : i32
      %dma_start3A_228 = arith.constant 0 : i32
      %dma_start3A_229 = arith.constant 0 : i32
      %dma_start3A_230 = arith.constant 0 : i32
      %dma_start3A_231 = tpu.memref_slice %arg9[%dma_start3A_228, %dma_start3A_229, %dma_start3A_230] : memref<2x128x128xf32, #tpu.memory_space<vmem>> -> memref<1x128x128xf32, #tpu.memory_space<vmem>>
      %dma_start3A_232 = tpu.memref_squeeze %dma_start3A_231 : memref<1x128x128xf32, #tpu.memory_space<vmem>> -> memref<128x128xf32, #tpu.memory_space<vmem>>
      %dma_start3A_233 = arith.constant 0 : i32
      %dma_start3A_234 = tpu.memref_slice %arg7[%rem3A_48, %dma_start3A_227, %dma_start3A_233] : memref<2x16x128xi32, #tpu.memory_space<vmem>> -> memref<1x1x128xi32, #tpu.memory_space<vmem>>
      %dma_start3A_235 = tpu.memref_squeeze %dma_start3A_234 : memref<1x1x128xi32, #tpu.memory_space<vmem>> -> memref<128xi32, #tpu.memory_space<vmem>>
      %dma_start3A_236 = arith.constant 0 : i32
      %dma_start3A_237 = arith.constant 0 : i32
      %dma_start3A_238 = tpu.memref_slice %arg4[%dma_start3A_236, %dma_start3A_237] : memref<10000x128xf32, #tpu.memory_space<hbm>> -> memref<10000x128xf32, #tpu.memory_space<hbm>>
      tpu.enqueue_indirect_dma source(%dma_start3A_238 : memref<10000x128xf32, #tpu.memory_space<hbm>>) target(%dma_start3A_232 : memref<128x128xf32, #tpu.memory_space<vmem>>) offsets(%dma_start3A_235 : memref<128xi32, #tpu.memory_space<vmem>>) semaphore(%arg11 : memref<!tpu.dma_semaphore, #tpu.memory_space<semaphore_mem>>)
      %dma_wait3A_239 = arith.constant 7 : i32
      %dma_wait3A_240 = arith.constant 1 : i32
      %dma_wait3A_241 = arith.constant 0 : i32
      %dma_wait3A_242 = arith.constant 0 : i32
      %dma_wait3A_243 = tpu.memref_slice %arg9[%dma_wait3A_240, %dma_wait3A_241, %dma_wait3A_242] : memref<2x128x128xf32, #tpu.memory_space<vmem>> -> memref<1x128x128xf32, #tpu.memory_space<vmem>>
      %dma_wait3A_244 = tpu.memref_squeeze %dma_wait3A_243 : memref<1x128x128xf32, #tpu.memory_space<vmem>> -> memref<128x128xf32, #tpu.memory_space<vmem>>
      %dma_wait3A_245 = arith.constant 0 : i32
      %dma_wait3A_246 = tpu.memref_slice %arg7[%rem3A_48, %dma_wait3A_239, %dma_wait3A_245] : memref<2x16x128xi32, #tpu.memory_space<vmem>> -> memref<1x1x128xi32, #tpu.memory_space<vmem>>
      %dma_wait3A_247 = tpu.memref_squeeze %dma_wait3A_246 : memref<1x1x128xi32, #tpu.memory_space<vmem>> -> memref<128xi32, #tpu.memory_space<vmem>>
      %dma_wait3A_248 = arith.constant 0 : i32
      %dma_wait3A_249 = arith.constant 0 : i32
      %dma_wait3A_250 = tpu.memref_slice %arg4[%dma_wait3A_248, %dma_wait3A_249] : memref<10000x128xf32, #tpu.memory_space<hbm>> -> memref<10000x128xf32, #tpu.memory_space<hbm>>
      tpu.wait_indirect_dma semaphore(%arg12 : memref<!tpu.dma_semaphore, #tpu.memory_space<semaphore_mem>>) src(%dma_wait3A_250 : memref<10000x128xf32, #tpu.memory_space<hbm>>) dst(%dma_wait3A_244 : memref<128x128xf32, #tpu.memory_space<vmem>>)
      %run_scoped3A_251 = arith.constant 1 : i32
      %run_scoped3A_252 = arith.constant 7 : i32
      "tpu.region"() ({
        %run_scoped3A_458 = tpu.sem_alloc : memref<!tpu.dma_semaphore, #tpu.memory_space<semaphore_mem>>
        %dma_start3A_459 = arith.constant 0 : i32
        %dma_start3A_460 = arith.constant 0 : i32
        %dma_start3A_461 = tpu.memref_slice %arg9[%run_scoped3A_251, %dma_start3A_459, %dma_start3A_460] : memref<2x128x128xf32, #tpu.memory_space<vmem>> -> memref<1x128x128xf32, #tpu.memory_space<vmem>>
        %dma_start3A_462 = tpu.memref_squeeze %dma_start3A_461 : memref<1x128x128xf32, #tpu.memory_space<vmem>> -> memref<128x128xf32, #tpu.memory_space<vmem>>
        %dma_start3A_463 = arith.constant 0 : i32
        %dma_start3A_464 = tpu.memref_slice %arg8[%rem3A_48, %run_scoped3A_252, %dma_start3A_463] : memref<2x16x128xi32, #tpu.memory_space<vmem>> -> memref<1x1x128xi32, #tpu.memory_space<vmem>>
        %dma_start3A_465 = tpu.memref_squeeze %dma_start3A_464 : memref<1x1x128xi32, #tpu.memory_space<vmem>> -> memref<128xi32, #tpu.memory_space<vmem>>
        %dma_start3A_466 = arith.constant 0 : i32
        %dma_start3A_467 = arith.constant 0 : i32
        %dma_start3A_468 = tpu.memref_slice %arg10[%dma_start3A_466, %dma_start3A_467] : memref<10240x128xf32, #tpu.memory_space<vmem_shared>> -> memref<10240x128xf32, #tpu.memory_space<vmem_shared>>
        tpu.enqueue_indirect_dma source(%dma_start3A_462 : memref<128x128xf32, #tpu.memory_space<vmem>>) target(%dma_start3A_468 : memref<10240x128xf32, #tpu.memory_space<vmem_shared>>) offsets(%dma_start3A_465 : memref<128xi32, #tpu.memory_space<vmem>>) semaphore(%run_scoped3A_458 : memref<!tpu.dma_semaphore, #tpu.memory_space<semaphore_mem>>) {add = true}
        %dma_wait3A_469 = arith.constant 0 : i32
        %dma_wait3A_470 = arith.constant 0 : i32
        %dma_wait3A_471 = tpu.memref_slice %arg9[%run_scoped3A_251, %dma_wait3A_469, %dma_wait3A_470] : memref<2x128x128xf32, #tpu.memory_space<vmem>> -> memref<1x128x128xf32, #tpu.memory_space<vmem>>
        %dma_wait3A_472 = tpu.memref_squeeze %dma_wait3A_471 : memref<1x128x128xf32, #tpu.memory_space<vmem>> -> memref<128x128xf32, #tpu.memory_space<vmem>>
        %dma_wait3A_473 = arith.constant 0 : i32
        %dma_wait3A_474 = tpu.memref_slice %arg8[%rem3A_48, %run_scoped3A_252, %dma_wait3A_473] : memref<2x16x128xi32, #tpu.memory_space<vmem>> -> memref<1x1x128xi32, #tpu.memory_space<vmem>>
        %dma_wait3A_475 = tpu.memref_squeeze %dma_wait3A_474 : memref<1x1x128xi32, #tpu.memory_space<vmem>> -> memref<128xi32, #tpu.memory_space<vmem>>
        %dma_wait3A_476 = arith.constant 0 : i32
        %dma_wait3A_477 = arith.constant 0 : i32
        %dma_wait3A_478 = tpu.memref_slice %arg10[%dma_wait3A_476, %dma_wait3A_477] : memref<10240x128xf32, #tpu.memory_space<vmem_shared>> -> memref<10240x128xf32, #tpu.memory_space<vmem_shared>>
        tpu.wait_indirect_dma semaphore(%run_scoped3A_458 : memref<!tpu.dma_semaphore, #tpu.memory_space<semaphore_mem>>) src(%dma_wait3A_472 : memref<128x128xf32, #tpu.memory_space<vmem>>) dst(%dma_wait3A_478 : memref<10240x128xf32, #tpu.memory_space<vmem_shared>>)
        tpu.yield
      }) : () -> ()
      %dma_start3A_253 = arith.constant 9 : i32
      %dma_start3A_254 = arith.constant 1 : i32
      %dma_start3A_255 = arith.constant 0 : i32
      %dma_start3A_256 = arith.constant 0 : i32
      %dma_start3A_257 = tpu.memref_slice %arg9[%dma_start3A_254, %dma_start3A_255, %dma_start3A_256] : memref<2x128x128xf32, #tpu.memory_space<vmem>> -> memref<1x128x128xf32, #tpu.memory_space<vmem>>
      %dma_start3A_258 = tpu.memref_squeeze %dma_start3A_257 : memref<1x128x128xf32, #tpu.memory_space<vmem>> -> memref<128x128xf32, #tpu.memory_space<vmem>>
      %dma_start3A_259 = arith.constant 0 : i32
      %dma_start3A_260 = tpu.memref_slice %arg7[%rem3A_48, %dma_start3A_253, %dma_start3A_259] : memref<2x16x128xi32, #tpu.memory_space<vmem>> -> memref<1x1x128xi32, #tpu.memory_space<vmem>>
      %dma_start3A_261 = tpu.memref_squeeze %dma_start3A_260 : memref<1x1x128xi32, #tpu.memory_space<vmem>> -> memref<128xi32, #tpu.memory_space<vmem>>
      %dma_start3A_262 = arith.constant 0 : i32
      %dma_start3A_263 = arith.constant 0 : i32
      %dma_start3A_264 = tpu.memref_slice %arg4[%dma_start3A_262, %dma_start3A_263] : memref<10000x128xf32, #tpu.memory_space<hbm>> -> memref<10000x128xf32, #tpu.memory_space<hbm>>
      tpu.enqueue_indirect_dma source(%dma_start3A_264 : memref<10000x128xf32, #tpu.memory_space<hbm>>) target(%dma_start3A_258 : memref<128x128xf32, #tpu.memory_space<vmem>>) offsets(%dma_start3A_261 : memref<128xi32, #tpu.memory_space<vmem>>) semaphore(%arg12 : memref<!tpu.dma_semaphore, #tpu.memory_space<semaphore_mem>>)
      %dma_wait3A_265 = arith.constant 8 : i32
      %dma_wait3A_266 = arith.constant 0 : i32
      %dma_wait3A_267 = arith.constant 0 : i32
      %dma_wait3A_268 = arith.constant 0 : i32
      %dma_wait3A_269 = tpu.memref_slice %arg9[%dma_wait3A_266, %dma_wait3A_267, %dma_wait3A_268] : memref<2x128x128xf32, #tpu.memory_space<vmem>> -> memref<1x128x128xf32, #tpu.memory_space<vmem>>
      %dma_wait3A_270 = tpu.memref_squeeze %dma_wait3A_269 : memref<1x128x128xf32, #tpu.memory_space<vmem>> -> memref<128x128xf32, #tpu.memory_space<vmem>>
      %dma_wait3A_271 = arith.constant 0 : i32
      %dma_wait3A_272 = tpu.memref_slice %arg7[%rem3A_48, %dma_wait3A_265, %dma_wait3A_271] : memref<2x16x128xi32, #tpu.memory_space<vmem>> -> memref<1x1x128xi32, #tpu.memory_space<vmem>>
      %dma_wait3A_273 = tpu.memref_squeeze %dma_wait3A_272 : memref<1x1x128xi32, #tpu.memory_space<vmem>> -> memref<128xi32, #tpu.memory_space<vmem>>
      %dma_wait3A_274 = arith.constant 0 : i32
      %dma_wait3A_275 = arith.constant 0 : i32
      %dma_wait3A_276 = tpu.memref_slice %arg4[%dma_wait3A_274, %dma_wait3A_275] : memref<10000x128xf32, #tpu.memory_space<hbm>> -> memref<10000x128xf32, #tpu.memory_space<hbm>>
      tpu.wait_indirect_dma semaphore(%arg11 : memref<!tpu.dma_semaphore, #tpu.memory_space<semaphore_mem>>) src(%dma_wait3A_276 : memref<10000x128xf32, #tpu.memory_space<hbm>>) dst(%dma_wait3A_270 : memref<128x128xf32, #tpu.memory_space<vmem>>)
      %run_scoped3A_277 = arith.constant 0 : i32
      %run_scoped3A_278 = arith.constant 8 : i32
      "tpu.region"() ({
        %run_scoped3A_458 = tpu.sem_alloc : memref<!tpu.dma_semaphore, #tpu.memory_space<semaphore_mem>>
        %dma_start3A_459 = arith.constant 0 : i32
        %dma_start3A_460 = arith.constant 0 : i32
        %dma_start3A_461 = tpu.memref_slice %arg9[%run_scoped3A_277, %dma_start3A_459, %dma_start3A_460] : memref<2x128x128xf32, #tpu.memory_space<vmem>> -> memref<1x128x128xf32, #tpu.memory_space<vmem>>
        %dma_start3A_462 = tpu.memref_squeeze %dma_start3A_461 : memref<1x128x128xf32, #tpu.memory_space<vmem>> -> memref<128x128xf32, #tpu.memory_space<vmem>>
        %dma_start3A_463 = arith.constant 0 : i32
        %dma_start3A_464 = tpu.memref_slice %arg8[%rem3A_48, %run_scoped3A_278, %dma_start3A_463] : memref<2x16x128xi32, #tpu.memory_space<vmem>> -> memref<1x1x128xi32, #tpu.memory_space<vmem>>
        %dma_start3A_465 = tpu.memref_squeeze %dma_start3A_464 : memref<1x1x128xi32, #tpu.memory_space<vmem>> -> memref<128xi32, #tpu.memory_space<vmem>>
        %dma_start3A_466 = arith.constant 0 : i32
        %dma_start3A_467 = arith.constant 0 : i32
        %dma_start3A_468 = tpu.memref_slice %arg10[%dma_start3A_466, %dma_start3A_467] : memref<10240x128xf32, #tpu.memory_space<vmem_shared>> -> memref<10240x128xf32, #tpu.memory_space<vmem_shared>>
        tpu.enqueue_indirect_dma source(%dma_start3A_462 : memref<128x128xf32, #tpu.memory_space<vmem>>) target(%dma_start3A_468 : memref<10240x128xf32, #tpu.memory_space<vmem_shared>>) offsets(%dma_start3A_465 : memref<128xi32, #tpu.memory_space<vmem>>) semaphore(%run_scoped3A_458 : memref<!tpu.dma_semaphore, #tpu.memory_space<semaphore_mem>>) {add = true}
        %dma_wait3A_469 = arith.constant 0 : i32
        %dma_wait3A_470 = arith.constant 0 : i32
        %dma_wait3A_471 = tpu.memref_slice %arg9[%run_scoped3A_277, %dma_wait3A_469, %dma_wait3A_470] : memref<2x128x128xf32, #tpu.memory_space<vmem>> -> memref<1x128x128xf32, #tpu.memory_space<vmem>>
        %dma_wait3A_472 = tpu.memref_squeeze %dma_wait3A_471 : memref<1x128x128xf32, #tpu.memory_space<vmem>> -> memref<128x128xf32, #tpu.memory_space<vmem>>
        %dma_wait3A_473 = arith.constant 0 : i32
        %dma_wait3A_474 = tpu.memref_slice %arg8[%rem3A_48, %run_scoped3A_278, %dma_wait3A_473] : memref<2x16x128xi32, #tpu.memory_space<vmem>> -> memref<1x1x128xi32, #tpu.memory_space<vmem>>
        %dma_wait3A_475 = tpu.memref_squeeze %dma_wait3A_474 : memref<1x1x128xi32, #tpu.memory_space<vmem>> -> memref<128xi32, #tpu.memory_space<vmem>>
        %dma_wait3A_476 = arith.constant 0 : i32
        %dma_wait3A_477 = arith.constant 0 : i32
        %dma_wait3A_478 = tpu.memref_slice %arg10[%dma_wait3A_476, %dma_wait3A_477] : memref<10240x128xf32, #tpu.memory_space<vmem_shared>> -> memref<10240x128xf32, #tpu.memory_space<vmem_shared>>
        tpu.wait_indirect_dma semaphore(%run_scoped3A_458 : memref<!tpu.dma_semaphore, #tpu.memory_space<semaphore_mem>>) src(%dma_wait3A_472 : memref<128x128xf32, #tpu.memory_space<vmem>>) dst(%dma_wait3A_478 : memref<10240x128xf32, #tpu.memory_space<vmem_shared>>)
        tpu.yield
      }) : () -> ()
      %dma_start3A_279 = arith.constant 10 : i32
      %dma_start3A_280 = arith.constant 0 : i32
      %dma_start3A_281 = arith.constant 0 : i32
      %dma_start3A_282 = arith.constant 0 : i32
      %dma_start3A_283 = tpu.memref_slice %arg9[%dma_start3A_280, %dma_start3A_281, %dma_start3A_282] : memref<2x128x128xf32, #tpu.memory_space<vmem>> -> memref<1x128x128xf32, #tpu.memory_space<vmem>>
      %dma_start3A_284 = tpu.memref_squeeze %dma_start3A_283 : memref<1x128x128xf32, #tpu.memory_space<vmem>> -> memref<128x128xf32, #tpu.memory_space<vmem>>
      %dma_start3A_285 = arith.constant 0 : i32
      %dma_start3A_286 = tpu.memref_slice %arg7[%rem3A_48, %dma_start3A_279, %dma_start3A_285] : memref<2x16x128xi32, #tpu.memory_space<vmem>> -> memref<1x1x128xi32, #tpu.memory_space<vmem>>
      %dma_start3A_287 = tpu.memref_squeeze %dma_start3A_286 : memref<1x1x128xi32, #tpu.memory_space<vmem>> -> memref<128xi32, #tpu.memory_space<vmem>>
      %dma_start3A_288 = arith.constant 0 : i32
      %dma_start3A_289 = arith.constant 0 : i32
      %dma_start3A_290 = tpu.memref_slice %arg4[%dma_start3A_288, %dma_start3A_289] : memref<10000x128xf32, #tpu.memory_space<hbm>> -> memref<10000x128xf32, #tpu.memory_space<hbm>>
      tpu.enqueue_indirect_dma source(%dma_start3A_290 : memref<10000x128xf32, #tpu.memory_space<hbm>>) target(%dma_start3A_284 : memref<128x128xf32, #tpu.memory_space<vmem>>) offsets(%dma_start3A_287 : memref<128xi32, #tpu.memory_space<vmem>>) semaphore(%arg11 : memref<!tpu.dma_semaphore, #tpu.memory_space<semaphore_mem>>)
      %dma_wait3A_291 = arith.constant 9 : i32
      %dma_wait3A_292 = arith.constant 1 : i32
      %dma_wait3A_293 = arith.constant 0 : i32
      %dma_wait3A_294 = arith.constant 0 : i32
      %dma_wait3A_295 = tpu.memref_slice %arg9[%dma_wait3A_292, %dma_wait3A_293, %dma_wait3A_294] : memref<2x128x128xf32, #tpu.memory_space<vmem>> -> memref<1x128x128xf32, #tpu.memory_space<vmem>>
      %dma_wait3A_296 = tpu.memref_squeeze %dma_wait3A_295 : memref<1x128x128xf32, #tpu.memory_space<vmem>> -> memref<128x128xf32, #tpu.memory_space<vmem>>
      %dma_wait3A_297 = arith.constant 0 : i32
      %dma_wait3A_298 = tpu.memref_slice %arg7[%rem3A_48, %dma_wait3A_291, %dma_wait3A_297] : memref<2x16x128xi32, #tpu.memory_space<vmem>> -> memref<1x1x128xi32, #tpu.memory_space<vmem>>
      %dma_wait3A_299 = tpu.memref_squeeze %dma_wait3A_298 : memref<1x1x128xi32, #tpu.memory_space<vmem>> -> memref<128xi32, #tpu.memory_space<vmem>>
      %dma_wait3A_300 = arith.constant 0 : i32
      %dma_wait3A_301 = arith.constant 0 : i32
      %dma_wait3A_302 = tpu.memref_slice %arg4[%dma_wait3A_300, %dma_wait3A_301] : memref<10000x128xf32, #tpu.memory_space<hbm>> -> memref<10000x128xf32, #tpu.memory_space<hbm>>
      tpu.wait_indirect_dma semaphore(%arg12 : memref<!tpu.dma_semaphore, #tpu.memory_space<semaphore_mem>>) src(%dma_wait3A_302 : memref<10000x128xf32, #tpu.memory_space<hbm>>) dst(%dma_wait3A_296 : memref<128x128xf32, #tpu.memory_space<vmem>>)
      %run_scoped3A_303 = arith.constant 1 : i32
      %run_scoped3A_304 = arith.constant 9 : i32
      "tpu.region"() ({
        %run_scoped3A_458 = tpu.sem_alloc : memref<!tpu.dma_semaphore, #tpu.memory_space<semaphore_mem>>
        %dma_start3A_459 = arith.constant 0 : i32
        %dma_start3A_460 = arith.constant 0 : i32
        %dma_start3A_461 = tpu.memref_slice %arg9[%run_scoped3A_303, %dma_start3A_459, %dma_start3A_460] : memref<2x128x128xf32, #tpu.memory_space<vmem>> -> memref<1x128x128xf32, #tpu.memory_space<vmem>>
        %dma_start3A_462 = tpu.memref_squeeze %dma_start3A_461 : memref<1x128x128xf32, #tpu.memory_space<vmem>> -> memref<128x128xf32, #tpu.memory_space<vmem>>
        %dma_start3A_463 = arith.constant 0 : i32
        %dma_start3A_464 = tpu.memref_slice %arg8[%rem3A_48, %run_scoped3A_304, %dma_start3A_463] : memref<2x16x128xi32, #tpu.memory_space<vmem>> -> memref<1x1x128xi32, #tpu.memory_space<vmem>>
        %dma_start3A_465 = tpu.memref_squeeze %dma_start3A_464 : memref<1x1x128xi32, #tpu.memory_space<vmem>> -> memref<128xi32, #tpu.memory_space<vmem>>
        %dma_start3A_466 = arith.constant 0 : i32
        %dma_start3A_467 = arith.constant 0 : i32
        %dma_start3A_468 = tpu.memref_slice %arg10[%dma_start3A_466, %dma_start3A_467] : memref<10240x128xf32, #tpu.memory_space<vmem_shared>> -> memref<10240x128xf32, #tpu.memory_space<vmem_shared>>
        tpu.enqueue_indirect_dma source(%dma_start3A_462 : memref<128x128xf32, #tpu.memory_space<vmem>>) target(%dma_start3A_468 : memref<10240x128xf32, #tpu.memory_space<vmem_shared>>) offsets(%dma_start3A_465 : memref<128xi32, #tpu.memory_space<vmem>>) semaphore(%run_scoped3A_458 : memref<!tpu.dma_semaphore, #tpu.memory_space<semaphore_mem>>) {add = true}
        %dma_wait3A_469 = arith.constant 0 : i32
        %dma_wait3A_470 = arith.constant 0 : i32
        %dma_wait3A_471 = tpu.memref_slice %arg9[%run_scoped3A_303, %dma_wait3A_469, %dma_wait3A_470] : memref<2x128x128xf32, #tpu.memory_space<vmem>> -> memref<1x128x128xf32, #tpu.memory_space<vmem>>
        %dma_wait3A_472 = tpu.memref_squeeze %dma_wait3A_471 : memref<1x128x128xf32, #tpu.memory_space<vmem>> -> memref<128x128xf32, #tpu.memory_space<vmem>>
        %dma_wait3A_473 = arith.constant 0 : i32
        %dma_wait3A_474 = tpu.memref_slice %arg8[%rem3A_48, %run_scoped3A_304, %dma_wait3A_473] : memref<2x16x128xi32, #tpu.memory_space<vmem>> -> memref<1x1x128xi32, #tpu.memory_space<vmem>>
        %dma_wait3A_475 = tpu.memref_squeeze %dma_wait3A_474 : memref<1x1x128xi32, #tpu.memory_space<vmem>> -> memref<128xi32, #tpu.memory_space<vmem>>
        %dma_wait3A_476 = arith.constant 0 : i32
        %dma_wait3A_477 = arith.constant 0 : i32
        %dma_wait3A_478 = tpu.memref_slice %arg10[%dma_wait3A_476, %dma_wait3A_477] : memref<10240x128xf32, #tpu.memory_space<vmem_shared>> -> memref<10240x128xf32, #tpu.memory_space<vmem_shared>>
        tpu.wait_indirect_dma semaphore(%run_scoped3A_458 : memref<!tpu.dma_semaphore, #tpu.memory_space<semaphore_mem>>) src(%dma_wait3A_472 : memref<128x128xf32, #tpu.memory_space<vmem>>) dst(%dma_wait3A_478 : memref<10240x128xf32, #tpu.memory_space<vmem_shared>>)
        tpu.yield
      }) : () -> ()
      %dma_start3A_305 = arith.constant 11 : i32
      %dma_start3A_306 = arith.constant 1 : i32
      %dma_start3A_307 = arith.constant 0 : i32
      %dma_start3A_308 = arith.constant 0 : i32
      %dma_start3A_309 = tpu.memref_slice %arg9[%dma_start3A_306, %dma_start3A_307, %dma_start3A_308] : memref<2x128x128xf32, #tpu.memory_space<vmem>> -> memref<1x128x128xf32, #tpu.memory_space<vmem>>
      %dma_start3A_310 = tpu.memref_squeeze %dma_start3A_309 : memref<1x128x128xf32, #tpu.memory_space<vmem>> -> memref<128x128xf32, #tpu.memory_space<vmem>>
      %dma_start3A_311 = arith.constant 0 : i32
      %dma_start3A_312 = tpu.memref_slice %arg7[%rem3A_48, %dma_start3A_305, %dma_start3A_311] : memref<2x16x128xi32, #tpu.memory_space<vmem>> -> memref<1x1x128xi32, #tpu.memory_space<vmem>>
      %dma_start3A_313 = tpu.memref_squeeze %dma_start3A_312 : memref<1x1x128xi32, #tpu.memory_space<vmem>> -> memref<128xi32, #tpu.memory_space<vmem>>
      %dma_start3A_314 = arith.constant 0 : i32
      %dma_start3A_315 = arith.constant 0 : i32
      %dma_start3A_316 = tpu.memref_slice %arg4[%dma_start3A_314, %dma_start3A_315] : memref<10000x128xf32, #tpu.memory_space<hbm>> -> memref<10000x128xf32, #tpu.memory_space<hbm>>
      tpu.enqueue_indirect_dma source(%dma_start3A_316 : memref<10000x128xf32, #tpu.memory_space<hbm>>) target(%dma_start3A_310 : memref<128x128xf32, #tpu.memory_space<vmem>>) offsets(%dma_start3A_313 : memref<128xi32, #tpu.memory_space<vmem>>) semaphore(%arg12 : memref<!tpu.dma_semaphore, #tpu.memory_space<semaphore_mem>>)
      %dma_wait3A_317 = arith.constant 10 : i32
      %dma_wait3A_318 = arith.constant 0 : i32
      %dma_wait3A_319 = arith.constant 0 : i32
      %dma_wait3A_320 = arith.constant 0 : i32
      %dma_wait3A_321 = tpu.memref_slice %arg9[%dma_wait3A_318, %dma_wait3A_319, %dma_wait3A_320] : memref<2x128x128xf32, #tpu.memory_space<vmem>> -> memref<1x128x128xf32, #tpu.memory_space<vmem>>
      %dma_wait3A_322 = tpu.memref_squeeze %dma_wait3A_321 : memref<1x128x128xf32, #tpu.memory_space<vmem>> -> memref<128x128xf32, #tpu.memory_space<vmem>>
      %dma_wait3A_323 = arith.constant 0 : i32
      %dma_wait3A_324 = tpu.memref_slice %arg7[%rem3A_48, %dma_wait3A_317, %dma_wait3A_323] : memref<2x16x128xi32, #tpu.memory_space<vmem>> -> memref<1x1x128xi32, #tpu.memory_space<vmem>>
      %dma_wait3A_325 = tpu.memref_squeeze %dma_wait3A_324 : memref<1x1x128xi32, #tpu.memory_space<vmem>> -> memref<128xi32, #tpu.memory_space<vmem>>
      %dma_wait3A_326 = arith.constant 0 : i32
      %dma_wait3A_327 = arith.constant 0 : i32
      %dma_wait3A_328 = tpu.memref_slice %arg4[%dma_wait3A_326, %dma_wait3A_327] : memref<10000x128xf32, #tpu.memory_space<hbm>> -> memref<10000x128xf32, #tpu.memory_space<hbm>>
      tpu.wait_indirect_dma semaphore(%arg11 : memref<!tpu.dma_semaphore, #tpu.memory_space<semaphore_mem>>) src(%dma_wait3A_328 : memref<10000x128xf32, #tpu.memory_space<hbm>>) dst(%dma_wait3A_322 : memref<128x128xf32, #tpu.memory_space<vmem>>)
      %run_scoped3A_329 = arith.constant 0 : i32
      %run_scoped3A_330 = arith.constant 10 : i32
      "tpu.region"() ({
        %run_scoped3A_458 = tpu.sem_alloc : memref<!tpu.dma_semaphore, #tpu.memory_space<semaphore_mem>>
        %dma_start3A_459 = arith.constant 0 : i32
        %dma_start3A_460 = arith.constant 0 : i32
        %dma_start3A_461 = tpu.memref_slice %arg9[%run_scoped3A_329, %dma_start3A_459, %dma_start3A_460] : memref<2x128x128xf32, #tpu.memory_space<vmem>> -> memref<1x128x128xf32, #tpu.memory_space<vmem>>
        %dma_start3A_462 = tpu.memref_squeeze %dma_start3A_461 : memref<1x128x128xf32, #tpu.memory_space<vmem>> -> memref<128x128xf32, #tpu.memory_space<vmem>>
        %dma_start3A_463 = arith.constant 0 : i32
        %dma_start3A_464 = tpu.memref_slice %arg8[%rem3A_48, %run_scoped3A_330, %dma_start3A_463] : memref<2x16x128xi32, #tpu.memory_space<vmem>> -> memref<1x1x128xi32, #tpu.memory_space<vmem>>
        %dma_start3A_465 = tpu.memref_squeeze %dma_start3A_464 : memref<1x1x128xi32, #tpu.memory_space<vmem>> -> memref<128xi32, #tpu.memory_space<vmem>>
        %dma_start3A_466 = arith.constant 0 : i32
        %dma_start3A_467 = arith.constant 0 : i32
        %dma_start3A_468 = tpu.memref_slice %arg10[%dma_start3A_466, %dma_start3A_467] : memref<10240x128xf32, #tpu.memory_space<vmem_shared>> -> memref<10240x128xf32, #tpu.memory_space<vmem_shared>>
        tpu.enqueue_indirect_dma source(%dma_start3A_462 : memref<128x128xf32, #tpu.memory_space<vmem>>) target(%dma_start3A_468 : memref<10240x128xf32, #tpu.memory_space<vmem_shared>>) offsets(%dma_start3A_465 : memref<128xi32, #tpu.memory_space<vmem>>) semaphore(%run_scoped3A_458 : memref<!tpu.dma_semaphore, #tpu.memory_space<semaphore_mem>>) {add = true}
        %dma_wait3A_469 = arith.constant 0 : i32
        %dma_wait3A_470 = arith.constant 0 : i32
        %dma_wait3A_471 = tpu.memref_slice %arg9[%run_scoped3A_329, %dma_wait3A_469, %dma_wait3A_470] : memref<2x128x128xf32, #tpu.memory_space<vmem>> -> memref<1x128x128xf32, #tpu.memory_space<vmem>>
        %dma_wait3A_472 = tpu.memref_squeeze %dma_wait3A_471 : memref<1x128x128xf32, #tpu.memory_space<vmem>> -> memref<128x128xf32, #tpu.memory_space<vmem>>
        %dma_wait3A_473 = arith.constant 0 : i32
        %dma_wait3A_474 = tpu.memref_slice %arg8[%rem3A_48, %run_scoped3A_330, %dma_wait3A_473] : memref<2x16x128xi32, #tpu.memory_space<vmem>> -> memref<1x1x128xi32, #tpu.memory_space<vmem>>
        %dma_wait3A_475 = tpu.memref_squeeze %dma_wait3A_474 : memref<1x1x128xi32, #tpu.memory_space<vmem>> -> memref<128xi32, #tpu.memory_space<vmem>>
        %dma_wait3A_476 = arith.constant 0 : i32
        %dma_wait3A_477 = arith.constant 0 : i32
        %dma_wait3A_478 = tpu.memref_slice %arg10[%dma_wait3A_476, %dma_wait3A_477] : memref<10240x128xf32, #tpu.memory_space<vmem_shared>> -> memref<10240x128xf32, #tpu.memory_space<vmem_shared>>
        tpu.wait_indirect_dma semaphore(%run_scoped3A_458 : memref<!tpu.dma_semaphore, #tpu.memory_space<semaphore_mem>>) src(%dma_wait3A_472 : memref<128x128xf32, #tpu.memory_space<vmem>>) dst(%dma_wait3A_478 : memref<10240x128xf32, #tpu.memory_space<vmem_shared>>)
        tpu.yield
      }) : () -> ()
      %dma_start3A_331 = arith.constant 12 : i32
      %dma_start3A_332 = arith.constant 0 : i32
      %dma_start3A_333 = arith.constant 0 : i32
      %dma_start3A_334 = arith.constant 0 : i32
      %dma_start3A_335 = tpu.memref_slice %arg9[%dma_start3A_332, %dma_start3A_333, %dma_start3A_334] : memref<2x128x128xf32, #tpu.memory_space<vmem>> -> memref<1x128x128xf32, #tpu.memory_space<vmem>>
      %dma_start3A_336 = tpu.memref_squeeze %dma_start3A_335 : memref<1x128x128xf32, #tpu.memory_space<vmem>> -> memref<128x128xf32, #tpu.memory_space<vmem>>
      %dma_start3A_337 = arith.constant 0 : i32
      %dma_start3A_338 = tpu.memref_slice %arg7[%rem3A_48, %dma_start3A_331, %dma_start3A_337] : memref<2x16x128xi32, #tpu.memory_space<vmem>> -> memref<1x1x128xi32, #tpu.memory_space<vmem>>
      %dma_start3A_339 = tpu.memref_squeeze %dma_start3A_338 : memref<1x1x128xi32, #tpu.memory_space<vmem>> -> memref<128xi32, #tpu.memory_space<vmem>>
      %dma_start3A_340 = arith.constant 0 : i32
      %dma_start3A_341 = arith.constant 0 : i32
      %dma_start3A_342 = tpu.memref_slice %arg4[%dma_start3A_340, %dma_start3A_341] : memref<10000x128xf32, #tpu.memory_space<hbm>> -> memref<10000x128xf32, #tpu.memory_space<hbm>>
      tpu.enqueue_indirect_dma source(%dma_start3A_342 : memref<10000x128xf32, #tpu.memory_space<hbm>>) target(%dma_start3A_336 : memref<128x128xf32, #tpu.memory_space<vmem>>) offsets(%dma_start3A_339 : memref<128xi32, #tpu.memory_space<vmem>>) semaphore(%arg11 : memref<!tpu.dma_semaphore, #tpu.memory_space<semaphore_mem>>)
      %dma_wait3A_343 = arith.constant 11 : i32
      %dma_wait3A_344 = arith.constant 1 : i32
      %dma_wait3A_345 = arith.constant 0 : i32
      %dma_wait3A_346 = arith.constant 0 : i32
      %dma_wait3A_347 = tpu.memref_slice %arg9[%dma_wait3A_344, %dma_wait3A_345, %dma_wait3A_346] : memref<2x128x128xf32, #tpu.memory_space<vmem>> -> memref<1x128x128xf32, #tpu.memory_space<vmem>>
      %dma_wait3A_348 = tpu.memref_squeeze %dma_wait3A_347 : memref<1x128x128xf32, #tpu.memory_space<vmem>> -> memref<128x128xf32, #tpu.memory_space<vmem>>
      %dma_wait3A_349 = arith.constant 0 : i32
      %dma_wait3A_350 = tpu.memref_slice %arg7[%rem3A_48, %dma_wait3A_343, %dma_wait3A_349] : memref<2x16x128xi32, #tpu.memory_space<vmem>> -> memref<1x1x128xi32, #tpu.memory_space<vmem>>
      %dma_wait3A_351 = tpu.memref_squeeze %dma_wait3A_350 : memref<1x1x128xi32, #tpu.memory_space<vmem>> -> memref<128xi32, #tpu.memory_space<vmem>>
      %dma_wait3A_352 = arith.constant 0 : i32
      %dma_wait3A_353 = arith.constant 0 : i32
      %dma_wait3A_354 = tpu.memref_slice %arg4[%dma_wait3A_352, %dma_wait3A_353] : memref<10000x128xf32, #tpu.memory_space<hbm>> -> memref<10000x128xf32, #tpu.memory_space<hbm>>
      tpu.wait_indirect_dma semaphore(%arg12 : memref<!tpu.dma_semaphore, #tpu.memory_space<semaphore_mem>>) src(%dma_wait3A_354 : memref<10000x128xf32, #tpu.memory_space<hbm>>) dst(%dma_wait3A_348 : memref<128x128xf32, #tpu.memory_space<vmem>>)
      %run_scoped3A_355 = arith.constant 1 : i32
      %run_scoped3A_356 = arith.constant 11 : i32
      "tpu.region"() ({
        %run_scoped3A_458 = tpu.sem_alloc : memref<!tpu.dma_semaphore, #tpu.memory_space<semaphore_mem>>
        %dma_start3A_459 = arith.constant 0 : i32
        %dma_start3A_460 = arith.constant 0 : i32
        %dma_start3A_461 = tpu.memref_slice %arg9[%run_scoped3A_355, %dma_start3A_459, %dma_start3A_460] : memref<2x128x128xf32, #tpu.memory_space<vmem>> -> memref<1x128x128xf32, #tpu.memory_space<vmem>>
        %dma_start3A_462 = tpu.memref_squeeze %dma_start3A_461 : memref<1x128x128xf32, #tpu.memory_space<vmem>> -> memref<128x128xf32, #tpu.memory_space<vmem>>
        %dma_start3A_463 = arith.constant 0 : i32
        %dma_start3A_464 = tpu.memref_slice %arg8[%rem3A_48, %run_scoped3A_356, %dma_start3A_463] : memref<2x16x128xi32, #tpu.memory_space<vmem>> -> memref<1x1x128xi32, #tpu.memory_space<vmem>>
        %dma_start3A_465 = tpu.memref_squeeze %dma_start3A_464 : memref<1x1x128xi32, #tpu.memory_space<vmem>> -> memref<128xi32, #tpu.memory_space<vmem>>
        %dma_start3A_466 = arith.constant 0 : i32
        %dma_start3A_467 = arith.constant 0 : i32
        %dma_start3A_468 = tpu.memref_slice %arg10[%dma_start3A_466, %dma_start3A_467] : memref<10240x128xf32, #tpu.memory_space<vmem_shared>> -> memref<10240x128xf32, #tpu.memory_space<vmem_shared>>
        tpu.enqueue_indirect_dma source(%dma_start3A_462 : memref<128x128xf32, #tpu.memory_space<vmem>>) target(%dma_start3A_468 : memref<10240x128xf32, #tpu.memory_space<vmem_shared>>) offsets(%dma_start3A_465 : memref<128xi32, #tpu.memory_space<vmem>>) semaphore(%run_scoped3A_458 : memref<!tpu.dma_semaphore, #tpu.memory_space<semaphore_mem>>) {add = true}
        %dma_wait3A_469 = arith.constant 0 : i32
        %dma_wait3A_470 = arith.constant 0 : i32
        %dma_wait3A_471 = tpu.memref_slice %arg9[%run_scoped3A_355, %dma_wait3A_469, %dma_wait3A_470] : memref<2x128x128xf32, #tpu.memory_space<vmem>> -> memref<1x128x128xf32, #tpu.memory_space<vmem>>
        %dma_wait3A_472 = tpu.memref_squeeze %dma_wait3A_471 : memref<1x128x128xf32, #tpu.memory_space<vmem>> -> memref<128x128xf32, #tpu.memory_space<vmem>>
        %dma_wait3A_473 = arith.constant 0 : i32
        %dma_wait3A_474 = tpu.memref_slice %arg8[%rem3A_48, %run_scoped3A_356, %dma_wait3A_473] : memref<2x16x128xi32, #tpu.memory_space<vmem>> -> memref<1x1x128xi32, #tpu.memory_space<vmem>>
        %dma_wait3A_475 = tpu.memref_squeeze %dma_wait3A_474 : memref<1x1x128xi32, #tpu.memory_space<vmem>> -> memref<128xi32, #tpu.memory_space<vmem>>
        %dma_wait3A_476 = arith.constant 0 : i32
        %dma_wait3A_477 = arith.constant 0 : i32
        %dma_wait3A_478 = tpu.memref_slice %arg10[%dma_wait3A_476, %dma_wait3A_477] : memref<10240x128xf32, #tpu.memory_space<vmem_shared>> -> memref<10240x128xf32, #tpu.memory_space<vmem_shared>>
        tpu.wait_indirect_dma semaphore(%run_scoped3A_458 : memref<!tpu.dma_semaphore, #tpu.memory_space<semaphore_mem>>) src(%dma_wait3A_472 : memref<128x128xf32, #tpu.memory_space<vmem>>) dst(%dma_wait3A_478 : memref<10240x128xf32, #tpu.memory_space<vmem_shared>>)
        tpu.yield
      }) : () -> ()
      %dma_start3A_357 = arith.constant 13 : i32
      %dma_start3A_358 = arith.constant 1 : i32
      %dma_start3A_359 = arith.constant 0 : i32
      %dma_start3A_360 = arith.constant 0 : i32
      %dma_start3A_361 = tpu.memref_slice %arg9[%dma_start3A_358, %dma_start3A_359, %dma_start3A_360] : memref<2x128x128xf32, #tpu.memory_space<vmem>> -> memref<1x128x128xf32, #tpu.memory_space<vmem>>
      %dma_start3A_362 = tpu.memref_squeeze %dma_start3A_361 : memref<1x128x128xf32, #tpu.memory_space<vmem>> -> memref<128x128xf32, #tpu.memory_space<vmem>>
      %dma_start3A_363 = arith.constant 0 : i32
      %dma_start3A_364 = tpu.memref_slice %arg7[%rem3A_48, %dma_start3A_357, %dma_start3A_363] : memref<2x16x128xi32, #tpu.memory_space<vmem>> -> memref<1x1x128xi32, #tpu.memory_space<vmem>>
      %dma_start3A_365 = tpu.memref_squeeze %dma_start3A_364 : memref<1x1x128xi32, #tpu.memory_space<vmem>> -> memref<128xi32, #tpu.memory_space<vmem>>
      %dma_start3A_366 = arith.constant 0 : i32
      %dma_start3A_367 = arith.constant 0 : i32
      %dma_start3A_368 = tpu.memref_slice %arg4[%dma_start3A_366, %dma_start3A_367] : memref<10000x128xf32, #tpu.memory_space<hbm>> -> memref<10000x128xf32, #tpu.memory_space<hbm>>
      tpu.enqueue_indirect_dma source(%dma_start3A_368 : memref<10000x128xf32, #tpu.memory_space<hbm>>) target(%dma_start3A_362 : memref<128x128xf32, #tpu.memory_space<vmem>>) offsets(%dma_start3A_365 : memref<128xi32, #tpu.memory_space<vmem>>) semaphore(%arg12 : memref<!tpu.dma_semaphore, #tpu.memory_space<semaphore_mem>>)
      %dma_wait3A_369 = arith.constant 12 : i32
      %dma_wait3A_370 = arith.constant 0 : i32
      %dma_wait3A_371 = arith.constant 0 : i32
      %dma_wait3A_372 = arith.constant 0 : i32
      %dma_wait3A_373 = tpu.memref_slice %arg9[%dma_wait3A_370, %dma_wait3A_371, %dma_wait3A_372] : memref<2x128x128xf32, #tpu.memory_space<vmem>> -> memref<1x128x128xf32, #tpu.memory_space<vmem>>
      %dma_wait3A_374 = tpu.memref_squeeze %dma_wait3A_373 : memref<1x128x128xf32, #tpu.memory_space<vmem>> -> memref<128x128xf32, #tpu.memory_space<vmem>>
      %dma_wait3A_375 = arith.constant 0 : i32
      %dma_wait3A_376 = tpu.memref_slice %arg7[%rem3A_48, %dma_wait3A_369, %dma_wait3A_375] : memref<2x16x128xi32, #tpu.memory_space<vmem>> -> memref<1x1x128xi32, #tpu.memory_space<vmem>>
      %dma_wait3A_377 = tpu.memref_squeeze %dma_wait3A_376 : memref<1x1x128xi32, #tpu.memory_space<vmem>> -> memref<128xi32, #tpu.memory_space<vmem>>
      %dma_wait3A_378 = arith.constant 0 : i32
      %dma_wait3A_379 = arith.constant 0 : i32
      %dma_wait3A_380 = tpu.memref_slice %arg4[%dma_wait3A_378, %dma_wait3A_379] : memref<10000x128xf32, #tpu.memory_space<hbm>> -> memref<10000x128xf32, #tpu.memory_space<hbm>>
      tpu.wait_indirect_dma semaphore(%arg11 : memref<!tpu.dma_semaphore, #tpu.memory_space<semaphore_mem>>) src(%dma_wait3A_380 : memref<10000x128xf32, #tpu.memory_space<hbm>>) dst(%dma_wait3A_374 : memref<128x128xf32, #tpu.memory_space<vmem>>)
      %run_scoped3A_381 = arith.constant 0 : i32
      %run_scoped3A_382 = arith.constant 12 : i32
      "tpu.region"() ({
        %run_scoped3A_458 = tpu.sem_alloc : memref<!tpu.dma_semaphore, #tpu.memory_space<semaphore_mem>>
        %dma_start3A_459 = arith.constant 0 : i32
        %dma_start3A_460 = arith.constant 0 : i32
        %dma_start3A_461 = tpu.memref_slice %arg9[%run_scoped3A_381, %dma_start3A_459, %dma_start3A_460] : memref<2x128x128xf32, #tpu.memory_space<vmem>> -> memref<1x128x128xf32, #tpu.memory_space<vmem>>
        %dma_start3A_462 = tpu.memref_squeeze %dma_start3A_461 : memref<1x128x128xf32, #tpu.memory_space<vmem>> -> memref<128x128xf32, #tpu.memory_space<vmem>>
        %dma_start3A_463 = arith.constant 0 : i32
        %dma_start3A_464 = tpu.memref_slice %arg8[%rem3A_48, %run_scoped3A_382, %dma_start3A_463] : memref<2x16x128xi32, #tpu.memory_space<vmem>> -> memref<1x1x128xi32, #tpu.memory_space<vmem>>
        %dma_start3A_465 = tpu.memref_squeeze %dma_start3A_464 : memref<1x1x128xi32, #tpu.memory_space<vmem>> -> memref<128xi32, #tpu.memory_space<vmem>>
        %dma_start3A_466 = arith.constant 0 : i32
        %dma_start3A_467 = arith.constant 0 : i32
        %dma_start3A_468 = tpu.memref_slice %arg10[%dma_start3A_466, %dma_start3A_467] : memref<10240x128xf32, #tpu.memory_space<vmem_shared>> -> memref<10240x128xf32, #tpu.memory_space<vmem_shared>>
        tpu.enqueue_indirect_dma source(%dma_start3A_462 : memref<128x128xf32, #tpu.memory_space<vmem>>) target(%dma_start3A_468 : memref<10240x128xf32, #tpu.memory_space<vmem_shared>>) offsets(%dma_start3A_465 : memref<128xi32, #tpu.memory_space<vmem>>) semaphore(%run_scoped3A_458 : memref<!tpu.dma_semaphore, #tpu.memory_space<semaphore_mem>>) {add = true}
        %dma_wait3A_469 = arith.constant 0 : i32
        %dma_wait3A_470 = arith.constant 0 : i32
        %dma_wait3A_471 = tpu.memref_slice %arg9[%run_scoped3A_381, %dma_wait3A_469, %dma_wait3A_470] : memref<2x128x128xf32, #tpu.memory_space<vmem>> -> memref<1x128x128xf32, #tpu.memory_space<vmem>>
        %dma_wait3A_472 = tpu.memref_squeeze %dma_wait3A_471 : memref<1x128x128xf32, #tpu.memory_space<vmem>> -> memref<128x128xf32, #tpu.memory_space<vmem>>
        %dma_wait3A_473 = arith.constant 0 : i32
        %dma_wait3A_474 = tpu.memref_slice %arg8[%rem3A_48, %run_scoped3A_382, %dma_wait3A_473] : memref<2x16x128xi32, #tpu.memory_space<vmem>> -> memref<1x1x128xi32, #tpu.memory_space<vmem>>
        %dma_wait3A_475 = tpu.memref_squeeze %dma_wait3A_474 : memref<1x1x128xi32, #tpu.memory_space<vmem>> -> memref<128xi32, #tpu.memory_space<vmem>>
        %dma_wait3A_476 = arith.constant 0 : i32
        %dma_wait3A_477 = arith.constant 0 : i32
        %dma_wait3A_478 = tpu.memref_slice %arg10[%dma_wait3A_476, %dma_wait3A_477] : memref<10240x128xf32, #tpu.memory_space<vmem_shared>> -> memref<10240x128xf32, #tpu.memory_space<vmem_shared>>
        tpu.wait_indirect_dma semaphore(%run_scoped3A_458 : memref<!tpu.dma_semaphore, #tpu.memory_space<semaphore_mem>>) src(%dma_wait3A_472 : memref<128x128xf32, #tpu.memory_space<vmem>>) dst(%dma_wait3A_478 : memref<10240x128xf32, #tpu.memory_space<vmem_shared>>)
        tpu.yield
      }) : () -> ()
      %dma_start3A_383 = arith.constant 14 : i32
      %dma_start3A_384 = arith.constant 0 : i32
      %dma_start3A_385 = arith.constant 0 : i32
      %dma_start3A_386 = arith.constant 0 : i32
      %dma_start3A_387 = tpu.memref_slice %arg9[%dma_start3A_384, %dma_start3A_385, %dma_start3A_386] : memref<2x128x128xf32, #tpu.memory_space<vmem>> -> memref<1x128x128xf32, #tpu.memory_space<vmem>>
      %dma_start3A_388 = tpu.memref_squeeze %dma_start3A_387 : memref<1x128x128xf32, #tpu.memory_space<vmem>> -> memref<128x128xf32, #tpu.memory_space<vmem>>
      %dma_start3A_389 = arith.constant 0 : i32
      %dma_start3A_390 = tpu.memref_slice %arg7[%rem3A_48, %dma_start3A_383, %dma_start3A_389] : memref<2x16x128xi32, #tpu.memory_space<vmem>> -> memref<1x1x128xi32, #tpu.memory_space<vmem>>
      %dma_start3A_391 = tpu.memref_squeeze %dma_start3A_390 : memref<1x1x128xi32, #tpu.memory_space<vmem>> -> memref<128xi32, #tpu.memory_space<vmem>>
      %dma_start3A_392 = arith.constant 0 : i32
      %dma_start3A_393 = arith.constant 0 : i32
      %dma_start3A_394 = tpu.memref_slice %arg4[%dma_start3A_392, %dma_start3A_393] : memref<10000x128xf32, #tpu.memory_space<hbm>> -> memref<10000x128xf32, #tpu.memory_space<hbm>>
      tpu.enqueue_indirect_dma source(%dma_start3A_394 : memref<10000x128xf32, #tpu.memory_space<hbm>>) target(%dma_start3A_388 : memref<128x128xf32, #tpu.memory_space<vmem>>) offsets(%dma_start3A_391 : memref<128xi32, #tpu.memory_space<vmem>>) semaphore(%arg11 : memref<!tpu.dma_semaphore, #tpu.memory_space<semaphore_mem>>)
      %dma_wait3A_395 = arith.constant 13 : i32
      %dma_wait3A_396 = arith.constant 1 : i32
      %dma_wait3A_397 = arith.constant 0 : i32
      %dma_wait3A_398 = arith.constant 0 : i32
      %dma_wait3A_399 = tpu.memref_slice %arg9[%dma_wait3A_396, %dma_wait3A_397, %dma_wait3A_398] : memref<2x128x128xf32, #tpu.memory_space<vmem>> -> memref<1x128x128xf32, #tpu.memory_space<vmem>>
      %dma_wait3A_400 = tpu.memref_squeeze %dma_wait3A_399 : memref<1x128x128xf32, #tpu.memory_space<vmem>> -> memref<128x128xf32, #tpu.memory_space<vmem>>
      %dma_wait3A_401 = arith.constant 0 : i32
      %dma_wait3A_402 = tpu.memref_slice %arg7[%rem3A_48, %dma_wait3A_395, %dma_wait3A_401] : memref<2x16x128xi32, #tpu.memory_space<vmem>> -> memref<1x1x128xi32, #tpu.memory_space<vmem>>
      %dma_wait3A_403 = tpu.memref_squeeze %dma_wait3A_402 : memref<1x1x128xi32, #tpu.memory_space<vmem>> -> memref<128xi32, #tpu.memory_space<vmem>>
      %dma_wait3A_404 = arith.constant 0 : i32
      %dma_wait3A_405 = arith.constant 0 : i32
      %dma_wait3A_406 = tpu.memref_slice %arg4[%dma_wait3A_404, %dma_wait3A_405] : memref<10000x128xf32, #tpu.memory_space<hbm>> -> memref<10000x128xf32, #tpu.memory_space<hbm>>
      tpu.wait_indirect_dma semaphore(%arg12 : memref<!tpu.dma_semaphore, #tpu.memory_space<semaphore_mem>>) src(%dma_wait3A_406 : memref<10000x128xf32, #tpu.memory_space<hbm>>) dst(%dma_wait3A_400 : memref<128x128xf32, #tpu.memory_space<vmem>>)
      %run_scoped3A_407 = arith.constant 1 : i32
      %run_scoped3A_408 = arith.constant 13 : i32
      "tpu.region"() ({
        %run_scoped3A_458 = tpu.sem_alloc : memref<!tpu.dma_semaphore, #tpu.memory_space<semaphore_mem>>
        %dma_start3A_459 = arith.constant 0 : i32
        %dma_start3A_460 = arith.constant 0 : i32
        %dma_start3A_461 = tpu.memref_slice %arg9[%run_scoped3A_407, %dma_start3A_459, %dma_start3A_460] : memref<2x128x128xf32, #tpu.memory_space<vmem>> -> memref<1x128x128xf32, #tpu.memory_space<vmem>>
        %dma_start3A_462 = tpu.memref_squeeze %dma_start3A_461 : memref<1x128x128xf32, #tpu.memory_space<vmem>> -> memref<128x128xf32, #tpu.memory_space<vmem>>
        %dma_start3A_463 = arith.constant 0 : i32
        %dma_start3A_464 = tpu.memref_slice %arg8[%rem3A_48, %run_scoped3A_408, %dma_start3A_463] : memref<2x16x128xi32, #tpu.memory_space<vmem>> -> memref<1x1x128xi32, #tpu.memory_space<vmem>>
        %dma_start3A_465 = tpu.memref_squeeze %dma_start3A_464 : memref<1x1x128xi32, #tpu.memory_space<vmem>> -> memref<128xi32, #tpu.memory_space<vmem>>
        %dma_start3A_466 = arith.constant 0 : i32
        %dma_start3A_467 = arith.constant 0 : i32
        %dma_start3A_468 = tpu.memref_slice %arg10[%dma_start3A_466, %dma_start3A_467] : memref<10240x128xf32, #tpu.memory_space<vmem_shared>> -> memref<10240x128xf32, #tpu.memory_space<vmem_shared>>
        tpu.enqueue_indirect_dma source(%dma_start3A_462 : memref<128x128xf32, #tpu.memory_space<vmem>>) target(%dma_start3A_468 : memref<10240x128xf32, #tpu.memory_space<vmem_shared>>) offsets(%dma_start3A_465 : memref<128xi32, #tpu.memory_space<vmem>>) semaphore(%run_scoped3A_458 : memref<!tpu.dma_semaphore, #tpu.memory_space<semaphore_mem>>) {add = true}
        %dma_wait3A_469 = arith.constant 0 : i32
        %dma_wait3A_470 = arith.constant 0 : i32
        %dma_wait3A_471 = tpu.memref_slice %arg9[%run_scoped3A_407, %dma_wait3A_469, %dma_wait3A_470] : memref<2x128x128xf32, #tpu.memory_space<vmem>> -> memref<1x128x128xf32, #tpu.memory_space<vmem>>
        %dma_wait3A_472 = tpu.memref_squeeze %dma_wait3A_471 : memref<1x128x128xf32, #tpu.memory_space<vmem>> -> memref<128x128xf32, #tpu.memory_space<vmem>>
        %dma_wait3A_473 = arith.constant 0 : i32
        %dma_wait3A_474 = tpu.memref_slice %arg8[%rem3A_48, %run_scoped3A_408, %dma_wait3A_473] : memref<2x16x128xi32, #tpu.memory_space<vmem>> -> memref<1x1x128xi32, #tpu.memory_space<vmem>>
        %dma_wait3A_475 = tpu.memref_squeeze %dma_wait3A_474 : memref<1x1x128xi32, #tpu.memory_space<vmem>> -> memref<128xi32, #tpu.memory_space<vmem>>
        %dma_wait3A_476 = arith.constant 0 : i32
        %dma_wait3A_477 = arith.constant 0 : i32
        %dma_wait3A_478 = tpu.memref_slice %arg10[%dma_wait3A_476, %dma_wait3A_477] : memref<10240x128xf32, #tpu.memory_space<vmem_shared>> -> memref<10240x128xf32, #tpu.memory_space<vmem_shared>>
        tpu.wait_indirect_dma semaphore(%run_scoped3A_458 : memref<!tpu.dma_semaphore, #tpu.memory_space<semaphore_mem>>) src(%dma_wait3A_472 : memref<128x128xf32, #tpu.memory_space<vmem>>) dst(%dma_wait3A_478 : memref<10240x128xf32, #tpu.memory_space<vmem_shared>>)
        tpu.yield
      }) : () -> ()
      %dma_start3A_409 = arith.constant 15 : i32
      %dma_start3A_410 = arith.constant 1 : i32
      %dma_start3A_411 = arith.constant 0 : i32
      %dma_start3A_412 = arith.constant 0 : i32
      %dma_start3A_413 = tpu.memref_slice %arg9[%dma_start3A_410, %dma_start3A_411, %dma_start3A_412] : memref<2x128x128xf32, #tpu.memory_space<vmem>> -> memref<1x128x128xf32, #tpu.memory_space<vmem>>
      %dma_start3A_414 = tpu.memref_squeeze %dma_start3A_413 : memref<1x128x128xf32, #tpu.memory_space<vmem>> -> memref<128x128xf32, #tpu.memory_space<vmem>>
      %dma_start3A_415 = arith.constant 0 : i32
      %dma_start3A_416 = tpu.memref_slice %arg7[%rem3A_48, %dma_start3A_409, %dma_start3A_415] : memref<2x16x128xi32, #tpu.memory_space<vmem>> -> memref<1x1x128xi32, #tpu.memory_space<vmem>>
      %dma_start3A_417 = tpu.memref_squeeze %dma_start3A_416 : memref<1x1x128xi32, #tpu.memory_space<vmem>> -> memref<128xi32, #tpu.memory_space<vmem>>
      %dma_start3A_418 = arith.constant 0 : i32
      %dma_start3A_419 = arith.constant 0 : i32
      %dma_start3A_420 = tpu.memref_slice %arg4[%dma_start3A_418, %dma_start3A_419] : memref<10000x128xf32, #tpu.memory_space<hbm>> -> memref<10000x128xf32, #tpu.memory_space<hbm>>
      tpu.enqueue_indirect_dma source(%dma_start3A_420 : memref<10000x128xf32, #tpu.memory_space<hbm>>) target(%dma_start3A_414 : memref<128x128xf32, #tpu.memory_space<vmem>>) offsets(%dma_start3A_417 : memref<128xi32, #tpu.memory_space<vmem>>) semaphore(%arg12 : memref<!tpu.dma_semaphore, #tpu.memory_space<semaphore_mem>>)
      %convert_element_type3A_421 = arith.extui %lt3A_54 : i1 to i32
      %cond3A_422 = arith.constant 0 : i32
      %cond3A_423 = arith.cmpi ne, %convert_element_type3A_421, %cond3A_422 : i32
      scf.if %cond3A_423 {
        %add3A_458 = arith.addi %mul3A_2, %while3A_47 : i32
        %add3A_459 = arith.constant 1 : i32
        %add3A_460 = arith.addi %add3A_458, %add3A_459 : i32
        %dma_wait3A_461 = arith.constant 0 : i32
        %dma_wait3A_462 = arith.constant 0 : i32
        %dma_wait3A_463 = tpu.memref_slice %arg7[%rem3A_51, %dma_wait3A_461, %dma_wait3A_462] : memref<2x16x128xi32, #tpu.memory_space<vmem>> -> memref<1x16x128xi32, #tpu.memory_space<vmem>>
        %dma_wait3A_464 = tpu.memref_squeeze %dma_wait3A_463 : memref<1x16x128xi32, #tpu.memory_space<vmem>> -> memref<16x128xi32, #tpu.memory_space<vmem>>
        %dma_wait3A_465 = arith.constant 0 : i32
        %dma_wait3A_466 = arith.constant 0 : i32
        %dma_wait3A_467 = tpu.memref_slice %arg2[%arg1, %add3A_460, %dma_wait3A_465, %dma_wait3A_466] : memref<16x10x16x128xi32, #tpu.memory_space<hbm>> -> memref<1x1x16x128xi32, #tpu.memory_space<hbm>>
        %dma_wait3A_468 = tpu.memref_squeeze %dma_wait3A_467 : memref<1x1x16x128xi32, #tpu.memory_space<hbm>> -> memref<16x128xi32, #tpu.memory_space<hbm>>
        %dma_wait3A_469 = arith.constant 0 : i32
        %dma_wait3A_470 = arith.constant 0 : i32
        %dma_wait3A_471 = tpu.memref_slice %arg7[%rem3A_51, %dma_wait3A_469, %dma_wait3A_470] : memref<2x16x128xi32, #tpu.memory_space<vmem>> -> memref<1x16x128xi32, #tpu.memory_space<vmem>>
        %dma_wait3A_472 = tpu.memref_squeeze %dma_wait3A_471 : memref<1x16x128xi32, #tpu.memory_space<vmem>> -> memref<16x128xi32, #tpu.memory_space<vmem>>
        %dma_wait3A_473 = arith.constant 0 : i32
        %dma_wait3A_474 = arith.constant 0 : i32
        %dma_wait3A_475 = tpu.memref_slice %arg2[%arg1, %add3A_460, %dma_wait3A_473, %dma_wait3A_474] : memref<16x10x16x128xi32, #tpu.memory_space<hbm>> -> memref<1x1x16x128xi32, #tpu.memory_space<hbm>>
        %dma_wait3A_476 = tpu.memref_squeeze %dma_wait3A_475 : memref<1x1x16x128xi32, #tpu.memory_space<hbm>> -> memref<16x128xi32, #tpu.memory_space<hbm>>
        tpu.wait_dma2 semaphore(%arg13 : memref<!tpu.dma_semaphore, #tpu.memory_space<semaphore_mem>>) src(%dma_wait3A_476 : memref<16x128xi32, #tpu.memory_space<hbm>>) dst(%dma_wait3A_472 : memref<16x128xi32, #tpu.memory_space<vmem>>)
        %add3A_477 = arith.addi %mul3A_2, %while3A_47 : i32
        %add3A_478 = arith.constant 1 : i32
        %add3A_479 = arith.addi %add3A_477, %add3A_478 : i32
        %dma_wait3A_480 = arith.constant 0 : i32
        %dma_wait3A_481 = arith.constant 0 : i32
        %dma_wait3A_482 = tpu.memref_slice %arg8[%rem3A_51, %dma_wait3A_480, %dma_wait3A_481] : memref<2x16x128xi32, #tpu.memory_space<vmem>> -> memref<1x16x128xi32, #tpu.memory_space<vmem>>
        %dma_wait3A_483 = tpu.memref_squeeze %dma_wait3A_482 : memref<1x16x128xi32, #tpu.memory_space<vmem>> -> memref<16x128xi32, #tpu.memory_space<vmem>>
        %dma_wait3A_484 = arith.constant 0 : i32
        %dma_wait3A_485 = arith.constant 0 : i32
        %dma_wait3A_486 = tpu.memref_slice %arg3[%arg1, %add3A_479, %dma_wait3A_484, %dma_wait3A_485] : memref<16x10x16x128xi32, #tpu.memory_space<hbm>> -> memref<1x1x16x128xi32, #tpu.memory_space<hbm>>
        %dma_wait3A_487 = tpu.memref_squeeze %dma_wait3A_486 : memref<1x1x16x128xi32, #tpu.memory_space<hbm>> -> memref<16x128xi32, #tpu.memory_space<hbm>>
        %dma_wait3A_488 = arith.constant 0 : i32
        %dma_wait3A_489 = arith.constant 0 : i32
        %dma_wait3A_490 = tpu.memref_slice %arg8[%rem3A_51, %dma_wait3A_488, %dma_wait3A_489] : memref<2x16x128xi32, #tpu.memory_space<vmem>> -> memref<1x16x128xi32, #tpu.memory_space<vmem>>
        %dma_wait3A_491 = tpu.memref_squeeze %dma_wait3A_490 : memref<1x16x128xi32, #tpu.memory_space<vmem>> -> memref<16x128xi32, #tpu.memory_space<vmem>>
        %dma_wait3A_492 = arith.constant 0 : i32
        %dma_wait3A_493 = arith.constant 0 : i32
        %dma_wait3A_494 = tpu.memref_slice %arg3[%arg1, %add3A_479, %dma_wait3A_492, %dma_wait3A_493] : memref<16x10x16x128xi32, #tpu.memory_space<hbm>> -> memref<1x1x16x128xi32, #tpu.memory_space<hbm>>
        %dma_wait3A_495 = tpu.memref_squeeze %dma_wait3A_494 : memref<1x1x16x128xi32, #tpu.memory_space<hbm>> -> memref<16x128xi32, #tpu.memory_space<hbm>>
        tpu.wait_dma2 semaphore(%arg13 : memref<!tpu.dma_semaphore, #tpu.memory_space<semaphore_mem>>) src(%dma_wait3A_495 : memref<16x128xi32, #tpu.memory_space<hbm>>) dst(%dma_wait3A_491 : memref<16x128xi32, #tpu.memory_space<vmem>>)
      } else {
      }
      %dma_wait3A_424 = arith.constant 14 : i32
      %dma_wait3A_425 = arith.constant 0 : i32
      %dma_wait3A_426 = arith.constant 0 : i32
      %dma_wait3A_427 = arith.constant 0 : i32
      %dma_wait3A_428 = tpu.memref_slice %arg9[%dma_wait3A_425, %dma_wait3A_426, %dma_wait3A_427] : memref<2x128x128xf32, #tpu.memory_space<vmem>> -> memref<1x128x128xf32, #tpu.memory_space<vmem>>
      %dma_wait3A_429 = tpu.memref_squeeze %dma_wait3A_428 : memref<1x128x128xf32, #tpu.memory_space<vmem>> -> memref<128x128xf32, #tpu.memory_space<vmem>>
      %dma_wait3A_430 = arith.constant 0 : i32
      %dma_wait3A_431 = tpu.memref_slice %arg7[%rem3A_48, %dma_wait3A_424, %dma_wait3A_430] : memref<2x16x128xi32, #tpu.memory_space<vmem>> -> memref<1x1x128xi32, #tpu.memory_space<vmem>>
      %dma_wait3A_432 = tpu.memref_squeeze %dma_wait3A_431 : memref<1x1x128xi32, #tpu.memory_space<vmem>> -> memref<128xi32, #tpu.memory_space<vmem>>
      %dma_wait3A_433 = arith.constant 0 : i32
      %dma_wait3A_434 = arith.constant 0 : i32
      %dma_wait3A_435 = tpu.memref_slice %arg4[%dma_wait3A_433, %dma_wait3A_434] : memref<10000x128xf32, #tpu.memory_space<hbm>> -> memref<10000x128xf32, #tpu.memory_space<hbm>>
      tpu.wait_indirect_dma semaphore(%arg11 : memref<!tpu.dma_semaphore, #tpu.memory_space<semaphore_mem>>) src(%dma_wait3A_435 : memref<10000x128xf32, #tpu.memory_space<hbm>>) dst(%dma_wait3A_429 : memref<128x128xf32, #tpu.memory_space<vmem>>)
      %run_scoped3A_436 = arith.constant 0 : i32
      %run_scoped3A_437 = arith.constant 14 : i32
      "tpu.region"() ({
        %run_scoped3A_458 = tpu.sem_alloc : memref<!tpu.dma_semaphore, #tpu.memory_space<semaphore_mem>>
        %dma_start3A_459 = arith.constant 0 : i32
        %dma_start3A_460 = arith.constant 0 : i32
        %dma_start3A_461 = tpu.memref_slice %arg9[%run_scoped3A_436, %dma_start3A_459, %dma_start3A_460] : memref<2x128x128xf32, #tpu.memory_space<vmem>> -> memref<1x128x128xf32, #tpu.memory_space<vmem>>
        %dma_start3A_462 = tpu.memref_squeeze %dma_start3A_461 : memref<1x128x128xf32, #tpu.memory_space<vmem>> -> memref<128x128xf32, #tpu.memory_space<vmem>>
        %dma_start3A_463 = arith.constant 0 : i32
        %dma_start3A_464 = tpu.memref_slice %arg8[%rem3A_48, %run_scoped3A_437, %dma_start3A_463] : memref<2x16x128xi32, #tpu.memory_space<vmem>> -> memref<1x1x128xi32, #tpu.memory_space<vmem>>
        %dma_start3A_465 = tpu.memref_squeeze %dma_start3A_464 : memref<1x1x128xi32, #tpu.memory_space<vmem>> -> memref<128xi32, #tpu.memory_space<vmem>>
        %dma_start3A_466 = arith.constant 0 : i32
        %dma_start3A_467 = arith.constant 0 : i32
        %dma_start3A_468 = tpu.memref_slice %arg10[%dma_start3A_466, %dma_start3A_467] : memref<10240x128xf32, #tpu.memory_space<vmem_shared>> -> memref<10240x128xf32, #tpu.memory_space<vmem_shared>>
        tpu.enqueue_indirect_dma source(%dma_start3A_462 : memref<128x128xf32, #tpu.memory_space<vmem>>) target(%dma_start3A_468 : memref<10240x128xf32, #tpu.memory_space<vmem_shared>>) offsets(%dma_start3A_465 : memref<128xi32, #tpu.memory_space<vmem>>) semaphore(%run_scoped3A_458 : memref<!tpu.dma_semaphore, #tpu.memory_space<semaphore_mem>>) {add = true}
        %dma_wait3A_469 = arith.constant 0 : i32
        %dma_wait3A_470 = arith.constant 0 : i32
        %dma_wait3A_471 = tpu.memref_slice %arg9[%run_scoped3A_436, %dma_wait3A_469, %dma_wait3A_470] : memref<2x128x128xf32, #tpu.memory_space<vmem>> -> memref<1x128x128xf32, #tpu.memory_space<vmem>>
        %dma_wait3A_472 = tpu.memref_squeeze %dma_wait3A_471 : memref<1x128x128xf32, #tpu.memory_space<vmem>> -> memref<128x128xf32, #tpu.memory_space<vmem>>
        %dma_wait3A_473 = arith.constant 0 : i32
        %dma_wait3A_474 = tpu.memref_slice %arg8[%rem3A_48, %run_scoped3A_437, %dma_wait3A_473] : memref<2x16x128xi32, #tpu.memory_space<vmem>> -> memref<1x1x128xi32, #tpu.memory_space<vmem>>
        %dma_wait3A_475 = tpu.memref_squeeze %dma_wait3A_474 : memref<1x1x128xi32, #tpu.memory_space<vmem>> -> memref<128xi32, #tpu.memory_space<vmem>>
        %dma_wait3A_476 = arith.constant 0 : i32
        %dma_wait3A_477 = arith.constant 0 : i32
        %dma_wait3A_478 = tpu.memref_slice %arg10[%dma_wait3A_476, %dma_wait3A_477] : memref<10240x128xf32, #tpu.memory_space<vmem_shared>> -> memref<10240x128xf32, #tpu.memory_space<vmem_shared>>
        tpu.wait_indirect_dma semaphore(%run_scoped3A_458 : memref<!tpu.dma_semaphore, #tpu.memory_space<semaphore_mem>>) src(%dma_wait3A_472 : memref<128x128xf32, #tpu.memory_space<vmem>>) dst(%dma_wait3A_478 : memref<10240x128xf32, #tpu.memory_space<vmem_shared>>)
        tpu.yield
      }) : () -> ()
      %convert_element_type3A_438 = arith.extui %lt3A_54 : i1 to i32
      %cond3A_439 = arith.constant 0 : i32
      %cond3A_440 = arith.cmpi ne, %convert_element_type3A_438, %cond3A_439 : i32
      scf.if %cond3A_440 {
        %dma_start3A_458 = arith.constant 0 : i32
        %dma_start3A_459 = arith.constant 0 : i32
        %dma_start3A_460 = arith.constant 0 : i32
        %dma_start3A_461 = arith.constant 0 : i32
        %dma_start3A_462 = tpu.memref_slice %arg9[%dma_start3A_459, %dma_start3A_460, %dma_start3A_461] : memref<2x128x128xf32, #tpu.memory_space<vmem>> -> memref<1x128x128xf32, #tpu.memory_space<vmem>>
        %dma_start3A_463 = tpu.memref_squeeze %dma_start3A_462 : memref<1x128x128xf32, #tpu.memory_space<vmem>> -> memref<128x128xf32, #tpu.memory_space<vmem>>
        %dma_start3A_464 = arith.constant 0 : i32
        %dma_start3A_465 = tpu.memref_slice %arg7[%rem3A_51, %dma_start3A_458, %dma_start3A_464] : memref<2x16x128xi32, #tpu.memory_space<vmem>> -> memref<1x1x128xi32, #tpu.memory_space<vmem>>
        %dma_start3A_466 = tpu.memref_squeeze %dma_start3A_465 : memref<1x1x128xi32, #tpu.memory_space<vmem>> -> memref<128xi32, #tpu.memory_space<vmem>>
        %dma_start3A_467 = arith.constant 0 : i32
        %dma_start3A_468 = arith.constant 0 : i32
        %dma_start3A_469 = tpu.memref_slice %arg4[%dma_start3A_467, %dma_start3A_468] : memref<10000x128xf32, #tpu.memory_space<hbm>> -> memref<10000x128xf32, #tpu.memory_space<hbm>>
        tpu.enqueue_indirect_dma source(%dma_start3A_469 : memref<10000x128xf32, #tpu.memory_space<hbm>>) target(%dma_start3A_463 : memref<128x128xf32, #tpu.memory_space<vmem>>) offsets(%dma_start3A_466 : memref<128xi32, #tpu.memory_space<vmem>>) semaphore(%arg11 : memref<!tpu.dma_semaphore, #tpu.memory_space<semaphore_mem>>)
      } else {
      }
      %dma_wait3A_441 = arith.constant 15 : i32
      %dma_wait3A_442 = arith.constant 1 : i32
      %dma_wait3A_443 = arith.constant 0 : i32
      %dma_wait3A_444 = arith.constant 0 : i32
      %dma_wait3A_445 = tpu.memref_slice %arg9[%dma_wait3A_442, %dma_wait3A_443, %dma_wait3A_444] : memref<2x128x128xf32, #tpu.memory_space<vmem>> -> memref<1x128x128xf32, #tpu.memory_space<vmem>>
      %dma_wait3A_446 = tpu.memref_squeeze %dma_wait3A_445 : memref<1x128x128xf32, #tpu.memory_space<vmem>> -> memref<128x128xf32, #tpu.memory_space<vmem>>
      %dma_wait3A_447 = arith.constant 0 : i32
      %dma_wait3A_448 = tpu.memref_slice %arg7[%rem3A_48, %dma_wait3A_441, %dma_wait3A_447] : memref<2x16x128xi32, #tpu.memory_space<vmem>> -> memref<1x1x128xi32, #tpu.memory_space<vmem>>
      %dma_wait3A_449 = tpu.memref_squeeze %dma_wait3A_448 : memref<1x1x128xi32, #tpu.memory_space<vmem>> -> memref<128xi32, #tpu.memory_space<vmem>>
      %dma_wait3A_450 = arith.constant 0 : i32
      %dma_wait3A_451 = arith.constant 0 : i32
      %dma_wait3A_452 = tpu.memref_slice %arg4[%dma_wait3A_450, %dma_wait3A_451] : memref<10000x128xf32, #tpu.memory_space<hbm>> -> memref<10000x128xf32, #tpu.memory_space<hbm>>
      tpu.wait_indirect_dma semaphore(%arg12 : memref<!tpu.dma_semaphore, #tpu.memory_space<semaphore_mem>>) src(%dma_wait3A_452 : memref<10000x128xf32, #tpu.memory_space<hbm>>) dst(%dma_wait3A_446 : memref<128x128xf32, #tpu.memory_space<vmem>>)
      %run_scoped3A_453 = arith.constant 1 : i32
      %run_scoped3A_454 = arith.constant 15 : i32
      "tpu.region"() ({
        %run_scoped3A_458 = tpu.sem_alloc : memref<!tpu.dma_semaphore, #tpu.memory_space<semaphore_mem>>
        %dma_start3A_459 = arith.constant 0 : i32
        %dma_start3A_460 = arith.constant 0 : i32
        %dma_start3A_461 = tpu.memref_slice %arg9[%run_scoped3A_453, %dma_start3A_459, %dma_start3A_460] : memref<2x128x128xf32, #tpu.memory_space<vmem>> -> memref<1x128x128xf32, #tpu.memory_space<vmem>>
        %dma_start3A_462 = tpu.memref_squeeze %dma_start3A_461 : memref<1x128x128xf32, #tpu.memory_space<vmem>> -> memref<128x128xf32, #tpu.memory_space<vmem>>
        %dma_start3A_463 = arith.constant 0 : i32
        %dma_start3A_464 = tpu.memref_slice %arg8[%rem3A_48, %run_scoped3A_454, %dma_start3A_463] : memref<2x16x128xi32, #tpu.memory_space<vmem>> -> memref<1x1x128xi32, #tpu.memory_space<vmem>>
        %dma_start3A_465 = tpu.memref_squeeze %dma_start3A_464 : memref<1x1x128xi32, #tpu.memory_space<vmem>> -> memref<128xi32, #tpu.memory_space<vmem>>
        %dma_start3A_466 = arith.constant 0 : i32
        %dma_start3A_467 = arith.constant 0 : i32
        %dma_start3A_468 = tpu.memref_slice %arg10[%dma_start3A_466, %dma_start3A_467] : memref<10240x128xf32, #tpu.memory_space<vmem_shared>> -> memref<10240x128xf32, #tpu.memory_space<vmem_shared>>
        tpu.enqueue_indirect_dma source(%dma_start3A_462 : memref<128x128xf32, #tpu.memory_space<vmem>>) target(%dma_start3A_468 : memref<10240x128xf32, #tpu.memory_space<vmem_shared>>) offsets(%dma_start3A_465 : memref<128xi32, #tpu.memory_space<vmem>>) semaphore(%run_scoped3A_458 : memref<!tpu.dma_semaphore, #tpu.memory_space<semaphore_mem>>) {add = true}
        %dma_wait3A_469 = arith.constant 0 : i32
        %dma_wait3A_470 = arith.constant 0 : i32
        %dma_wait3A_471 = tpu.memref_slice %arg9[%run_scoped3A_453, %dma_wait3A_469, %dma_wait3A_470] : memref<2x128x128xf32, #tpu.memory_space<vmem>> -> memref<1x128x128xf32, #tpu.memory_space<vmem>>
        %dma_wait3A_472 = tpu.memref_squeeze %dma_wait3A_471 : memref<1x128x128xf32, #tpu.memory_space<vmem>> -> memref<128x128xf32, #tpu.memory_space<vmem>>
        %dma_wait3A_473 = arith.constant 0 : i32
        %dma_wait3A_474 = tpu.memref_slice %arg8[%rem3A_48, %run_scoped3A_454, %dma_wait3A_473] : memref<2x16x128xi32, #tpu.memory_space<vmem>> -> memref<1x1x128xi32, #tpu.memory_space<vmem>>
        %dma_wait3A_475 = tpu.memref_squeeze %dma_wait3A_474 : memref<1x1x128xi32, #tpu.memory_space<vmem>> -> memref<128xi32, #tpu.memory_space<vmem>>
        %dma_wait3A_476 = arith.constant 0 : i32
        %dma_wait3A_477 = arith.constant 0 : i32
        %dma_wait3A_478 = tpu.memref_slice %arg10[%dma_wait3A_476, %dma_wait3A_477] : memref<10240x128xf32, #tpu.memory_space<vmem_shared>> -> memref<10240x128xf32, #tpu.memory_space<vmem_shared>>
        tpu.wait_indirect_dma semaphore(%run_scoped3A_458 : memref<!tpu.dma_semaphore, #tpu.memory_space<semaphore_mem>>) src(%dma_wait3A_472 : memref<128x128xf32, #tpu.memory_space<vmem>>) dst(%dma_wait3A_478 : memref<10240x128xf32, #tpu.memory_space<vmem_shared>>)
        tpu.yield
      }) : () -> ()
      %convert_element_type3A_455 = arith.extui %lt3A_54 : i1 to i32
      %cond3A_456 = arith.constant 0 : i32
      %cond3A_457 = arith.cmpi ne, %convert_element_type3A_455, %cond3A_456 : i32
      scf.if %cond3A_457 {
        %dma_start3A_458 = arith.constant 1 : i32
        %dma_start3A_459 = arith.constant 1 : i32
        %dma_start3A_460 = arith.constant 0 : i32
        %dma_start3A_461 = arith.constant 0 : i32
        %dma_start3A_462 = tpu.memref_slice %arg9[%dma_start3A_459, %dma_start3A_460, %dma_start3A_461] : memref<2x128x128xf32, #tpu.memory_space<vmem>> -> memref<1x128x128xf32, #tpu.memory_space<vmem>>
        %dma_start3A_463 = tpu.memref_squeeze %dma_start3A_462 : memref<1x128x128xf32, #tpu.memory_space<vmem>> -> memref<128x128xf32, #tpu.memory_space<vmem>>
        %dma_start3A_464 = arith.constant 0 : i32
        %dma_start3A_465 = tpu.memref_slice %arg7[%rem3A_51, %dma_start3A_458, %dma_start3A_464] : memref<2x16x128xi32, #tpu.memory_space<vmem>> -> memref<1x1x128xi32, #tpu.memory_space<vmem>>
        %dma_start3A_466 = tpu.memref_squeeze %dma_start3A_465 : memref<1x1x128xi32, #tpu.memory_space<vmem>> -> memref<128xi32, #tpu.memory_space<vmem>>
        %dma_start3A_467 = arith.constant 0 : i32
        %dma_start3A_468 = arith.constant 0 : i32
        %dma_start3A_469 = tpu.memref_slice %arg4[%dma_start3A_467, %dma_start3A_468] : memref<10000x128xf32, #tpu.memory_space<hbm>> -> memref<10000x128xf32, #tpu.memory_space<hbm>>
        tpu.enqueue_indirect_dma source(%dma_start3A_469 : memref<10000x128xf32, #tpu.memory_space<hbm>>) target(%dma_start3A_463 : memref<128x128xf32, #tpu.memory_space<vmem>>) offsets(%dma_start3A_466 : memref<128xi32, #tpu.memory_space<vmem>>) semaphore(%arg12 : memref<!tpu.dma_semaphore, #tpu.memory_space<semaphore_mem>>)
      } else {
      }
    }
    %barrier3A_39 = arith.constant 0 : index
    tpu.barrier barrier_id(%barrier3A_39)
    %lt3A = arith.constant 15 : i32
    %lt3A_40 = arith.cmpi slt, %arg1, %lt3A : i32
    %convert_element_type3A = arith.extui %lt3A_40 : i1 to i32
    %cond3A = arith.constant 0 : i32
    %cond3A_41 = arith.cmpi ne, %convert_element_type3A, %cond3A : i32
    scf.if %cond3A_41 {
      %mul3A_47 = arith.constant 624 : i32
      %mul3A_48 = arith.muli %arg1, %mul3A_47 : i32
      %mul3A_49 = arith.constant 624 : i32
      %mul3A_50 = arith.muli %arg1, %mul3A_49 : i32
      "tpu.region"() ({
        %run_scoped3A_51 = tpu.sem_alloc : memref<!tpu.dma_semaphore, #tpu.memory_space<semaphore_mem>>
        %dma_start3A_52 = arith.constant 0 : i32
        %dma_start3A_53 = tpu.memref_slice %arg6[%arg0, %mul3A_50, %dma_start3A_52] : memref<2x10000x128xf32, #tpu.memory_space<hbm>> -> memref<1x624x128xf32, #tpu.memory_space<hbm>>
        %dma_start3A_54 = tpu.memref_squeeze %dma_start3A_53 : memref<1x624x128xf32, #tpu.memory_space<hbm>> -> memref<624x128xf32, #tpu.memory_space<hbm>>
        %dma_start3A_55 = arith.constant 0 : i32
        %dma_start3A_56 = tpu.memref_slice %arg10[%mul3A_48, %dma_start3A_55] : memref<10240x128xf32, #tpu.memory_space<vmem_shared>> -> memref<624x128xf32, #tpu.memory_space<vmem_shared>>
        tpu.enqueue_dma source(%dma_start3A_56 : memref<624x128xf32, #tpu.memory_space<vmem_shared>>) target(%dma_start3A_54 : memref<624x128xf32, #tpu.memory_space<hbm>>) target_semaphore(%run_scoped3A_51 : memref<!tpu.dma_semaphore, #tpu.memory_space<semaphore_mem>>)
        %dma_wait3A = arith.constant 0 : i32
        %dma_wait3A_57 = tpu.memref_slice %arg6[%arg0, %mul3A_50, %dma_wait3A] : memref<2x10000x128xf32, #tpu.memory_space<hbm>> -> memref<1x624x128xf32, #tpu.memory_space<hbm>>
        %dma_wait3A_58 = tpu.memref_squeeze %dma_wait3A_57 : memref<1x624x128xf32, #tpu.memory_space<hbm>> -> memref<624x128xf32, #tpu.memory_space<hbm>>
        %dma_wait3A_59 = arith.constant 0 : i32
        %dma_wait3A_60 = tpu.memref_slice %arg10[%mul3A_48, %dma_wait3A_59] : memref<10240x128xf32, #tpu.memory_space<vmem_shared>> -> memref<624x128xf32, #tpu.memory_space<vmem_shared>>
        tpu.wait_dma2 semaphore(%run_scoped3A_51 : memref<!tpu.dma_semaphore, #tpu.memory_space<semaphore_mem>>) src(%dma_wait3A_60 : memref<624x128xf32, #tpu.memory_space<vmem_shared>>) dst(%dma_wait3A_58 : memref<624x128xf32, #tpu.memory_space<hbm>>)
        tpu.yield
      }) : () -> ()
    } else {
    }
    %eq3A_42 = arith.constant 15 : i32
    %eq3A_43 = arith.cmpi eq, %arg1, %eq3A_42 : i32
    %convert_element_type3A_44 = arith.extui %eq3A_43 : i1 to i32
    %cond3A_45 = arith.constant 0 : i32
    %cond3A_46 = arith.cmpi ne, %convert_element_type3A_44, %cond3A_45 : i32
    scf.if %cond3A_46 {
      "tpu.region"() ({
        %run_scoped3A_47 = tpu.sem_alloc : memref<!tpu.dma_semaphore, #tpu.memory_space<semaphore_mem>>
        %dma_start3A_48 = arith.constant 9360 : i32
        %dma_start3A_49 = arith.constant 0 : i32
        %dma_start3A_50 = tpu.memref_slice %arg6[%arg0, %dma_start3A_48, %dma_start3A_49] : memref<2x10000x128xf32, #tpu.memory_space<hbm>> -> memref<1x640x128xf32, #tpu.memory_space<hbm>>
        %dma_start3A_51 = tpu.memref_squeeze %dma_start3A_50 : memref<1x640x128xf32, #tpu.memory_space<hbm>> -> memref<640x128xf32, #tpu.memory_space<hbm>>
        %dma_start3A_52 = arith.constant 9360 : i32
        %dma_start3A_53 = arith.constant 0 : i32
        %dma_start3A_54 = tpu.memref_slice %arg10[%dma_start3A_52, %dma_start3A_53] : memref<10240x128xf32, #tpu.memory_space<vmem_shared>> -> memref<640x128xf32, #tpu.memory_space<vmem_shared>>
        tpu.enqueue_dma source(%dma_start3A_54 : memref<640x128xf32, #tpu.memory_space<vmem_shared>>) target(%dma_start3A_51 : memref<640x128xf32, #tpu.memory_space<hbm>>) target_semaphore(%run_scoped3A_47 : memref<!tpu.dma_semaphore, #tpu.memory_space<semaphore_mem>>)
        %dma_wait3A = arith.constant 9360 : i32
        %dma_wait3A_55 = arith.constant 0 : i32
        %dma_wait3A_56 = tpu.memref_slice %arg6[%arg0, %dma_wait3A, %dma_wait3A_55] : memref<2x10000x128xf32, #tpu.memory_space<hbm>> -> memref<1x640x128xf32, #tpu.memory_space<hbm>>
        %dma_wait3A_57 = tpu.memref_squeeze %dma_wait3A_56 : memref<1x640x128xf32, #tpu.memory_space<hbm>> -> memref<640x128xf32, #tpu.memory_space<hbm>>
        %dma_wait3A_58 = arith.constant 9360 : i32
        %dma_wait3A_59 = arith.constant 0 : i32
        %dma_wait3A_60 = tpu.memref_slice %arg10[%dma_wait3A_58, %dma_wait3A_59] : memref<10240x128xf32, #tpu.memory_space<vmem_shared>> -> memref<640x128xf32, #tpu.memory_space<vmem_shared>>
        tpu.wait_dma2 semaphore(%run_scoped3A_47 : memref<!tpu.dma_semaphore, #tpu.memory_space<semaphore_mem>>) src(%dma_wait3A_60 : memref<640x128xf32, #tpu.memory_space<vmem_shared>>) dst(%dma_wait3A_57 : memref<640x128xf32, #tpu.memory_space<hbm>>)
        tpu.yield
      }) : () -> ()
    } else {
    }
    return
  }
}

module attributes {stable_mosaic.version = 14 : i64} {
  func.func @_tc_rest(%arg0: memref<2x10000x128xf32, #tpu.memory_space<vmem>>, %arg1: memref<128x128xf32, #tpu.memory_space<vmem>>, %arg2: memref<128x128xf32, #tpu.memory_space<vmem>>, %arg3: memref<1x128xf32, #tpu.memory_space<vmem>>, %arg4: memref<128x128xf32, #tpu.memory_space<vmem>>, %arg5: memref<1x128xf32, #tpu.memory_space<vmem>>, %arg6: memref<128x256xf32, #tpu.memory_space<vmem>>, %arg7: memref<1x256xf32, #tpu.memory_space<vmem>>, %arg8: memref<1x256xf32, #tpu.memory_space<vmem>>, %arg9: memref<1x256xf32, #tpu.memory_space<vmem>>, %arg10: memref<256x128xf32, #tpu.memory_space<vmem>>, %arg11: memref<1x128xf32, #tpu.memory_space<vmem>>, %arg12: memref<1x128xf32, #tpu.memory_space<vmem>>, %arg13: memref<1x128xf32, #tpu.memory_space<vmem>>, %arg14: memref<128x1xf32, #tpu.memory_space<vmem>>, %arg15: memref<1x1xf32, #tpu.memory_space<vmem>>, %arg16: memref<10000x1xf32, #tpu.memory_space<vmem>>) attributes {dimension_semantics = [], scalar_prefetch = 0 : i64, scratch_operands = 0 : i64, tpu.core_type = #tpu.core_type<tc>} {
    %get3A = arith.constant 0 : index
    %get3A_0 = arith.constant 0 : index
    %get3A_1 = arith.constant 0 : index
    %get3A_2 = vector.load %arg0[%get3A, %get3A_0, %get3A_1] : memref<2x10000x128xf32, #tpu.memory_space<vmem>>, vector<1x10000x128xf32>
    %get3A_3 = vector.shape_cast %get3A_2 : vector<1x10000x128xf32> to vector<10000x128xf32>
    %get3A_4 = arith.constant 1 : index
    %get3A_5 = arith.constant 0 : index
    %get3A_6 = arith.constant 0 : index
    %get3A_7 = vector.load %arg0[%get3A_4, %get3A_5, %get3A_6] : memref<2x10000x128xf32, #tpu.memory_space<vmem>>, vector<1x10000x128xf32>
    %get3A_8 = vector.shape_cast %get3A_7 : vector<1x10000x128xf32> to vector<10000x128xf32>
    %add3A = arith.addf %get3A_3, %get3A_8 : vector<10000x128xf32>
    %get3A_9 = arith.constant 0 : index
    %get3A_10 = arith.constant 0 : index
    %get3A_11 = vector.load %arg1[%get3A_9, %get3A_10] : memref<128x128xf32, #tpu.memory_space<vmem>>, vector<128x128xf32>
    %dot_general3A = arith.constant dense<0.000000e+00> : vector<10000x128xf32>
    %dot_general3A_12 = tpu.matmul %add3A, %get3A_11, %dot_general3A {dimension_numbers = #tpu.dot_dimension_numbers<[1], [0], [0], [1], [0, 0, 1, 1], [], []>, precision = #tpu.contract_precision<fp32>, transpose_lhs_hint = false} : vector<10000x128xf32>, vector<128x128xf32>, vector<10000x128xf32> -> vector<10000x128xf32>
    %max3A = arith.constant 0.000000e+00 : f32
    %max3A_13 = vector.broadcast %max3A : f32 to vector<10000x128xf32>
    %max3A_14 = arith.maximumf %dot_general3A_12, %max3A_13 : vector<10000x128xf32>
    %reduce_sum3A = arith.constant dense<0.000000e+00> : vector<128xf32>
    %reduce_sum3A_15 = vector.multi_reduction <add>, %max3A_14, %reduce_sum3A [0] : vector<10000x128xf32> to vector<128xf32>
    %broadcast_in_dim3A = vector.shape_cast %reduce_sum3A_15 : vector<128xf32> to vector<1x128xf32>
    %div3A = arith.constant 1.000000e+04 : f32
    %div3A_16 = vector.broadcast %div3A : f32 to vector<1x128xf32>
    %div3A_17 = arith.divf %broadcast_in_dim3A, %div3A_16 : vector<1x128xf32>
    %get3A_18 = arith.constant 0 : index
    %get3A_19 = arith.constant 0 : index
    %get3A_20 = vector.load %arg2[%get3A_18, %get3A_19] : memref<128x128xf32, #tpu.memory_space<vmem>>, vector<128x128xf32>
    %dot_general3A_21 = arith.constant dense<0.000000e+00> : vector<1x128xf32>
    %dot_general3A_22 = tpu.matmul %div3A_17, %get3A_20, %dot_general3A_21 {dimension_numbers = #tpu.dot_dimension_numbers<[1], [0], [0], [1], [0, 0, 1, 1], [], []>, transpose_lhs_hint = false} : vector<1x128xf32>, vector<128x128xf32>, vector<1x128xf32> -> vector<1x128xf32>
    %get3A_23 = arith.constant 0 : index
    %get3A_24 = arith.constant 0 : index
    %get3A_25 = vector.load %arg3[%get3A_23, %get3A_24] : memref<1x128xf32, #tpu.memory_space<vmem>>, vector<1x128xf32>
    %add3A_26 = arith.addf %dot_general3A_22, %get3A_25 : vector<1x128xf32>
    %max3A_27 = arith.constant 0.000000e+00 : f32
    %max3A_28 = vector.broadcast %max3A_27 : f32 to vector<1x128xf32>
    %max3A_29 = arith.maximumf %add3A_26, %max3A_28 : vector<1x128xf32>
    %get3A_30 = arith.constant 0 : index
    %get3A_31 = arith.constant 0 : index
    %get3A_32 = vector.load %arg4[%get3A_30, %get3A_31] : memref<128x128xf32, #tpu.memory_space<vmem>>, vector<128x128xf32>
    %dot_general3A_33 = arith.constant dense<0.000000e+00> : vector<1x128xf32>
    %dot_general3A_34 = tpu.matmul %max3A_29, %get3A_32, %dot_general3A_33 {dimension_numbers = #tpu.dot_dimension_numbers<[1], [0], [0], [1], [0, 0, 1, 1], [], []>, transpose_lhs_hint = false} : vector<1x128xf32>, vector<128x128xf32>, vector<1x128xf32> -> vector<1x128xf32>
    %get3A_35 = arith.constant 0 : index
    %get3A_36 = arith.constant 0 : index
    %get3A_37 = vector.load %arg5[%get3A_35, %get3A_36] : memref<1x128xf32, #tpu.memory_space<vmem>>, vector<1x128xf32>
    %add3A_38 = arith.addf %dot_general3A_34, %get3A_37 : vector<1x128xf32>
    %mul3A = vector.broadcast %add3A_38 : vector<1x128xf32> to vector<10000x128xf32>
    %mul3A_39 = arith.mulf %max3A_14, %mul3A : vector<10000x128xf32>
    %get3A_40 = arith.constant 0 : index
    %get3A_41 = arith.constant 0 : index
    %get3A_42 = vector.load %arg6[%get3A_40, %get3A_41] : memref<128x256xf32, #tpu.memory_space<vmem>>, vector<128x256xf32>
    %dot_general3A_43 = arith.constant dense<0.000000e+00> : vector<10000x256xf32>
    %dot_general3A_44 = tpu.matmul %mul3A_39, %get3A_42, %dot_general3A_43 {dimension_numbers = #tpu.dot_dimension_numbers<[1], [0], [0], [1], [0, 0, 1, 1], [], []>, transpose_lhs_hint = false} : vector<10000x128xf32>, vector<128x256xf32>, vector<10000x256xf32> -> vector<10000x256xf32>
    %get3A_45 = arith.constant 0 : index
    %get3A_46 = arith.constant 0 : index
    %get3A_47 = vector.load %arg7[%get3A_45, %get3A_46] : memref<1x256xf32, #tpu.memory_space<vmem>>, vector<1x256xf32>
    %add3A_48 = vector.broadcast %get3A_47 : vector<1x256xf32> to vector<10000x256xf32>
    %add3A_49 = arith.addf %dot_general3A_44, %add3A_48 : vector<10000x256xf32>
    %reduce_sum3A_50 = arith.constant dense<0.000000e+00> : vector<256xf32>
    %reduce_sum3A_51 = vector.multi_reduction <add>, %add3A_49, %reduce_sum3A_50 [0] : vector<10000x256xf32> to vector<256xf32>
    %broadcast_in_dim3A_52 = vector.shape_cast %reduce_sum3A_51 : vector<256xf32> to vector<1x256xf32>
    %div3A_53 = arith.constant 1.000000e+04 : f32
    %div3A_54 = vector.broadcast %div3A_53 : f32 to vector<1x256xf32>
    %div3A_55 = arith.divf %broadcast_in_dim3A_52, %div3A_54 : vector<1x256xf32>
    %sub3A = vector.broadcast %div3A_55 : vector<1x256xf32> to vector<10000x256xf32>
    %sub3A_56 = arith.subf %add3A_49, %sub3A : vector<10000x256xf32>
    %integer_pow3A = arith.mulf %sub3A_56, %sub3A_56 : vector<10000x256xf32>
    %reduce_sum3A_57 = arith.constant dense<0.000000e+00> : vector<256xf32>
    %reduce_sum3A_58 = vector.multi_reduction <add>, %integer_pow3A, %reduce_sum3A_57 [0] : vector<10000x256xf32> to vector<256xf32>
    %broadcast_in_dim3A_59 = vector.shape_cast %reduce_sum3A_58 : vector<256xf32> to vector<1x256xf32>
    %div3A_60 = arith.constant 1.000000e+04 : f32
    %div3A_61 = vector.broadcast %div3A_60 : f32 to vector<1x256xf32>
    %div3A_62 = arith.divf %broadcast_in_dim3A_59, %div3A_61 : vector<1x256xf32>
    %get3A_63 = arith.constant 0 : index
    %get3A_64 = arith.constant 0 : index
    %get3A_65 = vector.load %arg8[%get3A_63, %get3A_64] : memref<1x256xf32, #tpu.memory_space<vmem>>, vector<1x256xf32>
    %sub3A_66 = vector.broadcast %div3A_55 : vector<1x256xf32> to vector<10000x256xf32>
    %sub3A_67 = arith.subf %add3A_49, %sub3A_66 : vector<10000x256xf32>
    %mul3A_68 = vector.broadcast %get3A_65 : vector<1x256xf32> to vector<10000x256xf32>
    %mul3A_69 = arith.mulf %mul3A_68, %sub3A_67 : vector<10000x256xf32>
    %add3A_70 = arith.constant 9.99999974E-6 : f32
    %add3A_71 = vector.broadcast %add3A_70 : f32 to vector<1x256xf32>
    %add3A_72 = arith.addf %div3A_62, %add3A_71 : vector<1x256xf32>
    %rsqrt3A = math.rsqrt %add3A_72 : vector<1x256xf32>
    %mul3A_73 = vector.broadcast %rsqrt3A : vector<1x256xf32> to vector<10000x256xf32>
    %mul3A_74 = arith.mulf %mul3A_69, %mul3A_73 : vector<10000x256xf32>
    %get3A_75 = arith.constant 0 : index
    %get3A_76 = arith.constant 0 : index
    %get3A_77 = vector.load %arg9[%get3A_75, %get3A_76] : memref<1x256xf32, #tpu.memory_space<vmem>>, vector<1x256xf32>
    %add3A_78 = vector.broadcast %get3A_77 : vector<1x256xf32> to vector<10000x256xf32>
    %add3A_79 = arith.addf %mul3A_74, %add3A_78 : vector<10000x256xf32>
    %max3A_80 = arith.constant 0.000000e+00 : f32
    %max3A_81 = vector.broadcast %max3A_80 : f32 to vector<10000x256xf32>
    %max3A_82 = arith.maximumf %add3A_79, %max3A_81 : vector<10000x256xf32>
    %get3A_83 = arith.constant 0 : index
    %get3A_84 = arith.constant 0 : index
    %get3A_85 = vector.load %arg10[%get3A_83, %get3A_84] : memref<256x128xf32, #tpu.memory_space<vmem>>, vector<256x128xf32>
    %dot_general3A_86 = arith.constant dense<0.000000e+00> : vector<10000x128xf32>
    %dot_general3A_87 = tpu.matmul %max3A_82, %get3A_85, %dot_general3A_86 {dimension_numbers = #tpu.dot_dimension_numbers<[1], [0], [0], [1], [0, 0, 1, 1], [], []>, transpose_lhs_hint = false} : vector<10000x256xf32>, vector<256x128xf32>, vector<10000x128xf32> -> vector<10000x128xf32>
    %get3A_88 = arith.constant 0 : index
    %get3A_89 = arith.constant 0 : index
    %get3A_90 = vector.load %arg11[%get3A_88, %get3A_89] : memref<1x128xf32, #tpu.memory_space<vmem>>, vector<1x128xf32>
    %add3A_91 = vector.broadcast %get3A_90 : vector<1x128xf32> to vector<10000x128xf32>
    %add3A_92 = arith.addf %dot_general3A_87, %add3A_91 : vector<10000x128xf32>
    %reduce_sum3A_93 = arith.constant dense<0.000000e+00> : vector<128xf32>
    %reduce_sum3A_94 = vector.multi_reduction <add>, %add3A_92, %reduce_sum3A_93 [0] : vector<10000x128xf32> to vector<128xf32>
    %broadcast_in_dim3A_95 = vector.shape_cast %reduce_sum3A_94 : vector<128xf32> to vector<1x128xf32>
    %div3A_96 = arith.constant 1.000000e+04 : f32
    %div3A_97 = vector.broadcast %div3A_96 : f32 to vector<1x128xf32>
    %div3A_98 = arith.divf %broadcast_in_dim3A_95, %div3A_97 : vector<1x128xf32>
    %sub3A_99 = vector.broadcast %div3A_98 : vector<1x128xf32> to vector<10000x128xf32>
    %sub3A_100 = arith.subf %add3A_92, %sub3A_99 : vector<10000x128xf32>
    %integer_pow3A_101 = arith.mulf %sub3A_100, %sub3A_100 : vector<10000x128xf32>
    %reduce_sum3A_102 = arith.constant dense<0.000000e+00> : vector<128xf32>
    %reduce_sum3A_103 = vector.multi_reduction <add>, %integer_pow3A_101, %reduce_sum3A_102 [0] : vector<10000x128xf32> to vector<128xf32>
    %broadcast_in_dim3A_104 = vector.shape_cast %reduce_sum3A_103 : vector<128xf32> to vector<1x128xf32>
    %div3A_105 = arith.constant 1.000000e+04 : f32
    %div3A_106 = vector.broadcast %div3A_105 : f32 to vector<1x128xf32>
    %div3A_107 = arith.divf %broadcast_in_dim3A_104, %div3A_106 : vector<1x128xf32>
    %get3A_108 = arith.constant 0 : index
    %get3A_109 = arith.constant 0 : index
    %get3A_110 = vector.load %arg12[%get3A_108, %get3A_109] : memref<1x128xf32, #tpu.memory_space<vmem>>, vector<1x128xf32>
    %sub3A_111 = vector.broadcast %div3A_98 : vector<1x128xf32> to vector<10000x128xf32>
    %sub3A_112 = arith.subf %add3A_92, %sub3A_111 : vector<10000x128xf32>
    %mul3A_113 = vector.broadcast %get3A_110 : vector<1x128xf32> to vector<10000x128xf32>
    %mul3A_114 = arith.mulf %mul3A_113, %sub3A_112 : vector<10000x128xf32>
    %add3A_115 = arith.constant 9.99999974E-6 : f32
    %add3A_116 = vector.broadcast %add3A_115 : f32 to vector<1x128xf32>
    %add3A_117 = arith.addf %div3A_107, %add3A_116 : vector<1x128xf32>
    %rsqrt3A_118 = math.rsqrt %add3A_117 : vector<1x128xf32>
    %mul3A_119 = vector.broadcast %rsqrt3A_118 : vector<1x128xf32> to vector<10000x128xf32>
    %mul3A_120 = arith.mulf %mul3A_114, %mul3A_119 : vector<10000x128xf32>
    %get3A_121 = arith.constant 0 : index
    %get3A_122 = arith.constant 0 : index
    %get3A_123 = vector.load %arg13[%get3A_121, %get3A_122] : memref<1x128xf32, #tpu.memory_space<vmem>>, vector<1x128xf32>
    %add3A_124 = vector.broadcast %get3A_123 : vector<1x128xf32> to vector<10000x128xf32>
    %add3A_125 = arith.addf %mul3A_120, %add3A_124 : vector<10000x128xf32>
    %max3A_126 = arith.constant 0.000000e+00 : f32
    %max3A_127 = vector.broadcast %max3A_126 : f32 to vector<10000x128xf32>
    %max3A_128 = arith.maximumf %add3A_125, %max3A_127 : vector<10000x128xf32>
    %get3A_129 = arith.constant 0 : index
    %get3A_130 = arith.constant 0 : index
    %get3A_131 = vector.load %arg14[%get3A_129, %get3A_130] : memref<128x1xf32, #tpu.memory_space<vmem>>, vector<128x1xf32>
    %dot_general3A_132 = arith.constant dense<0.000000e+00> : vector<10000x1xf32>
    %dot_general3A_133 = tpu.matmul %max3A_128, %get3A_131, %dot_general3A_132 {dimension_numbers = #tpu.dot_dimension_numbers<[1], [0], [0], [1], [0, 0, 1, 1], [], []>, transpose_lhs_hint = false} : vector<10000x128xf32>, vector<128x1xf32>, vector<10000x1xf32> -> vector<10000x1xf32>
    %get3A_134 = arith.constant 0 : index
    %get3A_135 = arith.constant 0 : index
    %get3A_136 = vector.load %arg15[%get3A_134, %get3A_135] : memref<1x1xf32, #tpu.memory_space<vmem>>, vector<1x1xf32>
    %add3A_137 = vector.broadcast %get3A_136 : vector<1x1xf32> to vector<10000x1xf32>
    %add3A_138 = arith.addf %dot_general3A_133, %add3A_137 : vector<10000x1xf32>
    %swap3A = arith.constant 0 : index
    %swap3A_139 = arith.constant 0 : index
    %swap3A_140 = vector.load %arg16[%swap3A, %swap3A_139] : memref<10000x1xf32, #tpu.memory_space<vmem>>, vector<10000x1xf32>
    tpu.vector_store %arg16[%swap3A, %swap3A_139], %add3A_138 {strides = array<i32>} : memref<10000x1xf32, #tpu.memory_space<vmem>>, vector<10000x1xf32>,
    return
  }
}

</mosaic_0001>

<sc_bundles>
// kernel: kernel.4.cloned.1.call-start
scs
__scs_entry_jumppad:
0x0: {  	(pc) =	sbr.rel $0x88, $3  }
0x1: {  	(tag) =	ssettag $0x0;
	lr =	simm.s32 $0x1  }
0x2: {  	[smem:$0x3F90] =	sst lr;
	_ =	strace $0xD0000000  }
0x3: {  	_ = 	snop  }
0x4: {  	_ = 	snop  }
0x5: {  	_ = 	snop  }
0x6: {  	_ = 	snop  }
0x7: {  	_ = 	snop  }
__scs_overlays_trampoline_lowered:
0x8: {  	[smem:$0x3F9F] =	sst s0  }
0x9: {  	[smem:$0x3FA0] =	sst s1  }
0xa: {  	[smem:$0x3FA1] =	sst s2  }
0xb: {  	[smem:$0x3FA2] =	sst s3  }
0xc: {  	[smem:$0x3FA3] =	sst s4  }
0xd: {  	[smem:$0x3FA4] =	sst s5  }
0xe: {  	[smem:$0x3FA5] =	sst s6  }
0xf: {  	[smem:$0x3FA6] =	sst s7  }
0x10: {  	[smem:$0x3FA7] =	sst s8  }
0x11: {  	[smem:$0x3FA8] =	sst s9;
	s0 =	simm.s32 @!p0 $0x0  }
0x12: {  	s1 =	sld [smem:$0x3F8E];
	s0 =	simm.s32 @p0 $0x1  }
0x13: {  	[smem:$0x3FA9] =	sst s0;
	s0 =	simm.s32 @!p1 $0x0  }
0x14: {  	s2 =	sld [smem:$0x3F8D];
	s0 =	simm.s32 @p1 $0x1  }
0x15: {  	[smem:$0x3FAA] =	sst s0;
	s0 =	simm.s32 @!p2 $0x0  }
0x16: {  	s3 =	sld [smem:$0x3FDB];
	s0 =	simm.s32 @p2 $0x1  }
0x17: {  	s4 =	simm.s32 $0x1BF5;
	[smem:$0x3FAC] =	sst s0  }
0x18: {  	s0 =	sld [smem:$0x3F8F];
	_ =	swait.ge [sflag:s4], $0x0  }
0x19: {  	s7 =	sld [smem:$0x3F90]  }
0x1a: {  	s8 =	sadd.s32 $0xFFFFE003, lr  }
0x1b: {  	s9 =	sadd.s32 $0xFFFFFEF7, lr;
	s5 =	simm.s32 $0xFFFFFFFF;
	p2 =	slt.u32 s8, $0xFFFFF086  }
0x1c: {  	p1 =	slt.u32 s9, $0xF7A;
	s5 =	simm.s32 @!p2 $0x0  }
0x1d: {  	s5 =	simm.s32 @p1 $0x1;
	p0 =	seq.s32 s7, s2  }
0x1e: {  	s7 =	smul.u32 @!p0 $0xF7A, s2;
	p2 =	seq.s32 @!p0 s5, $0x0  }
0x1f: {  	s9 =	smul.u32 $0xF7A, s1;
	s8 =	simm.s32 @!p0 $0x1BF5;
	p2 =	por !p2, p0  }
0x20: {  	[sflag:s8] =	ssyncset.s32 @!p0 $0xFFFFF086;
	s6 =	sadd.s32 @!p0 s3, s7;
	s7 =	simm.s32 @!p0 $0x108  }
0x21: {  	s3 =	sadd.s32 s3, s9;
	s6 =	sadd.s32 @!p0 $0x88, s6;
	s7 =	simm.s32 @p2 $0x1082  }
0x22: {  	[simem:s7], [sflag:s8] =	dma.local @!p0 [hbm:s6], $0xF7A  }
0x23: {  	s9 =	sor.u32 $0xD0000000, s2;
	s6 =	simm.s32 $0x108;
	_ =	swait.ge @!p0 [sflag:s8], $0x0  }
0x24: {  	s3 =	sadd.s32 $0x88, s3;
	s6 =	simm.s32 @!p1 $0x1082;
	[sflag:s4] =	ssyncset.s32 $0xFFFFF086  }
0x25: {  	[simem:s6], [sflag:s4] =	dma.local [hbm:s3], $0xF7A  }
0x26: {  	[smem:$0x3F90] =	sst s1;
	(tag) =	ssettag s2;
	_ =	strace s9  }
0x27: {  	s1 =	sld [smem:$0x3FA0]  }
0x28: {  	s2 =	sld [smem:$0x3FA1]  }
0x29: {  	s4 =	sld [smem:$0x3FA3]  }
0x2a: {  	p0 =	seq.s32 s5, $0x0;
	s5 =	sld [smem:$0x3FA4]  }
0x2b: {  	s6 =	sld [smem:$0x3FA5]  }
0x2c: {  	s7 =	sld [smem:$0x3FA6]  }
0x2d: {  	s3 =	simm.s32 $0x108;
	s8 =	sld [smem:$0x3FA7]  }
0x2e: {  	s3 =	simm.s32 @!p0 $0x1082;
	s9 =	sld [smem:$0x3FA8]  }
0x2f: {  	lr =	sadd.s32 s0, s3;
	s0 =	sld [smem:$0x3F9F]  }
0x30: {  	s3 =	sld [smem:$0x3FA2]  }
0x31: {  	[smem:$0x3FAB] =	sst s10  }
0x32: {  	s10 =	sld [smem:$0x3FA9];
	_ =	sdelay $0x3  }
0x33: {  	p0 =	seq.s32 s10, $0x1;
	s10 =	sld [smem:$0x3FAB];
	_ =	sdelay $0x3  }
0x34: {  	[smem:$0x3FAB] =	sst s10  }
0x35: {  	s10 =	sld [smem:$0x3FAA];
	_ =	sdelay $0x3  }
0x36: {  	p1 =	seq.s32 s10, $0x1;
	s10 =	sld [smem:$0x3FAB];
	_ =	sdelay $0x3  }
0x37: {  	[smem:$0x3FAB] =	sst s10  }
0x38: {  	s10 =	sld [smem:$0x3FAC]  }
0x39: {  	_ = 	snop;
	(pc) =	sbr.ind lr, $3  }
0x3a: {  	_ = 	snop  }
0x3b: {  	_ = 	snop  }
0x3c: {  	p2 =	seq.s32 s10, $0x1;
	s10 =	sld [smem:$0x3FAB]  }
0x3d: {  	_ =	shalt  }
0x3e: {  	_ =	shalt  }
0x3f: {  	_ =	shalt  }
0x40: {  	_ =	shalt  }
0x41: {  	_ =	shalt  }
0x42: {  	_ =	shalt  }
0x43: {  	_ =	shalt  }
0x44: {  	_ =	shalt  }
0x45: {  	_ =	shalt  }
0x46: {  	_ =	shalt  }
0x47: {  	_ =	shalt  }
0x48: {  	_ =	shalt  }
0x49: {  	_ =	shalt  }
0x4a: {  	_ =	shalt  }
0x4b: {  	_ =	shalt  }
0x4c: {  	_ =	shalt  }
0x4d: {  	_ =	shalt  }
0x4e: {  	_ =	shalt  }
0x4f: {  	_ =	shalt  }
0x50: {  	_ =	shalt  }
0x51: {  	_ =	shalt  }
0x52: {  	_ =	shalt  }
0x53: {  	_ =	shalt  }
0x54: {  	_ =	shalt  }
0x55: {  	_ =	shalt  }
0x56: {  	_ =	shalt  }
0x57: {  	_ =	shalt  }
0x58: {  	_ =	shalt  }
0x59: {  	_ =	shalt  }
0x5a: {  	_ =	shalt  }
0x5b: {  	_ =	shalt  }
0x5c: {  	_ =	shalt  }
0x5d: {  	_ =	shalt  }
0x5e: {  	_ =	shalt  }
0x5f: {  	_ =	shalt  }
0x60: {  	_ =	shalt  }
0x61: {  	_ =	shalt  }
0x62: {  	_ =	shalt  }
0x63: {  	_ =	shalt  }
0x64: {  	_ =	shalt  }
0x65: {  	_ =	shalt  }
0x66: {  	_ =	shalt  }
0x67: {  	_ =	shalt  }
0x68: {  	_ =	shalt  }
0x69: {  	_ =	shalt  }
0x6a: {  	_ =	shalt  }
0x6b: {  	_ =	shalt  }
0x6c: {  	_ =	shalt  }
0x6d: {  	_ =	shalt  }
0x6e: {  	_ =	shalt  }
0x6f: {  	_ =	shalt  }
0x70: {  	_ =	shalt  }
0x71: {  	_ =	shalt  }
0x72: {  	_ =	shalt  }
0x73: {  	_ =	shalt  }
0x74: {  	_ =	shalt  }
0x75: {  	_ =	shalt  }
0x76: {  	_ =	shalt  }
0x77: {  	_ =	shalt  }
0x78: {  	_ =	shalt  }
0x79: {  	_ =	shalt  }
0x7a: {  	_ =	shalt  }
0x7b: {  	_ =	shalt  }
0x7c: {  	_ =	shalt  }
0x7d: {  	_ =	shalt  }
0x7e: {  	_ =	shalt  }
0x7f: {  	_ =	shalt  }
0x80: {  	_ =	shalt  }
0x81: {  	_ =	shalt  }
0x82: {  	_ =	shalt  }
0x83: {  	_ =	shalt  }
0x84: {  	_ =	shalt  }
0x85: {  	_ =	shalt  }
0x86: {  	_ =	shalt  }
0x87: {  	_ =	shalt  }
.Lfunc_end0:
.L_simem_size_0:
called_computation_lowered:
.L_overlay_start_0:
0x88: {  	s2 =	sld [smem:$0x3FD9]  }
0x89: {  	s3 =	sld [smem:$0x3FFE];
	_ =	sdelay $0x1  }
0x8a: {  	s1 =	srdreg.scid  }
0x8b: {  	s0 =	sand.u32 $0x1, s1  }
0x8c: {  	s17 =	sshll.u32 s0, $0xA;
	s2 =	sadd.s32 s3, s2  }
0x8d: {  	s2 =	sadd.s32 s2, s17  }
0x8e: {  	[smem:$0x3FB7] =	sst s2  }
0x8f: {  	_ = 	snop  }
0x90: {  	s2 =	sld [smem:$0x3FC9];
	(tm) =	ssettm $0x1  }
0x91: {  	s18 =	sld [smem:$0x3FFB];
	_ =	sdelay $0x3  }
0x92: {  	_ =	strace s18  }
0x93: {  	s3 =	sld [smem:$0x3FFC];
	_ =	sdelay $0x3  }
0x94: {  	_ =	strace s3  }
0x95: {  	s3 =	sld [smem:$0x3FFD];
	_ =	sdelay $0x3  }
0x96: {  	_ =	strace s3  }
0x97: {  	_ =	strace $0x8FFFFFFF  }
0x98: {  	s19 =	sld [smem:$0x3FDB];
	_ =	sdelay $0x1  }
0x99: {  	s4 =	simm.s32 $_scs_section_size  }
0x9a: {  	s5 =	simm.s32 $_size__tile_overlayer_lowered;
	s6 =	simm.s32 $_tile_overlayer_lowered  }
0x9b: {  	s22 =	simm.s32 $0x1BFF;
	s21 =	sshll.u32 s6, $0x1;
	s3 =	sadd.s32 s4, s19  }
0x9c: {  	s7 =	simm.s32 $0x0;
	s20 =	sshll.u32 s5, $0x1;
	s5 =	sadd.s32 s21, s3  }
0x9d: {  	[timem:s7], [sflag:s22] =	dma.local [hbm:s5], s20  }
0x9e: {  	_ =	swait.ge [sflag:s22], s20  }
0x9f: {  	s4 =	ssub.s32 $0x0, s20;
	[sflag:s22] =	ssyncset.done $0x0  }
0xa0: {  	[sflag:s22] =	ssyncadd.s32 s4;
	_ =	sdelay $0x1  }
0xa1: {  	s23 =	simm.s32 $0x1B8B  }
0xa2: {  	_ =	swait.ge [sflag:s23], $0x1  }
0xa3: {  	[sflag:s23] =	ssyncset.done $0x0  }
0xa4: {  	s25 =	simm.s32 $0x1B8E;
	s24 =	sld [smem:$0x3FFE];
	[sflag:s23] =	ssyncadd.s32 $0xFFFFFFFF  }
0xa5: {  	s26 =	simm.s32 $execute0_lowered;
	[smem:$0x3FD2] =	sst s25  }
0xa6: {  	s5 =	sshll.u32 s26, $0x1;
	_ =	strace $0x80000046;
	[dreg:$0x1] =	wrdreg $0xFFFFFFFF  }
0xa7: {  	s28 =	simm.s32 $_size_execute0_lowered;
	s3 =	sadd.s32 s3, s5;
	[dreg:$0x0] =	wrdreg $0x0  }
0xa8: {  	s5 =	sshll.u32 s28, $0x1;
	[dreg:$0x2] =	wrdreg s3  }
0xa9: {  	[dreg:$0x3] =	wrdreg s5  }
0xaa: {  	[dreg:$0x4] =	wrdreg $0xC0  }
0xab: {  	_ =	task [dreg:s7], $0x5FFFF  }
0xac: {  	[dreg:$0x1] =	wrdreg $0xFFFFFFFF  }
0xad: {  	[dreg:$0x0] =	wrdreg $0x60  }
0xae: {  	[dreg:$0x2] =	wrdreg s24  }
0xaf: {  	[dreg:$0x3] =	wrdreg s2  }
0xb0: {  	[dreg:$0x4] =	wrdreg $0xA0000  }
0xb1: {  	[dreg:$0x5] =	wrdreg $0x9  }
0xb2: {  	_ =	task.clear_ibuf [dreg:s7], $0x6FFFF;
	_ =	strace $0x90000046  }
0xb3: {  	s29 =	simm.s32 $0x9;
	_ =	strace $0x80000048  }
0xb4: {  	_ =	swait.ge [sflag:s29], $0x1  }
0xb5: {  	[sflag:s29] =	ssyncadd.s32 $0xFFFFFFFF  }
0xb6: {  	_ =	strace $0x90000048  }
0xb7: {  	_ =	sfence  }
0xb8: {  	s30 =	sld [smem:$0x0];
	_ =	sdelay $0x2  }
0xb9: {  	s31 =	sshll.u32 s1, $0xD;
	s1 =	sshrl.u32 s1, $0x2  }
0xba: {  	s3 =	sand.u32 $0x4000, s31;
	s1 =	sadd.s32 s1, s30  }
0xbb: {  	s0 =	sor.u32 s3, s0;
	s1 =	sshll.u32 s1, $0x11  }
0xbc: {  	s0 =	sor.u32 s1, s0  }
0xbd: {  	s0 =	sadd.s32 $0x8F2B, s0  }
0xbe: {  	[sflag:s0] =	ssyncadd.remote.s32 $0x1  }
0xbf: {  	_ =	sfence.sel $0xFFFF  }
0xc0: {  	[dreg:$0x0] =	wrdreg $0xFFFFFFFF;
	(pc) =	sbr.abs _section_cstart, $3  }
0xc1: {  	[dreg:$0x1] =	wrdreg $0xFFFFFFFF  }
0xc2: {  	_ =	task.clear_ibuf [dreg:s7], $0x2FFFF;
	_ =	strace $0x9FFFFFFF  }
0xc3: {  	(tm) =	ssettm $0x7FFFFFFF  }
tec
execute0_lowered:
.L_overlay_start_1:
0x0: {  	(tag) =	ssettag $0x1  }
0x1: {  	s8 =	rddreg [dreg:$0x0]  }
0x2: {  	s1 =	rddreg [dreg:$0x1]  }
0x3: {  	s2 =	rddreg [dreg:$0x2];
	s4 =	simm.s32 $0x0  }
0x4: {  	s5 =	srdreg.scid;
	s0 =	stileid.u32;
	s20 =	simm.s32 $0x6000  }
0x5: {  	s21 =	simm.s32 $0x1;
	[smem:$0x7FF] =	sst s4;
	s9 =	sand.u32 $0x1, s5  }
0x6: {  	s5 =	sadd.s32 $0xB400, s8;
	s11 =	smul.u32 $0x50000, s0;
	s6 =	sadd.s32 $0x1400, s8  }
0x7: {  	s3 =	sadd.s32 $0x15400, s8;
	s13 =	sadd.s32 $0x17C00, s8;
	s24 =	smul.u32 $0x5000, s0  }
0x8: {  	s23 =	sshll.u32 s0, $0x6;
	s8 =	simm.s32 $0x8;
	s26 =	smul.u32 $0x13800, s0  }
0x9: {  	s19 =	smul.u32 $0x4E000, s0;
	_ =	strace $0x80000047;
	s10 =	ssub.s32 $0x2, s9  }
0xa: {  	[dreg:$0x5] =	wrdreg s3;
	p0 =	seq.s32 s9, $0x0;
	s16 =	smul.u32 $0x138800, s9  }
0xb: {  	s25 =	sshll.u32 s9, $0xE;
	s9 =	sor.u32 $0x1C04, s23;
	s23 =	sadd.s32 $0x124800, s2  }
0xc: {  	s12 =	sshrl.u32 s10, $0x1;
	s22 =	sshrl.u32 s11, $0x2;
	s17 =	sadd.s32 s25, s24  }
0xd: {  	s8 =	simm.s32 @!p0 $0x2;
	s30 =	sshrl.u32 s19, $0x2;
	s19 =	simm.s32 $0x2000  }
0xe: {  	p0 =	seq.s32 s0, $0xF;
	s25 =	simm.s32 $0x0;
	s14 =	ssub.s32 s10, s12  }
0xf: {  	s15 =	sadd.s32 s22, s2;
	s12 =	sshrl.u32 s17, $0x3;
	s18 =	sadd.s32 s26, s16  }
0x10: {  	s16 =	sshrl.u32 s16, $0x3;
	s24 =	sadd.s32 s30, s2;
	s31 =	sor.u32 $0x800, s17  }
0x11: {  	s22 =	simm.s32 $0x2;
	s23 =	sshrl.u32 @p0 s23, $0x3;
	s28 =	sadd.s32 s5, s12  }
0x12: {  	s11 =	sadd.s32 s6, s12;
	s29 =	sshrl.u32 s18, $0x3;
	s14 =	smax.u32 s14, $0x1  }
0x13: {  	[dreg:$0x4] =	wrdreg s31;
	s15 =	sshrl.u32 s15, $0x3;
	s18 =	simm.s32 $0x80  }
0x14: {  	s24 =	sshrl.u32 @!p0 s24, $0x3;
	s12 =	sadd.s32 s13, s29;
	s13 =	sadd.s32 s13, s16  }
0x15: {  	[dreg:$0x6] =	wrdreg s28;
	s16 =	simm.s32 $0x4;
	s13 =	sadd.s32 $0x24900, s13  }
.LBB2_1:
0x16: {  	s0 =	rddreg [dreg:$0x5]  }
0x17: {  	[spmem:s15], [sflag:s9] =	dma.local [hbm:s0], $0x2800  }
0x18: {  	_ =	swait.ge [sflag:s16], $0x2800  }
0x19: {  	[sflag:s16] =	ssyncset.done $0x0  }
0x1a: {  	s26 =	rddreg [dreg:$0x6];
	[sflag:s16] =	ssyncadd.s32 $0xFFFFD800  }
0x1b: {  	[tilespmem:s4], [sflag:$0x4] =	stream.linear.gather [hbm4b:s26+s4], $0x800, $0x38;
	[tilespmem:$0x1E000] =	vst v63  }
0x1c: {  	_ =	swait.ge [sflag:s16], $0x800  }
0x1d: {  	[sflag:s16] =	ssyncset.done $0x0  }
0x1e: {  	s30 =	simm.s32 $0x1000;
	[sflag:s16] =	ssyncadd.s32 $0xFFFFF800  }
0x1f: {  	[tilespmem:s30], [sflag:$0x4] =	stream.linear.gather [hbm4b:s11+s4], $0x800, $0x38;
	[tilespmem:$0x1E000] =	vst v63  }
0x20: {  	_ =	swait.ge [sflag:s16], $0x800  }
0x21: {  	[sflag:s16] =	ssyncset.done $0x0  }
0x22: {  	[sflag:s16] =	ssyncadd.s32 $0xFFFFF800  }
0x23: {  	[bflag:$0x0] =	sbarrier.arrive $0xFFFF  }
0x24: {  	[tilespmem:s19], [sflag:$0x1] =	stream.indirect.gather [hbm4b:s1+s18], $0x80, s4, s18, $0xb8;
	[tilespmem:$0x1E000] =	vst v63  }
0x25: {  	p2 =	sle.u32 s8, $0x1;
	s28 =	rddreg [dreg:$0x4]  }
0x26: {  	s26 =	simm.s32 $0x1;
	s28 =	sadd.s32 @!p2 $0x0, s28  }
0x27: {  	[tilespmem:s20], [sflag:$0x2] =	stream.indirect.gather [hbm4b:s1+s18], $0x80, s18, s18, $0xb8;
	[tilespmem:$0x1E000] =	vst v63  }
0x28: {  	s29 =	sand.u32 $0x1, s26;
	s30 =	sshrl.u32 @!p2 s28, $0x3  }
0x29: {  	s31 =	simm.s32 @!p2 $0x0;
	s28 =	sshll.u32 @!p2 s29, $0xB;
	s29 =	sadd.s32 @!p2 s5, s30  }
0x2a: {  	[tilespmem:s28], [sflag:$0x3] =	stream.linear.gather @!p2 [hbm4b:s29+s31], $0x800, $0x38;
	[tilespmem:$0x1E000] =	vst v63  }
0x2b: {  	s30 =	sadd.s32 @!p2 s6, s30;
	s29 =	sor.u32 @!p2 $0x1000, s28  }
0x2c: {  	[tilespmem:s29], [sflag:$0x3] =	stream.linear.gather @!p2 [hbm4b:s30+s31], $0x800, $0x38;
	[tilespmem:$0x1E000] =	vst v63  }
0x2d: {  	_ =	swait.ge [sflag:s21], $0x4000  }
0x2e: {  	s29 =	sand.u32 $0x800, s4;
	[sflag:s21] =	ssyncset.done $0x0  }
0x2f: {  	s0 =	sor.u32 $0x1000, s29;
	[sflag:s21] =	ssyncadd.s32 $0xFFFFC000  }
0x30: {  	[spmem:s2] =	stream.indirect.scatter.add.f32 [tilespmem:s19], [sflag:$0x4], $0x80, s0, s18, $0xb8;
	[tilespmem:$0x1E000] =	vst v63  }
0x31: {  	_ =	swait.ge [sflag:s16], $0x4000  }
0x32: {  	[sflag:s16] =	ssyncset.done $0x0  }
0x33: {  	s3 =	sor.u32 $0x100, s29;
	[sflag:s16] =	ssyncadd.s32 $0xFFFFC000  }
0x34: {  	[tilespmem:s19], [sflag:$0x1] =	stream.indirect.gather [hbm4b:s1+s18], $0x80, s3, s18, $0xb8;
	[tilespmem:$0x1E000] =	vst v63  }
0x35: {  	_ =	swait.ge [sflag:s22], $0x4000  }
0x36: {  	[sflag:s22] =	ssyncset.done $0x0  }
0x37: {  	s7 =	sor.u32 $0x1080, s29;
	[sflag:s22] =	ssyncadd.s32 $0xFFFFC000  }
0x38: {  	[spmem:s2] =	stream.indirect.scatter.add.f32 [tilespmem:s20], [sflag:$0x4], $0x80, s7, s18, $0xb8;
	[tilespmem:$0x1E000] =	vst v63  }
0x39: {  	_ =	swait.ge [sflag:s16], $0x4000  }
0x3a: {  	[sflag:s16] =	ssyncset.done $0x0  }
0x3b: {  	s10 =	sor.u32 $0x180, s29;
	[sflag:s16] =	ssyncadd.s32 $0xFFFFC000  }
0x3c: {  	[tilespmem:s20], [sflag:$0x2] =	stream.indirect.gather [hbm4b:s1+s18], $0x80, s10, s18, $0xb8;
	[tilespmem:$0x1E000] =	vst v63  }
0x3d: {  	_ =	swait.ge [sflag:s21], $0x4000  }
0x3e: {  	[sflag:s21] =	ssyncset.done $0x0  }
0x3f: {  	s17 =	sor.u32 $0x1100, s29;
	[sflag:s21] =	ssyncadd.s32 $0xFFFFC000  }
0x40: {  	[spmem:s2] =	stream.indirect.scatter.add.f32 [tilespmem:s19], [sflag:$0x4], $0x80, s17, s18, $0xb8;
	[tilespmem:$0x1E000] =	vst v63  }
0x41: {  	_ =	swait.ge [sflag:s16], $0x4000  }
0x42: {  	[sflag:s16] =	ssyncset.done $0x0  }
0x43: {  	s0 =	sor.u32 $0x200, s29;
	[sflag:s16] =	ssyncadd.s32 $0xFFFFC000  }
0x44: {  	[tilespmem:s19], [sflag:$0x1] =	stream.indirect.gather [hbm4b:s1+s18], $0x80, s0, s18, $0xb8;
	[tilespmem:$0x1E000] =	vst v63  }
0x45: {  	_ =	swait.ge [sflag:s22], $0x4000  }
0x46: {  	[sflag:s22] =	ssyncset.done $0x0  }
0x47: {  	s3 =	sor.u32 $0x1180, s29;
	[sflag:s22] =	ssyncadd.s32 $0xFFFFC000  }
0x48: {  	[spmem:s2] =	stream.indirect.scatter.add.f32 [tilespmem:s20], [sflag:$0x4], $0x80, s3, s18, $0xb8;
	[tilespmem:$0x1E000] =	vst v63  }
0x49: {  	_ =	swait.ge [sflag:s16], $0x4000  }
0x4a: {  	[sflag:s16] =	ssyncset.done $0x0  }
0x4b: {  	s7 =	sor.u32 $0x280, s29;
	[sflag:s16] =	ssyncadd.s32 $0xFFFFC000  }
0x4c: {  	[tilespmem:s20], [sflag:$0x2] =	stream.indirect.gather [hbm4b:s1+s18], $0x80, s7, s18, $0xb8;
	[tilespmem:$0x1E000] =	vst v63  }
0x4d: {  	_ =	swait.ge [sflag:s21], $0x4000  }
0x4e: {  	[sflag:s21] =	ssyncset.done $0x0  }
0x4f: {  	s10 =	sor.u32 $0x1200, s29;
	[sflag:s21] =	ssyncadd.s32 $0xFFFFC000  }
0x50: {  	[spmem:s2] =	stream.indirect.scatter.add.f32 [tilespmem:s19], [sflag:$0x4], $0x80, s10, s18, $0xb8;
	[tilespmem:$0x1E000] =	vst v63  }
0x51: {  	_ =	swait.ge [sflag:s16], $0x4000  }
0x52: {  	[sflag:s16] =	ssyncset.done $0x0  }
0x53: {  	s17 =	sor.u32 $0x300, s29;
	[sflag:s16] =	ssyncadd.s32 $0xFFFFC000  }
0x54: {  	[tilespmem:s19], [sflag:$0x1] =	stream.indirect.gather [hbm4b:s1+s18], $0x80, s17, s18, $0xb8;
	[tilespmem:$0x1E000] =	vst v63  }
0x55: {  	_ =	swait.ge [sflag:s22], $0x4000  }
0x56: {  	[sflag:s22] =	ssyncset.done $0x0  }
0x57: {  	s0 =	sor.u32 $0x1280, s29;
	[sflag:s22] =	ssyncadd.s32 $0xFFFFC000  }
0x58: {  	[spmem:s2] =	stream.indirect.scatter.add.f32 [tilespmem:s20], [sflag:$0x4], $0x80, s0, s18, $0xb8;
	[tilespmem:$0x1E000] =	vst v63  }
0x59: {  	_ =	swait.ge [sflag:s16], $0x4000  }
0x5a: {  	[sflag:s16] =	ssyncset.done $0x0  }
0x5b: {  	s3 =	sor.u32 $0x380, s29;
	[sflag:s16] =	ssyncadd.s32 $0xFFFFC000  }
0x5c: {  	[tilespmem:s20], [sflag:$0x2] =	stream.indirect.gather [hbm4b:s1+s18], $0x80, s3, s18, $0xb8;
	[tilespmem:$0x1E000] =	vst v63  }
0x5d: {  	_ =	swait.ge [sflag:s21], $0x4000  }
0x5e: {  	[sflag:s21] =	ssyncset.done $0x0  }
0x5f: {  	s7 =	sor.u32 $0x1300, s29;
	[sflag:s21] =	ssyncadd.s32 $0xFFFFC000  }
0x60: {  	[spmem:s2] =	stream.indirect.scatter.add.f32 [tilespmem:s19], [sflag:$0x4], $0x80, s7, s18, $0xb8;
	[tilespmem:$0x1E000] =	vst v63  }
0x61: {  	_ =	swait.ge [sflag:s16], $0x4000  }
0x62: {  	[sflag:s16] =	ssyncset.done $0x0  }
0x63: {  	s10 =	sor.u32 $0x400, s29;
	[sflag:s16] =	ssyncadd.s32 $0xFFFFC000  }
0x64: {  	[tilespmem:s19], [sflag:$0x1] =	stream.indirect.gather [hbm4b:s1+s18], $0x80, s10, s18, $0xb8;
	[tilespmem:$0x1E000] =	vst v63  }
0x65: {  	_ =	swait.ge [sflag:s22], $0x4000  }
0x66: {  	[sflag:s22] =	ssyncset.done $0x0  }
0x67: {  	s17 =	sor.u32 $0x1380, s29;
	[sflag:s22] =	ssyncadd.s32 $0xFFFFC000  }
0x68: {  	[spmem:s2] =	stream.indirect.scatter.add.f32 [tilespmem:s20], [sflag:$0x4], $0x80, s17, s18, $0xb8;
	[tilespmem:$0x1E000] =	vst v63  }
0x69: {  	_ =	swait.ge [sflag:s16], $0x4000  }
0x6a: {  	[sflag:s16] =	ssyncset.done $0x0  }
0x6b: {  	s0 =	sor.u32 $0x480, s29;
	[sflag:s16] =	ssyncadd.s32 $0xFFFFC000  }
0x6c: {  	[tilespmem:s20], [sflag:$0x2] =	stream.indirect.gather [hbm4b:s1+s18], $0x80, s0, s18, $0xb8;
	[tilespmem:$0x1E000] =	vst v63  }
0x6d: {  	_ =	swait.ge [sflag:s21], $0x4000  }
0x6e: {  	[sflag:s21] =	ssyncset.done $0x0  }
0x6f: {  	s3 =	sor.u32 $0x1400, s29;
	[sflag:s21] =	ssyncadd.s32 $0xFFFFC000  }
0x70: {  	[spmem:s2] =	stream.indirect.scatter.add.f32 [tilespmem:s19], [sflag:$0x4], $0x80, s3, s18, $0xb8;
	[tilespmem:$0x1E000] =	vst v63  }
0x71: {  	_ =	swait.ge [sflag:s16], $0x4000  }
0x72: {  	[sflag:s16] =	ssyncset.done $0x0  }
0x73: {  	s7 =	sor.u32 $0x500, s29;
	[sflag:s16] =	ssyncadd.s32 $0xFFFFC000  }
0x74: {  	[tilespmem:s19], [sflag:$0x1] =	stream.indirect.gather [hbm4b:s1+s18], $0x80, s7, s18, $0xb8;
	[tilespmem:$0x1E000] =	vst v63  }
0x75: {  	_ =	swait.ge [sflag:s22], $0x4000  }
0x76: {  	[sflag:s22] =	ssyncset.done $0x0  }
0x77: {  	s10 =	sor.u32 $0x1480, s29;
	[sflag:s22] =	ssyncadd.s32 $0xFFFFC000  }
0x78: {  	[spmem:s2] =	stream.indirect.scatter.add.f32 [tilespmem:s20], [sflag:$0x4], $0x80, s10, s18, $0xb8;
	[tilespmem:$0x1E000] =	vst v63  }
0x79: {  	_ =	swait.ge [sflag:s16], $0x4000  }
0x7a: {  	[sflag:s16] =	ssyncset.done $0x0  }
0x7b: {  	s17 =	sor.u32 $0x580, s29;
	[sflag:s16] =	ssyncadd.s32 $0xFFFFC000  }
0x7c: {  	[tilespmem:s20], [sflag:$0x2] =	stream.indirect.gather [hbm4b:s1+s18], $0x80, s17, s18, $0xb8;
	[tilespmem:$0x1E000] =	vst v63  }
0x7d: {  	_ =	swait.ge [sflag:s21], $0x4000  }
0x7e: {  	[sflag:s21] =	ssyncset.done $0x0  }
0x7f: {  	s0 =	sor.u32 $0x1500, s29;
	[sflag:s21] =	ssyncadd.s32 $0xFFFFC000  }
0x80: {  	[spmem:s2] =	stream.indirect.scatter.add.f32 [tilespmem:s19], [sflag:$0x4], $0x80, s0, s18, $0xb8;
	[tilespmem:$0x1E000] =	vst v63  }
0x81: {  	_ =	swait.ge [sflag:s16], $0x4000  }
0x82: {  	[sflag:s16] =	ssyncset.done $0x0  }
0x83: {  	s3 =	sor.u32 $0x600, s29;
	[sflag:s16] =	ssyncadd.s32 $0xFFFFC000  }
0x84: {  	[tilespmem:s19], [sflag:$0x1] =	stream.indirect.gather [hbm4b:s1+s18], $0x80, s3, s18, $0xb8;
	[tilespmem:$0x1E000] =	vst v63  }
0x85: {  	_ =	swait.ge [sflag:s22], $0x4000  }
0x86: {  	[sflag:s22] =	ssyncset.done $0x0  }
0x87: {  	s7 =	sor.u32 $0x1580, s29;
	[sflag:s22] =	ssyncadd.s32 $0xFFFFC000  }
0x88: {  	[spmem:s2] =	stream.indirect.scatter.add.f32 [tilespmem:s20], [sflag:$0x4], $0x80, s7, s18, $0xb8;
	[tilespmem:$0x1E000] =	vst v63  }
0x89: {  	_ =	swait.ge [sflag:s16], $0x4000  }
0x8a: {  	[sflag:s16] =	ssyncset.done $0x0  }
0x8b: {  	s10 =	sor.u32 $0x680, s29;
	[sflag:s16] =	ssyncadd.s32 $0xFFFFC000  }
0x8c: {  	[tilespmem:s20], [sflag:$0x2] =	stream.indirect.gather [hbm4b:s1+s18], $0x80, s10, s18, $0xb8;
	[tilespmem:$0x1E000] =	vst v63  }
0x8d: {  	_ =	swait.ge [sflag:s21], $0x4000  }
0x8e: {  	[sflag:s21] =	ssyncset.done $0x0  }
0x8f: {  	s17 =	sor.u32 $0x1600, s29;
	[sflag:s21] =	ssyncadd.s32 $0xFFFFC000  }
0x90: {  	[spmem:s2] =	stream.indirect.scatter.add.f32 [tilespmem:s19], [sflag:$0x4], $0x80, s17, s18, $0xb8;
	[tilespmem:$0x1E000] =	vst v63  }
0x91: {  	_ =	swait.ge [sflag:s16], $0x4000  }
0x92: {  	[sflag:s16] =	ssyncset.done $0x0  }
0x93: {  	s30 =	sor.u32 $0x700, s29;
	[sflag:s16] =	ssyncadd.s32 $0xFFFFC000  }
0x94: {  	[tilespmem:s19], [sflag:$0x1] =	stream.indirect.gather [hbm4b:s1+s18], $0x80, s30, s18, $0xb8;
	[tilespmem:$0x1E000] =	vst v63  }
0x95: {  	_ =	swait.ge [sflag:s22], $0x4000  }
0x96: {  	[sflag:s22] =	ssyncset.done $0x0  }
0x97: {  	s31 =	sor.u32 $0x1680, s29;
	[sflag:s22] =	ssyncadd.s32 $0xFFFFC000  }
0x98: {  	[spmem:s2] =	stream.indirect.scatter.add.f32 [tilespmem:s20], [sflag:$0x4], $0x80, s31, s18, $0xb8;
	[tilespmem:$0x1E000] =	vst v63  }
0x99: {  	_ =	swait.ge [sflag:s16], $0x4000  }
0x9a: {  	p1 =	por p2, p2;
	[sflag:s16] =	ssyncset.done $0x0  }
0x9b: {  	s29 =	sor.u32 $0x780, s29;
	s31 =	simm.s32 @p1 $0x1;
	[sflag:s16] =	ssyncadd.s32 $0xFFFFC000  }
0x9c: {  	[tilespmem:s20], [sflag:$0x2] =	stream.indirect.gather [hbm4b:s1+s18], $0x80, s29, s18, $0xb8;
	[tilespmem:$0x1E000] =	vst v63  }
0x9d: {  	_ =	swait.ge @p1 [sflag:s31], $0x4000  }
0x9e: {  	s0 =	sor.u32 @p1 $0x1000, s30;
	[sflag:s31] =	ssyncset.done @p1 $0x0  }
0x9f: {  	s3 =	simm.s32 @p1 $0x2000;
	[sflag:s31] =	ssyncadd.s32 @p1 $0xFFFFC000;
	s31 =	simm.s32 @p1 $0x80  }
0xa0: {  	[spmem:s2] =	stream.indirect.scatter.add.f32 @p1 [tilespmem:s3], [sflag:$0x4], $0x80, s0, s31, $0xb8;
	[tilespmem:$0x1E000] =	vst v63  }
0xa1: {  	s0 =	simm.s32 @p1 $0x4  }
0xa2: {  	_ =	swait.ge @p1 [sflag:s0], $0x4000  }
0xa3: {  	[sflag:s0] =	ssyncset.done @p1 $0x0  }
0xa4: {  	[sflag:s0] =	ssyncadd.s32 @p1 $0xFFFFC000;
	s0 =	simm.s32 @!p1 $0x3  }
0xa5: {  	_ =	swait.ge @!p1 [sflag:s0], $0x800  }
0xa6: {  	[sflag:s0] =	ssyncset.done @!p1 $0x0  }
0xa7: {  	[sflag:s0] =	ssyncadd.s32 @!p1 $0xFFFFF800  }
0xa8: {  	_ =	swait.ge @!p1 [sflag:s0], $0x800  }
0xa9: {  	[sflag:s0] =	ssyncset.done @!p1 $0x0  }
0xaa: {  	[sflag:s0] =	ssyncadd.s32 @!p1 $0xFFFFF800;
	s0 =	simm.s32 @!p1 $0x1  }
0xab: {  	_ =	swait.ge @!p1 [sflag:s0], $0x4000  }
0xac: {  	s3 =	sor.u32 @!p1 $0x1000, s30;
	[sflag:s0] =	ssyncset.done @!p1 $0x0  }
0xad: {  	s31 =	simm.s32 @!p1 $0x80;
	[sflag:s0] =	ssyncadd.s32 @!p1 $0xFFFFC000;
	s0 =	simm.s32 @!p1 $0x2000  }
0xae: {  	[spmem:s2] =	stream.indirect.scatter.add.f32 @!p1 [tilespmem:s0], [sflag:$0x4], $0x80, s3, s31, $0xb8;
	[tilespmem:$0x1E000] =	vst v63  }
0xaf: {  	s3 =	simm.s32 @!p1 $0x4  }
0xb0: {  	_ =	swait.ge @!p1 [sflag:s3], $0x4000  }
0xb1: {  	[sflag:s3] =	ssyncset.done @!p1 $0x0  }
0xb2: {  	p3 =	sne.s32 s8, $0x1;
	[sflag:s3] =	ssyncadd.s32 @!p1 $0xFFFFC000  }
0xb3: {  	[tilespmem:s0], [sflag:$0x1] =	stream.indirect.gather @!p1 [hbm4b:s1+s31], $0x80, s28, s31, $0xb8;
	[tilespmem:$0x1E000] =	vst v63  }
.Ltmp0:
0xb4: {  	_ =	swait.ge [sflag:s22], $0x4000;
	(pc) =	sbr.rel @!p3 .LBB2_3-.Ltmp0, $4  }
0xb5: {  	[sflag:s22] =	ssyncset.done $0x0  }
0xb6: {  	s30 =	sor.u32 $0x1000, s29;
	[sflag:s22] =	ssyncadd.s32 $0xFFFFC000  }
0xb7: {  	[spmem:s2] =	stream.indirect.scatter.add.f32 [tilespmem:s20], [sflag:$0x4], $0x80, s30, s18, $0xb8;
	[tilespmem:$0x1E000] =	vst v63  }
0xb8: {  	s29 =	sor.u32 @!p2 $0x80, s28;
	s28 =	simm.s32 $0x0;
	_ =	swait.ge [sflag:s16], $0x4000  }
.LBB2_2:
0xb9: {  	s26 =	sadd.s32 $0x1, s26;
	s0 =	rddreg [dreg:$0x4]  }
0xba: {  	[sflag:s16] =	ssyncset.done $0x0;
	s28 =	sadd.s32 $0x800, s28;
	p3 =	sge.u32 s26, s8  }
0xbb: {  	s30 =	simm.s32 @!p1 $0x6000;
	[sflag:s16] =	ssyncadd.s32 $0xFFFFC000;
	s0 =	sadd.s32 @!p3 s28, s0  }
0xbc: {  	[tilespmem:s30], [sflag:$0x2] =	stream.indirect.gather @!p1 [hbm4b:s1+s31], $0x80, s29, s31, $0xb8;
	[tilespmem:$0x1E000] =	vst v63  }
0xbd: {  	s3 =	sand.u32 $0x1, s26;
	s0 =	sshrl.u32 @!p3 s0, $0x3  }
0xbe: {  	s30 =	sshll.u32 @!p3 s3, $0xB;
	s31 =	simm.s32 @!p3 $0x0;
	s3 =	sadd.s32 @!p3 s5, s0  }
0xbf: {  	[tilespmem:s30], [sflag:$0x3] =	stream.linear.gather @!p3 [hbm4b:s3+s31], $0x800, $0x38;
	[tilespmem:$0x1E000] =	vst v63  }
0xc0: {  	s0 =	sadd.s32 @!p3 s6, s0;
	s3 =	sor.u32 @!p3 $0x1000, s30  }
0xc1: {  	[tilespmem:s3], [sflag:$0x3] =	stream.linear.gather @!p3 [hbm4b:s0+s31], $0x800, $0x38;
	[tilespmem:$0x1E000] =	vst v63  }
0xc2: {  	_ =	swait.ge [sflag:s21], $0x4000  }
0xc3: {  	s31 =	sand.u32 $0x800, s28;
	[sflag:s21] =	ssyncset.done $0x0  }
0xc4: {  	s17 =	sor.u32 $0x1000, s31;
	[sflag:s21] =	ssyncadd.s32 $0xFFFFC000  }
0xc5: {  	[spmem:s2] =	stream.indirect.scatter.add.f32 [tilespmem:s19], [sflag:$0x4], $0x80, s17, s18, $0xb8;
	[tilespmem:$0x1E000] =	vst v63  }
0xc6: {  	_ =	swait.ge [sflag:s16], $0x4000  }
0xc7: {  	[sflag:s16] =	ssyncset.done $0x0  }
0xc8: {  	s3 =	sor.u32 $0x100, s31;
	[sflag:s16] =	ssyncadd.s32 $0xFFFFC000  }
0xc9: {  	[tilespmem:s19], [sflag:$0x1] =	stream.indirect.gather [hbm4b:s1+s18], $0x80, s3, s18, $0xb8;
	[tilespmem:$0x1E000] =	vst v63  }
0xca: {  	_ =	swait.ge [sflag:s22], $0x4000  }
0xcb: {  	[sflag:s22] =	ssyncset.done $0x0  }
0xcc: {  	s7 =	sor.u32 $0x1080, s31;
	[sflag:s22] =	ssyncadd.s32 $0xFFFFC000  }
0xcd: {  	[spmem:s2] =	stream.indirect.scatter.add.f32 [tilespmem:s20], [sflag:$0x4], $0x80, s7, s18, $0xb8;
	[tilespmem:$0x1E000] =	vst v63  }
0xce: {  	_ =	swait.ge [sflag:s16], $0x4000  }
0xcf: {  	[sflag:s16] =	ssyncset.done $0x0  }
0xd0: {  	s10 =	sor.u32 $0x180, s31;
	[sflag:s16] =	ssyncadd.s32 $0xFFFFC000  }
0xd1: {  	[tilespmem:s20], [sflag:$0x2] =	stream.indirect.gather [hbm4b:s1+s18], $0x80, s10, s18, $0xb8;
	[tilespmem:$0x1E000] =	vst v63  }
0xd2: {  	_ =	swait.ge [sflag:s21], $0x4000  }
0xd3: {  	[sflag:s21] =	ssyncset.done $0x0  }
0xd4: {  	s17 =	sor.u32 $0x1100, s31;
	[sflag:s21] =	ssyncadd.s32 $0xFFFFC000  }
0xd5: {  	[spmem:s2] =	stream.indirect.scatter.add.f32 [tilespmem:s19], [sflag:$0x4], $0x80, s17, s18, $0xb8;
	[tilespmem:$0x1E000] =	vst v63  }
0xd6: {  	_ =	swait.ge [sflag:s16], $0x4000  }
0xd7: {  	[sflag:s16] =	ssyncset.done $0x0  }
0xd8: {  	s3 =	sor.u32 $0x200, s31;
	[sflag:s16] =	ssyncadd.s32 $0xFFFFC000  }
0xd9: {  	[tilespmem:s19], [sflag:$0x1] =	stream.indirect.gather [hbm4b:s1+s18], $0x80, s3, s18, $0xb8;
	[tilespmem:$0x1E000] =	vst v63  }
0xda: {  	_ =	swait.ge [sflag:s22], $0x4000  }
0xdb: {  	[sflag:s22] =	ssyncset.done $0x0  }
0xdc: {  	s7 =	sor.u32 $0x1180, s31;
	[sflag:s22] =	ssyncadd.s32 $0xFFFFC000  }
0xdd: {  	[spmem:s2] =	stream.indirect.scatter.add.f32 [tilespmem:s20], [sflag:$0x4], $0x80, s7, s18, $0xb8;
	[tilespmem:$0x1E000] =	vst v63  }
0xde: {  	_ =	swait.ge [sflag:s16], $0x4000  }
0xdf: {  	[sflag:s16] =	ssyncset.done $0x0  }
0xe0: {  	s10 =	sor.u32 $0x280, s31;
	[sflag:s16] =	ssyncadd.s32 $0xFFFFC000  }
0xe1: {  	[tilespmem:s20], [sflag:$0x2] =	stream.indirect.gather [hbm4b:s1+s18], $0x80, s10, s18, $0xb8;
	[tilespmem:$0x1E000] =	vst v63  }
0xe2: {  	_ =	swait.ge [sflag:s21], $0x4000  }
0xe3: {  	[sflag:s21] =	ssyncset.done $0x0  }
0xe4: {  	s17 =	sor.u32 $0x1200, s31;
	[sflag:s21] =	ssyncadd.s32 $0xFFFFC000  }
0xe5: {  	[spmem:s2] =	stream.indirect.scatter.add.f32 [tilespmem:s19], [sflag:$0x4], $0x80, s17, s18, $0xb8;
	[tilespmem:$0x1E000] =	vst v63  }
0xe6: {  	_ =	swait.ge [sflag:s16], $0x4000  }
0xe7: {  	[sflag:s16] =	ssyncset.done $0x0  }
0xe8: {  	s3 =	sor.u32 $0x300, s31;
	[sflag:s16] =	ssyncadd.s32 $0xFFFFC000  }
0xe9: {  	[tilespmem:s19], [sflag:$0x1] =	stream.indirect.gather [hbm4b:s1+s18], $0x80, s3, s18, $0xb8;
	[tilespmem:$0x1E000] =	vst v63  }
0xea: {  	_ =	swait.ge [sflag:s22], $0x4000  }
0xeb: {  	[sflag:s22] =	ssyncset.done $0x0  }
0xec: {  	s7 =	sor.u32 $0x1280, s31;
	[sflag:s22] =	ssyncadd.s32 $0xFFFFC000  }
0xed: {  	[spmem:s2] =	stream.indirect.scatter.add.f32 [tilespmem:s20], [sflag:$0x4], $0x80, s7, s18, $0xb8;
	[tilespmem:$0x1E000] =	vst v63  }
0xee: {  	_ =	swait.ge [sflag:s16], $0x4000  }
0xef: {  	[sflag:s16] =	ssyncset.done $0x0  }
0xf0: {  	s10 =	sor.u32 $0x380, s31;
	[sflag:s16] =	ssyncadd.s32 $0xFFFFC000  }
0xf1: {  	[tilespmem:s20], [sflag:$0x2] =	stream.indirect.gather [hbm4b:s1+s18], $0x80, s10, s18, $0xb8;
	[tilespmem:$0x1E000] =	vst v63  }
0xf2: {  	_ =	swait.ge [sflag:s21], $0x4000  }
0xf3: {  	[sflag:s21] =	ssyncset.done $0x0  }
0xf4: {  	s17 =	sor.u32 $0x1300, s31;
	[sflag:s21] =	ssyncadd.s32 $0xFFFFC000  }
0xf5: {  	[spmem:s2] =	stream.indirect.scatter.add.f32 [tilespmem:s19], [sflag:$0x4], $0x80, s17, s18, $0xb8;
	[tilespmem:$0x1E000] =	vst v63  }
0xf6: {  	_ =	swait.ge [sflag:s16], $0x4000  }
0xf7: {  	[sflag:s16] =	ssyncset.done $0x0  }
0xf8: {  	s3 =	sor.u32 $0x400, s31;
	[sflag:s16] =	ssyncadd.s32 $0xFFFFC000  }
0xf9: {  	[tilespmem:s19], [sflag:$0x1] =	stream.indirect.gather [hbm4b:s1+s18], $0x80, s3, s18, $0xb8;
	[tilespmem:$0x1E000] =	vst v63  }
0xfa: {  	_ =	swait.ge [sflag:s22], $0x4000  }
0xfb: {  	[sflag:s22] =	ssyncset.done $0x0  }
0xfc: {  	s7 =	sor.u32 $0x1380, s31;
	[sflag:s22] =	ssyncadd.s32 $0xFFFFC000  }
0xfd: {  	[spmem:s2] =	stream.indirect.scatter.add.f32 [tilespmem:s20], [sflag:$0x4], $0x80, s7, s18, $0xb8;
	[tilespmem:$0x1E000] =	vst v63  }
0xfe: {  	_ =	swait.ge [sflag:s16], $0x4000  }
0xff: {  	[sflag:s16] =	ssyncset.done $0x0  }
0x100: {  	s10 =	sor.u32 $0x480, s31;
	[sflag:s16] =	ssyncadd.s32 $0xFFFFC000  }
0x101: {  	[tilespmem:s20], [sflag:$0x2] =	stream.indirect.gather [hbm4b:s1+s18], $0x80, s10, s18, $0xb8;
	[tilespmem:$0x1E000] =	vst v63  }
0x102: {  	_ =	swait.ge [sflag:s21], $0x4000  }
0x103: {  	[sflag:s21] =	ssyncset.done $0x0  }
0x104: {  	s17 =	sor.u32 $0x1400, s31;
	[sflag:s21] =	ssyncadd.s32 $0xFFFFC000  }
0x105: {  	[spmem:s2] =	stream.indirect.scatter.add.f32 [tilespmem:s19], [sflag:$0x4], $0x80, s17, s18, $0xb8;
	[tilespmem:$0x1E000] =	vst v63  }
0x106: {  	_ =	swait.ge [sflag:s16], $0x4000  }
0x107: {  	[sflag:s16] =	ssyncset.done $0x0  }
0x108: {  	s3 =	sor.u32 $0x500, s31;
	[sflag:s16] =	ssyncadd.s32 $0xFFFFC000  }
0x109: {  	[tilespmem:s19], [sflag:$0x1] =	stream.indirect.gather [hbm4b:s1+s18], $0x80, s3, s18, $0xb8;
	[tilespmem:$0x1E000] =	vst v63  }
0x10a: {  	_ =	swait.ge [sflag:s22], $0x4000  }
0x10b: {  	[sflag:s22] =	ssyncset.done $0x0  }
0x10c: {  	s7 =	sor.u32 $0x1480, s31;
	[sflag:s22] =	ssyncadd.s32 $0xFFFFC000  }
0x10d: {  	[spmem:s2] =	stream.indirect.scatter.add.f32 [tilespmem:s20], [sflag:$0x4], $0x80, s7, s18, $0xb8;
	[tilespmem:$0x1E000] =	vst v63  }
0x10e: {  	_ =	swait.ge [sflag:s16], $0x4000  }
0x10f: {  	[sflag:s16] =	ssyncset.done $0x0  }
0x110: {  	s10 =	sor.u32 $0x580, s31;
	[sflag:s16] =	ssyncadd.s32 $0xFFFFC000  }
0x111: {  	[tilespmem:s20], [sflag:$0x2] =	stream.indirect.gather [hbm4b:s1+s18], $0x80, s10, s18, $0xb8;
	[tilespmem:$0x1E000] =	vst v63  }
0x112: {  	_ =	swait.ge [sflag:s21], $0x4000  }
0x113: {  	[sflag:s21] =	ssyncset.done $0x0  }
0x114: {  	s17 =	sor.u32 $0x1500, s31;
	[sflag:s21] =	ssyncadd.s32 $0xFFFFC000  }
0x115: {  	[spmem:s2] =	stream.indirect.scatter.add.f32 [tilespmem:s19], [sflag:$0x4], $0x80, s17, s18, $0xb8;
	[tilespmem:$0x1E000] =	vst v63  }
0x116: {  	_ =	swait.ge [sflag:s16], $0x4000  }
0x117: {  	[sflag:s16] =	ssyncset.done $0x0  }
0x118: {  	s3 =	sor.u32 $0x600, s31;
	[sflag:s16] =	ssyncadd.s32 $0xFFFFC000  }
0x119: {  	[tilespmem:s19], [sflag:$0x1] =	stream.indirect.gather [hbm4b:s1+s18], $0x80, s3, s18, $0xb8;
	[tilespmem:$0x1E000] =	vst v63  }
0x11a: {  	_ =	swait.ge [sflag:s22], $0x4000  }
0x11b: {  	[sflag:s22] =	ssyncset.done $0x0  }
0x11c: {  	s7 =	sor.u32 $0x1580, s31;
	[sflag:s22] =	ssyncadd.s32 $0xFFFFC000  }
0x11d: {  	[spmem:s2] =	stream.indirect.scatter.add.f32 [tilespmem:s20], [sflag:$0x4], $0x80, s7, s18, $0xb8;
	[tilespmem:$0x1E000] =	vst v63  }
0x11e: {  	_ =	swait.ge [sflag:s16], $0x4000  }
0x11f: {  	[sflag:s16] =	ssyncset.done $0x0  }
0x120: {  	s10 =	sor.u32 $0x680, s31;
	[sflag:s16] =	ssyncadd.s32 $0xFFFFC000  }
0x121: {  	[tilespmem:s20], [sflag:$0x2] =	stream.indirect.gather [hbm4b:s1+s18], $0x80, s10, s18, $0xb8;
	[tilespmem:$0x1E000] =	vst v63  }
0x122: {  	_ =	swait.ge [sflag:s21], $0x4000  }
0x123: {  	[sflag:s21] =	ssyncset.done $0x0  }
0x124: {  	s17 =	sor.u32 $0x1600, s31;
	[sflag:s21] =	ssyncadd.s32 $0xFFFFC000  }
0x125: {  	[spmem:s2] =	stream.indirect.scatter.add.f32 [tilespmem:s19], [sflag:$0x4], $0x80, s17, s18, $0xb8;
	[tilespmem:$0x1E000] =	vst v63  }
0x126: {  	_ =	swait.ge [sflag:s16], $0x4000  }
0x127: {  	[sflag:s16] =	ssyncset.done $0x0  }
0x128: {  	s0 =	sor.u32 $0x700, s31;
	[sflag:s16] =	ssyncadd.s32 $0xFFFFC000  }
0x129: {  	[tilespmem:s19], [sflag:$0x1] =	stream.indirect.gather [hbm4b:s1+s18], $0x80, s0, s18, $0xb8;
	[tilespmem:$0x1E000] =	vst v63  }
0x12a: {  	_ =	swait.ge [sflag:s22], $0x4000  }
0x12b: {  	[sflag:s22] =	ssyncset.done $0x0  }
0x12c: {  	s17 =	sor.u32 $0x1680, s31;
	[sflag:s22] =	ssyncadd.s32 $0xFFFFC000  }
0x12d: {  	[spmem:s2] =	stream.indirect.scatter.add.f32 [tilespmem:s20], [sflag:$0x4], $0x80, s17, s18, $0xb8;
	[tilespmem:$0x1E000] =	vst v63  }
0x12e: {  	_ =	swait.ge [sflag:s16], $0x4000  }
0x12f: {  	p1 =	por p3, p3;
	[sflag:s16] =	ssyncset.done $0x0  }
0x130: {  	s17 =	sor.u32 $0x780, s31;
	s31 =	simm.s32 @p1 $0x1;
	[sflag:s16] =	ssyncadd.s32 $0xFFFFC000  }
0x131: {  	[tilespmem:s20], [sflag:$0x2] =	stream.indirect.gather [hbm4b:s1+s18], $0x80, s17, s18, $0xb8;
	[tilespmem:$0x1E000] =	vst v63  }
0x132: {  	_ =	swait.ge @p1 [sflag:s31], $0x4000  }
0x133: {  	s3 =	sor.u32 @p1 $0x1000, s0;
	s7 =	simm.s32 @p1 $0x4;
	[sflag:s31] =	ssyncset.done @p1 $0x0  }
0x134: {  	s10 =	simm.s32 @p1 $0x2000;
	[sflag:s31] =	ssyncadd.s32 @p1 $0xFFFFC000;
	s31 =	simm.s32 @p1 $0x80  }
0x135: {  	[spmem:s2] =	stream.indirect.scatter.add.f32 @p1 [tilespmem:s10], [sflag:$0x4], $0x80, s3, s31, $0xb8;
	[tilespmem:$0x1E000] =	vst v63  }
0x136: {  	_ =	swait.ge @p1 [sflag:s7], $0x4000  }
0x137: {  	[sflag:s7] =	ssyncset.done @p1 $0x0  }
0x138: {  	s3 =	simm.s32 @!p1 $0x3;
	[sflag:s7] =	ssyncadd.s32 @p1 $0xFFFFC000  }
0x139: {  	_ =	swait.ge @!p1 [sflag:s3], $0x800  }
0x13a: {  	[sflag:s3] =	ssyncset.done @!p1 $0x0  }
0x13b: {  	[sflag:s3] =	ssyncadd.s32 @!p1 $0xFFFFF800  }
0x13c: {  	_ =	swait.ge @!p1 [sflag:s3], $0x800  }
0x13d: {  	[sflag:s3] =	ssyncset.done @!p1 $0x0  }
0x13e: {  	[sflag:s3] =	ssyncadd.s32 @!p1 $0xFFFFF800;
	s3 =	simm.s32 @!p1 $0x1  }
0x13f: {  	_ =	swait.ge @!p1 [sflag:s3], $0x4000  }
0x140: {  	s0 =	sor.u32 @!p1 $0x1000, s0;
	s31 =	simm.s32 @!p1 $0x80;
	[sflag:s3] =	ssyncset.done @!p1 $0x0  }
0x141: {  	s7 =	simm.s32 @!p1 $0x4;
	[sflag:s3] =	ssyncadd.s32 @!p1 $0xFFFFC000;
	s3 =	simm.s32 @!p1 $0x2000  }
0x142: {  	[spmem:s2] =	stream.indirect.scatter.add.f32 @!p1 [tilespmem:s3], [sflag:$0x4], $0x80, s0, s31, $0xb8;
	[tilespmem:$0x1E000] =	vst v63  }
0x143: {  	_ =	swait.ge @!p1 [sflag:s7], $0x4000  }
0x144: {  	[sflag:s7] =	ssyncset.done @!p1 $0x0  }
0x145: {  	p2 =	sne.s32 s8, s26;
	[sflag:s7] =	ssyncadd.s32 @!p1 $0xFFFFC000  }
0x146: {  	[tilespmem:s3], [sflag:$0x1] =	stream.indirect.gather @!p1 [hbm4b:s1+s31], $0x80, s30, s31, $0xb8;
	[tilespmem:$0x1E000] =	vst v63  }
.Ltmp1:
0x147: {  	_ =	swait.ge [sflag:s22], $0x4000;
	(pc) =	sbr.rel @p2 .LBB2_2-.Ltmp1, $4  }
0x148: {  	[sflag:s22] =	ssyncset.done $0x0  }
0x149: {  	s29 =	sor.u32 @!p3 $0x80, s30;
	s30 =	sor.u32 $0x1000, s17;
	[sflag:s22] =	ssyncadd.s32 $0xFFFFC000  }
0x14a: {  	[spmem:s2] =	stream.indirect.scatter.add.f32 [tilespmem:s20], [sflag:$0x4], $0x80, s30, s18, $0xb8;
	[tilespmem:$0x1E000] =	vst v63  }
0x14b: {  	_ =	swait.ge [sflag:s16], $0x4000  }
.LBB2_3:
0x14c: {  	[sflag:s16] =	ssyncset.done $0x0  }
0x14d: {  	s0 =	simm.s32 @!p1 $0x6000;
	[sflag:s16] =	ssyncadd.s32 $0xFFFFC000  }
0x14e: {  	[tilespmem:s0], [sflag:$0x2] =	stream.indirect.gather @!p1 [hbm4b:s1+s31], $0x80, s29, s31, $0xb8;
	[tilespmem:$0x1E000] =	vst v63  }
0x14f: {  	s0 =	simm.s32 @p0 $0x4;
	[bflag:$0x0] =	sbarrier.arrive $0xFFFF  }
0x150: {  	[hbm:s13], [sflag:s9] =	dma.local @p0 [spmem:s23], $0x2800  }
0x151: {  	s25 =	sadd.s32 $0x1, s25;
	_ =	swait.ge @p0 [sflag:s0], $0x2800  }
0x152: {  	p1 =	sne.s32 s25, s14;
	[sflag:s0] =	ssyncset.done @p0 $0x0  }
.Ltmp2:
0x153: {  	[sflag:s0] =	ssyncadd.s32 @p0 $0xFFFFD800;
	s0 =	simm.s32 @!p0 $0x4;
	(pc) =	sbr.rel @p1 .LBB2_1-.Ltmp2, $4  }
0x154: {  	[hbm:s12], [sflag:s9] =	dma.local @!p0 [spmem:s24], $0x2700  }
0x155: {  	_ =	swait.ge @!p0 [sflag:s0], $0x2700  }
0x156: {  	[sflag:s0] =	ssyncset.done @!p0 $0x0  }
0x157: {  	[sflag:s0] =	ssyncadd.s32 @!p0 $0xFFFFD900  }
0x158: {  	_ =	sfence.sel $0x180000  }
0x159: {  	[bflag:$0x0] =	sbarrier.arrive $0xFFFF  }
0x15a: {  	_ =	strace $0x90000047  }
0x15b: {  	s0 =	stileid.u32;
	[bflag:$0x2] =	sbarrier.arrive $0xFFFF  }
0x15c: {  	p0 =	sne.s32 s0, $0x0;
	s0 =	rddreg [dreg:$0x3]  }
0x15d: {  	s0 =	sadd.s32 @!p0 $0x100000, s0  }
0x15e: {  	[sflag:s0] =	ssyncadd.tile.s32 @!p0 $0x1;
	_ =	shalt  }
.Lfunc_end2:
_tile_overlayer_lowered:
.L_overlay_start_2:
0x15f: {  	(tag) =	ssettag $0x2  }
0x160: {  	s0 =	rddreg [dreg:$0x0];
	s2 =	stileid.u32  }
0x161: {  	s1 =	rddreg [dreg:$0x1];
	p0 =	sne.s32 s2, $0x0  }
0x162: {  	s3 =	rddreg [dreg:$0x2];
	[bflag:$0x3] =	sbarrier.arrive $0xFFFF;
	s2 =	simm.s32 @!p0 $0x1C04  }
0x163: {  	[timem:s3], [sflag:s2] =	dma.local @!p0 [hbm:s0], s1  }
0x164: {  	s0 =	simm.s32 @!p0 $0x4  }
0x165: {  	_ =	swait.ge @!p0 [sflag:s0], s1  }
0x166: {  	s1 =	ssub.s32 @!p0 $0x0, s1;
	[sflag:s0] =	ssyncset.done @!p0 $0x0  }
0x167: {  	[sflag:s0] =	ssyncadd.s32 @!p0 s1  }
0x168: {  	[bflag:$0x3] =	sbarrier.arrive $0xFFFF  }
0x169: {  	_ =	shalt  }

</sc_bundles>
